<compile_context>
chip_gen: v7x
topology: tpu7x:2x2x1
jax: 0.10.2.dev20260603
libtpu: 0.0.44.dev20260713+nightly
codegen_flags: <defaults>
</compile_context>

<pallas_src>
import functools

import jax
import jax.numpy as jnp
from jax import lax
from jax.experimental import pallas as pl
from jax.experimental.pallas import tpu as pltpu
from jax.experimental.pallas import tpu_sc as plsc

_CHUNK = 2000


def _zero_f32(ref, n, lanes):
    zeros = jnp.zeros((lanes,), jnp.float32)

    @plsc.parallel_loop(0, n // lanes, unroll=8)
    def _(i):
        ref[pl.ds(i * lanes, lanes)] = zeros


def _make_deg_kernel(n_pad, e_pad, nw, nc, lanes):
    per_tile = e_pad // nw
    n_chunks = per_tile // _CHUNK
    assert n_chunks % 2 == 0
    mesh = plsc.VectorSubcoreMesh(core_axis_name="c", subcore_axis_name="s")

    @functools.partial(
        pl.kernel,
        mesh=mesh,
        compiler_params=pltpu.CompilerParams(needs_layout_passes=False),
        out_type=jax.ShapeDtypeStruct((nw, n_pad), jnp.float32),
        scratch_types=[
            pltpu.VMEM((_CHUNK,), jnp.int32),
            pltpu.VMEM((_CHUNK,), jnp.int32),
            pltpu.VMEM((n_pad,), jnp.float32),
            pltpu.SemaphoreType.DMA,
            pltpu.SemaphoreType.DMA,
        ],
    )
    def deg_kernel(edges_hbm, out_hbm, dst_v0, dst_v1, acc_v, sem0, sem1):
        wid = lax.axis_index("s") * nc + lax.axis_index("c")
        base = wid * per_tile
        sems = (sem0, sem1)
        dst_bufs = (dst_v0, dst_v1)

        def copy(ci, b):
            return pltpu.make_async_copy(
                edges_hbm.at[pl.ds(e_pad + base + ci * _CHUNK, _CHUNK)],
                dst_bufs[b],
                sems[b],
            )

        copy(0, 0).start()
        copy(1, 1).start()
        _zero_f32(acc_v, n_pad, lanes)
        ones = jnp.ones((lanes,), jnp.float32)

        def pair_body(p, _):
            for b in (0, 1):
                ci = 2 * p + b
                copy(ci, b).wait()

                dvb = dst_bufs[b]

                @plsc.parallel_loop(0, _CHUNK // lanes, unroll=8)
                def _(i):
                    d = dvb[pl.ds(i * lanes, lanes)]
                    plsc.addupdate_scatter(acc_v, [d], ones)

                @pl.when(ci + 2 < n_chunks)
                def _():
                    copy(ci + 2, b).start()

            return 0

        lax.fori_loop(0, n_chunks // 2, pair_body, 0)
        pltpu.sync_copy(acc_v, out_hbm.at[wid])

    return deg_kernel


def _make_agg_kernel(n_pad, e_pad, nw, nc, lanes, nf):
    groups = nw // nf
    per_tile = e_pad // groups
    n_chunks = per_tile // _CHUNK
    assert n_chunks % 2 == 0
    mesh = plsc.VectorSubcoreMesh(core_axis_name="c", subcore_axis_name="s")

    @functools.partial(
        pl.kernel,
        mesh=mesh,
        compiler_params=pltpu.CompilerParams(needs_layout_passes=False),
        out_type=jax.ShapeDtypeStruct((groups, nf, n_pad), jnp.float32),
        scratch_types=[
            pltpu.VMEM((_CHUNK,), jnp.int32),
            pltpu.VMEM((_CHUNK,), jnp.int32),
            pltpu.VMEM((_CHUNK,), jnp.int32),
            pltpu.VMEM((_CHUNK,), jnp.int32),
            pltpu.VMEM((n_pad,), jnp.float32),
            pltpu.VMEM((n_pad,), jnp.float32),
            pltpu.SemaphoreType.DMA,
            pltpu.SemaphoreType.DMA,
            pltpu.SemaphoreType.DMA,
        ],
    )
    def agg_kernel(
        edges_hbm, y_hbm, out_hbm,
        src_v0, src_v1, dst_v0, dst_v1, y_v, acc_v, sem0, sem1, ysem,
    ):
        wid = lax.axis_index("s") * nc + lax.axis_index("c")
        f = wid % nf
        g = wid // nf
        base = g * per_tile
        sems = (sem0, sem1)
        src_bufs = (src_v0, src_v1)
        dst_bufs = (dst_v0, dst_v1)

        def copy(ci, b):
            off = base + ci * _CHUNK
            return (
                pltpu.make_async_copy(
                    edges_hbm.at[pl.ds(off, _CHUNK)], src_bufs[b], sems[b]
                ),
                pltpu.make_async_copy(
                    edges_hbm.at[pl.ds(e_pad + off, _CHUNK)], dst_bufs[b], sems[b]
                ),
            )

        def start(ci, b):
            c0, c1 = copy(ci, b)
            c0.start()
            c1.start()

        def wait(ci, b):
            c0, c1 = copy(ci, b)
            c0.wait()
            c1.wait()

        ycopy = pltpu.make_async_copy(y_hbm.at[f], y_v, ysem)
        ycopy.start()
        start(0, 0)
        start(1, 1)
        _zero_f32(acc_v, n_pad, lanes)
        ycopy.wait()

        def pair_body(p, _):
            for b in (0, 1):
                ci = 2 * p + b
                wait(ci, b)

                svb, dvb = src_bufs[b], dst_bufs[b]

                @plsc.parallel_loop(0, _CHUNK // lanes, unroll=8)
                def _(i):
                    s = svb[pl.ds(i * lanes, lanes)]
                    d = dvb[pl.ds(i * lanes, lanes)]
                    v = plsc.load_gather(y_v, [s])
                    plsc.addupdate_scatter(acc_v, [d], v)

                @pl.when(ci + 2 < n_chunks)
                def _():
                    start(ci + 2, b)

            return 0

        lax.fori_loop(0, n_chunks // 2, pair_body, 0)
        pltpu.sync_copy(acc_v, out_hbm.at[g, f])

    return agg_kernel


def _tc0_body(deg_ref, xT_ref, W1T_ref, dinv_ref, z_ref, y_ref):
    deg = jnp.sum(deg_ref[...], axis=0, keepdims=True) + 1.0
    dinv = lax.rsqrt(deg)
    dinv_ref[...] = dinv
    n = z_ref.shape[1]
    z = jnp.dot(W1T_ref[...], xT_ref[...], preferred_element_type=jnp.float32)
    if z.shape[1] != n:
        z = jnp.pad(z, ((0, 0), (0, n - z.shape[1])))
    z_ref[...] = z
    y_ref[...] = z * dinv


def _tc_mid_body(part_ref, z_ref, dinv_ref, b_ref, WT_ref, z2_ref, y2_ref):
    dinv = dinv_ref[...]
    agg = jnp.sum(part_ref[...], axis=0)
    h = jnp.tanh(dinv * agg + dinv * dinv * z_ref[...] + b_ref[...])
    z2 = jnp.dot(WT_ref[...], h, preferred_element_type=jnp.float32)
    z2_ref[...] = z2
    y2_ref[...] = z2 * dinv


def _tc_final_body(part_ref, z_ref, dinv_ref, b_ref, WcT_ref, bc_ref, h_ref, out_ref):
    dinv = dinv_ref[...]
    agg = jnp.sum(part_ref[...], axis=0)
    h = jnp.tanh(dinv * agg + dinv * dinv * z_ref[...] + b_ref[...])
    h_ref[...] = h
    out_ref[...] = (
        jnp.dot(WcT_ref[...], h, preferred_element_type=jnp.float32) + bc_ref[...]
    )


def kernel(x, edge_index, W1, b1, W2, b2, W3, b3, Wc, bc):
    N = x.shape[0]
    E = edge_index.shape[1]
    f1 = W1.shape[1]
    f2 = W2.shape[1]
    f3 = W3.shape[1]

    info = plsc.get_sparse_core_info()
    nc, ns, lanes = info.num_cores, info.num_subcores, info.num_lanes
    nw = nc * ns

    e_quant = nw * _CHUNK * 2
    e_pad = ((E + e_quant - 1) // e_quant) * e_quant
    extra = 0 if e_pad == E else 1
    n_pad = ((N + extra + lanes - 1) // lanes) * lanes

    edges = edge_index.astype(jnp.int32)
    if e_pad != E:
        pad = jnp.full((2, e_pad - E), N, dtype=jnp.int32)
        edges = jnp.concatenate([edges, pad], axis=1)
    edges = edges.reshape(-1)

    deg_kernel = _make_deg_kernel(n_pad, e_pad, nw, nc, lanes)
    deg_part = deg_kernel(edges)

    dinv, z1, y1 = pl.pallas_call(
        _tc0_body,
        out_shape=[
            jax.ShapeDtypeStruct((1, n_pad), jnp.float32),
            jax.ShapeDtypeStruct((f1, n_pad), jnp.float32),
            jax.ShapeDtypeStruct((f1, n_pad), jnp.float32),
        ],
    )(deg_part, x.T, W1.T)

    agg1 = _make_agg_kernel(n_pad, e_pad, nw, nc, lanes, f1)
    part1 = agg1(edges, y1)

    z2, y2 = pl.pallas_call(
        _tc_mid_body,
        out_shape=[
            jax.ShapeDtypeStruct((f2, n_pad), jnp.float32),
            jax.ShapeDtypeStruct((f2, n_pad), jnp.float32),
        ],
    )(part1, z1, dinv, b1.reshape(f1, 1), W2.T)

    agg2 = agg1 if f2 == f1 else _make_agg_kernel(n_pad, e_pad, nw, nc, lanes, f2)
    part2 = agg2(edges, y2)

    z3, y3 = pl.pallas_call(
        _tc_mid_body,
        out_shape=[
            jax.ShapeDtypeStruct((f3, n_pad), jnp.float32),
            jax.ShapeDtypeStruct((f3, n_pad), jnp.float32),
        ],
    )(part2, z2, dinv, b2.reshape(f2, 1), W3.T)

    agg3 = _make_agg_kernel(n_pad, e_pad, nw, nc, lanes, f3)
    part3 = agg3(edges, y3)

    hT, outT = pl.pallas_call(
        _tc_final_body,
        out_shape=[
            jax.ShapeDtypeStruct((f3, n_pad), jnp.float32),
            jax.ShapeDtypeStruct((Wc.shape[1], n_pad), jnp.float32),
        ],
    )(part3, z3, dinv, b3.reshape(f3, 1), Wc.T, bc.reshape(Wc.shape[1], 1))

    out = outT[:, :N].T
    h = hT[:, :N].T
    return (out, h)

# --- scband reference (transcript-rebuilt; emitter-appended) ---
"""Pipeline reference for scband-gcn-65223373357730 (READ-ONLY COPY).

The authoritative reference and input builder live on the scoring server;
editing this copy changes nothing except your own understanding.
"""

import jax, jax.numpy as jnp
import numpy as np


def gcn_conv(x, edge_index, W, b):
    # Faithful PyG GCNConv: add self-loops, symmetric normalization, linear transform, scatter-add aggregation, bias.
    N = x.shape[0]
    src = jnp.concatenate([edge_index[0], jnp.arange(N, dtype=edge_index.dtype)])
    dst = jnp.concatenate([edge_index[1], jnp.arange(N, dtype=edge_index.dtype)])
    xw = x @ W
    deg = jnp.zeros((N,), dtype=x.dtype).at[dst].add(1.0)
    deg_inv_sqrt = jnp.where(deg > 0, jax.lax.rsqrt(jnp.maximum(deg, 1e-12)), 0.0)
    norm = deg_inv_sqrt[src] * deg_inv_sqrt[dst]
    msg = norm[:, None] * jnp.take(xw, src, axis=0)
    out = jnp.zeros((N, xw.shape[1]), dtype=x.dtype).at[dst].add(msg)
    return out + b


def setup_inputs(seed: int = 0) -> dict:
    key = jax.random.key(seed)
    ks = jax.random.split(key, 10)
    N = 50000
    E = 3200000
    x = jax.random.normal(ks[0], (N, 21), dtype=jnp.float32)
    edge_index = jax.random.randint(ks[1], (2, E), 0, N, dtype=jnp.int64)
    W1 = jax.random.normal(ks[2], (21, 4), dtype=jnp.float32) * 0.3
    b1 = jnp.zeros((4,), dtype=jnp.float32)
    W2 = jax.random.normal(ks[3], (4, 4), dtype=jnp.float32) * 0.5
    b2 = jnp.zeros((4,), dtype=jnp.float32)
    W3 = jax.random.normal(ks[4], (4, 2), dtype=jnp.float32) * 0.5
    b3 = jnp.zeros((2,), dtype=jnp.float32)
    Wc = jax.random.normal(ks[5], (2, 1), dtype=jnp.float32) * 0.5
    bc = jnp.zeros((1,), dtype=jnp.float32)
    return {"x": x, "edge_index": edge_index, "W1": W1, "b1": b1, "W2": W2, "b2": b2, "W3": W3, "b3": b3, "Wc": Wc, "bc": bc}


def reference(x, edge_index, W1, b1, W2, b2, W3, b3, Wc, bc):
    h = jnp.tanh(gcn_conv(x, edge_index, W1, b1))
    h = jnp.tanh(gcn_conv(h, edge_index, W2, b2))
    h = jnp.tanh(gcn_conv(h, edge_index, W3, b3))
    out = h @ Wc + bc
    return (out, h)

if __name__ == "__main__":
    import jax
    _d = setup_inputs()
    print(jax.jit(kernel)(*tuple(_d.values())))

</pallas_src>

<mosaic_0001>
#map = affine_map<(d0, d1) -> (0)>
#map1 = affine_map<(d0, d1) -> (0, 0)>
#map2 = affine_map<(d0, d1) -> (0, 0, 0)>
module attributes {stable_mosaic.version = 14 : i64} {
  func.func @agg_kernel(%arg0: i32, %arg1: i32, %arg2: memref<6400000xi32, #tpu.memory_space<hbm>>, %arg3: memref<2x50000xf32, #tpu.memory_space<hbm>>, %arg4: memref<16x2x50000xf32, #tpu.memory_space<hbm>>, %arg5: memref<2000xi32, #tpu.memory_space<vmem>>, %arg6: memref<2000xi32, #tpu.memory_space<vmem>>, %arg7: memref<2000xi32, #tpu.memory_space<vmem>>, %arg8: memref<2000xi32, #tpu.memory_space<vmem>>, %arg9: memref<50000xf32, #tpu.memory_space<vmem>>, %arg10: memref<50000xf32, #tpu.memory_space<vmem>>, %arg11: memref<!tpu.dma_semaphore, #tpu.memory_space<semaphore_mem>>, %arg12: memref<!tpu.dma_semaphore, #tpu.memory_space<semaphore_mem>>, %arg13: memref<!tpu.dma_semaphore, #tpu.memory_space<semaphore_mem>>) attributes {dimension_semantics = [#tpu.dimension_semantics<core_parallel>, #tpu.dimension_semantics<subcore_parallel>], iteration_bounds = array<i64: 2, 16>, scalar_prefetch = 0 : i64, scratch_operands = 9 : i64, tpu.core_type = #tpu.core_type<sc_vector_subcore>, window_params = [{transform_indices = #map}, {transform_indices = #map1}, {transform_indices = #map2}]} {
    %mul3A = arith.constant 2 : i32
    %mul3A_0 = arith.muli %arg1, %mul3A : i32
    %add3A = arith.addi %mul3A_0, %arg0 : i32
    %jit3A = arith.constant 2 : i32
    %eq3A = arith.constant 0 : i32
    %eq3A_1 = arith.cmpi eq, %jit3A, %eq3A : i32
    %jit3A_2 = arith.constant 1 : i32
    %select_n3A = arith.select %eq3A_1, %jit3A_2, %jit3A : i32
    %rem3A = arith.remsi %add3A, %select_n3A : i32
    %ne3A = arith.constant 0 : i32
    %ne3A_3 = arith.cmpi ne, %rem3A, %ne3A : i32
    %lt3A = arith.constant 0 : i32
    %lt3A_4 = arith.cmpi slt, %rem3A, %lt3A : i32
    %lt3A_5 = arith.constant 0 : i32
    %lt3A_6 = arith.cmpi slt, %select_n3A, %lt3A_5 : i32
    %ne3A_7 = arith.xori %lt3A_4, %lt3A_6 : i1
    %and3A = arith.andi %ne3A_7, %ne3A_3 : i1
    %add3A_8 = arith.addi %rem3A, %select_n3A : i32
    %select_n3A_9 = arith.select %and3A, %add3A_8, %rem3A : i32
    %jit3A_10 = arith.constant 2 : i32
    %div3A = arith.divsi %add3A, %jit3A_10 : i32
    %sign3A = arith.constant 0 : i32
    %sign3A_11 = arith.cmpi sgt, %add3A, %sign3A : i32
    %sign3A_12 = arith.extui %sign3A_11 : i1 to i32
    %sign3A_13 = arith.constant 0 : i32
    %sign3A_14 = arith.cmpi slt, %add3A, %sign3A_13 : i32
    %sign3A_15 = arith.extui %sign3A_14 : i1 to i32
    %sign3A_16 = arith.subi %sign3A_12, %sign3A_15 : i32
    %sign3A_17 = arith.constant 0 : i32
    %sign3A_18 = arith.cmpi sgt, %jit3A_10, %sign3A_17 : i32
    %sign3A_19 = arith.extui %sign3A_18 : i1 to i32
    %sign3A_20 = arith.constant 0 : i32
    %sign3A_21 = arith.cmpi slt, %jit3A_10, %sign3A_20 : i32
    %sign3A_22 = arith.extui %sign3A_21 : i1 to i32
    %sign3A_23 = arith.subi %sign3A_19, %sign3A_22 : i32
    %ne3A_24 = arith.cmpi ne, %sign3A_16, %sign3A_23 : i32
    %rem3A_25 = arith.remsi %add3A, %jit3A_10 : i32
    %ne3A_26 = arith.constant 0 : i32
    %ne3A_27 = arith.cmpi ne, %rem3A_25, %ne3A_26 : i32
    %and3A_28 = arith.andi %ne3A_24, %ne3A_27 : i1
    %sub3A = arith.constant 1 : i32
    %sub3A_29 = arith.subi %div3A, %sub3A : i32
    %select_n3A_30 = arith.select %and3A_28, %sub3A_29, %div3A : i32
    %mul3A_31 = arith.constant 200000 : i32
    %mul3A_32 = arith.muli %select_n3A_30, %mul3A_31 : i32
    %dma_start3A = arith.constant 0 : i32
    %dma_start3A_33 = tpu.memref_slice %arg3[%select_n3A_9, %dma_start3A] : memref<2x50000xf32, #tpu.memory_space<hbm>> -> memref<1x50000xf32, #tpu.memory_space<hbm>>
    %dma_start3A_34 = tpu.memref_squeeze %dma_start3A_33 : memref<1x50000xf32, #tpu.memory_space<hbm>> -> memref<50000xf32, #tpu.memory_space<hbm>>
    %dma_start3A_35 = arith.constant 0 : i32
    %dma_start3A_36 = tpu.memref_slice %arg3[%select_n3A_9, %dma_start3A_35] : memref<2x50000xf32, #tpu.memory_space<hbm>> -> memref<1x50000xf32, #tpu.memory_space<hbm>>
    %dma_start3A_37 = tpu.memref_squeeze %dma_start3A_36 : memref<1x50000xf32, #tpu.memory_space<hbm>> -> memref<50000xf32, #tpu.memory_space<hbm>>
    tpu.enqueue_dma source(%dma_start3A_37 : memref<50000xf32, #tpu.memory_space<hbm>>) target(%arg9 : memref<50000xf32, #tpu.memory_space<vmem>>) target_semaphore(%arg13 : memref<!tpu.dma_semaphore, #tpu.memory_space<semaphore_mem>>)
    %add3A_38 = arith.constant 0 : i32
    %add3A_39 = arith.addi %mul3A_32, %add3A_38 : i32
    %add3A_40 = arith.constant 3200000 : i32
    %add3A_41 = arith.addi %add3A_40, %add3A_39 : i32
    %dma_start3A_42 = tpu.memref_slice %arg2[%add3A_39] : memref<6400000xi32, #tpu.memory_space<hbm>> -> memref<2000xi32, #tpu.memory_space<hbm>>
    %dma_start3A_43 = tpu.memref_slice %arg2[%add3A_39] : memref<6400000xi32, #tpu.memory_space<hbm>> -> memref<2000xi32, #tpu.memory_space<hbm>>
    tpu.enqueue_dma source(%dma_start3A_43 : memref<2000xi32, #tpu.memory_space<hbm>>) target(%arg5 : memref<2000xi32, #tpu.memory_space<vmem>>) target_semaphore(%arg11 : memref<!tpu.dma_semaphore, #tpu.memory_space<semaphore_mem>>)
    %dma_start3A_44 = tpu.memref_slice %arg2[%add3A_41] : memref<6400000xi32, #tpu.memory_space<hbm>> -> memref<2000xi32, #tpu.memory_space<hbm>>
    %dma_start3A_45 = tpu.memref_slice %arg2[%add3A_41] : memref<6400000xi32, #tpu.memory_space<hbm>> -> memref<2000xi32, #tpu.memory_space<hbm>>
    tpu.enqueue_dma source(%dma_start3A_45 : memref<2000xi32, #tpu.memory_space<hbm>>) target(%arg7 : memref<2000xi32, #tpu.memory_space<vmem>>) target_semaphore(%arg11 : memref<!tpu.dma_semaphore, #tpu.memory_space<semaphore_mem>>)
    %add3A_46 = arith.constant 2000 : i32
    %add3A_47 = arith.addi %mul3A_32, %add3A_46 : i32
    %add3A_48 = arith.constant 3200000 : i32
    %add3A_49 = arith.addi %add3A_48, %add3A_47 : i32
    %dma_start3A_50 = tpu.memref_slice %arg2[%add3A_47] : memref<6400000xi32, #tpu.memory_space<hbm>> -> memref<2000xi32, #tpu.memory_space<hbm>>
    %dma_start3A_51 = tpu.memref_slice %arg2[%add3A_47] : memref<6400000xi32, #tpu.memory_space<hbm>> -> memref<2000xi32, #tpu.memory_space<hbm>>
    tpu.enqueue_dma source(%dma_start3A_51 : memref<2000xi32, #tpu.memory_space<hbm>>) target(%arg6 : memref<2000xi32, #tpu.memory_space<vmem>>) target_semaphore(%arg12 : memref<!tpu.dma_semaphore, #tpu.memory_space<semaphore_mem>>)
    %dma_start3A_52 = tpu.memref_slice %arg2[%add3A_49] : memref<6400000xi32, #tpu.memory_space<hbm>> -> memref<2000xi32, #tpu.memory_space<hbm>>
    %dma_start3A_53 = tpu.memref_slice %arg2[%add3A_49] : memref<6400000xi32, #tpu.memory_space<hbm>> -> memref<2000xi32, #tpu.memory_space<hbm>>
    tpu.enqueue_dma source(%dma_start3A_53 : memref<2000xi32, #tpu.memory_space<hbm>>) target(%arg8 : memref<2000xi32, #tpu.memory_space<vmem>>) target_semaphore(%arg12 : memref<!tpu.dma_semaphore, #tpu.memory_space<semaphore_mem>>)
    %broadcast_in_dim3A = arith.constant 0.000000e+00 : f32
    %broadcast_in_dim3A_54 = vector.broadcast %broadcast_in_dim3A : f32 to vector<16xf32>
    %parallel_loop3A = arith.constant 0 : i32
    %parallel_loop3A_55 = arith.constant 3125 : i32
    %parallel_loop3A_56 = arith.constant 1 : i32
    scf.for %parallel_loop3A_68 = %parallel_loop3A to %parallel_loop3A_55 step %parallel_loop3A_56  : i32 {
      %parallel_loop3A_69 = arith.constant 16 : i32
      %parallel_loop3A_70 = arith.muli %parallel_loop3A_68, %parallel_loop3A_69 : i32
      %parallel_loop3A_71 = arith.index_cast %parallel_loop3A_70 : i32 to index
      %parallel_loop3A_72 = tpu.vector_load %arg10[%parallel_loop3A_71] {strides = array<i32>} : memref<50000xf32, #tpu.memory_space<vmem>>, vector<16xf32>,
      tpu.vector_store %arg10[%parallel_loop3A_71], %broadcast_in_dim3A_54 {strides = array<i32>} : memref<50000xf32, #tpu.memory_space<vmem>>, vector<16xf32>,
    } {sc.loop_unroll_factor = 8 : i64, sc.parallel_access}
    %dma_wait3A = arith.constant 0 : i32
    %dma_wait3A_57 = tpu.memref_slice %arg3[%select_n3A_9, %dma_wait3A] : memref<2x50000xf32, #tpu.memory_space<hbm>> -> memref<1x50000xf32, #tpu.memory_space<hbm>>
    %dma_wait3A_58 = tpu.memref_squeeze %dma_wait3A_57 : memref<1x50000xf32, #tpu.memory_space<hbm>> -> memref<50000xf32, #tpu.memory_space<hbm>>
    %dma_wait3A_59 = arith.constant 0 : i32
    %dma_wait3A_60 = tpu.memref_slice %arg3[%select_n3A_9, %dma_wait3A_59] : memref<2x50000xf32, #tpu.memory_space<hbm>> -> memref<1x50000xf32, #tpu.memory_space<hbm>>
    %dma_wait3A_61 = tpu.memref_squeeze %dma_wait3A_60 : memref<1x50000xf32, #tpu.memory_space<hbm>> -> memref<50000xf32, #tpu.memory_space<hbm>>
    tpu.wait_dma2 semaphore(%arg13 : memref<!tpu.dma_semaphore, #tpu.memory_space<semaphore_mem>>) src(%dma_wait3A_61 : memref<50000xf32, #tpu.memory_space<hbm>>) dst(%arg9 : memref<50000xf32, #tpu.memory_space<vmem>>)
    %scan3A = arith.constant 0 : i32
    %scan3A_62 = arith.constant 0 : i32
    %scan3A_63 = arith.constant 50 : i32
    %scan3A_64 = arith.addi %scan3A_62, %scan3A_63 : i32
    %scan3A_65 = arith.constant 1 : i32
    %scan3A_66 = scf.for %scan3A_68 = %scan3A_62 to %scan3A_64 step %scan3A_65 iter_args(%scan3A_69 = %scan3A) -> (i32)  : i32 {
      %mul3A_70 = arith.constant 2 : i32
      %mul3A_71 = arith.muli %mul3A_70, %scan3A_68 : i32
      %add3A_72 = arith.constant 0 : i32
      %add3A_73 = arith.addi %mul3A_71, %add3A_72 : i32
      %mul3A_74 = arith.constant 2000 : i32
      %mul3A_75 = arith.muli %add3A_73, %mul3A_74 : i32
      %add3A_76 = arith.addi %mul3A_32, %mul3A_75 : i32
      %add3A_77 = arith.constant 3200000 : i32
      %add3A_78 = arith.addi %add3A_77, %add3A_76 : i32
      %dma_wait3A_79 = tpu.memref_slice %arg2[%add3A_76] : memref<6400000xi32, #tpu.memory_space<hbm>> -> memref<2000xi32, #tpu.memory_space<hbm>>
      %dma_wait3A_80 = tpu.memref_slice %arg2[%add3A_76] : memref<6400000xi32, #tpu.memory_space<hbm>> -> memref<2000xi32, #tpu.memory_space<hbm>>
      tpu.wait_dma2 semaphore(%arg11 : memref<!tpu.dma_semaphore, #tpu.memory_space<semaphore_mem>>) src(%dma_wait3A_80 : memref<2000xi32, #tpu.memory_space<hbm>>) dst(%arg5 : memref<2000xi32, #tpu.memory_space<vmem>>)
      %dma_wait3A_81 = tpu.memref_slice %arg2[%add3A_78] : memref<6400000xi32, #tpu.memory_space<hbm>> -> memref<2000xi32, #tpu.memory_space<hbm>>
      %dma_wait3A_82 = tpu.memref_slice %arg2[%add3A_78] : memref<6400000xi32, #tpu.memory_space<hbm>> -> memref<2000xi32, #tpu.memory_space<hbm>>
      tpu.wait_dma2 semaphore(%arg11 : memref<!tpu.dma_semaphore, #tpu.memory_space<semaphore_mem>>) src(%dma_wait3A_82 : memref<2000xi32, #tpu.memory_space<hbm>>) dst(%arg7 : memref<2000xi32, #tpu.memory_space<vmem>>)
      %parallel_loop3A_83 = arith.constant 0 : i32
      %parallel_loop3A_84 = arith.constant 125 : i32
      %parallel_loop3A_85 = arith.constant 1 : i32
      scf.for %parallel_loop3A_115 = %parallel_loop3A_83 to %parallel_loop3A_84 step %parallel_loop3A_85  : i32 {
        %parallel_loop3A_116 = arith.constant 16 : i32
        %parallel_loop3A_117 = arith.muli %parallel_loop3A_115, %parallel_loop3A_116 : i32
        %parallel_loop3A_118 = arith.index_cast %parallel_loop3A_117 : i32 to index
        %parallel_loop3A_119 = tpu.vector_load %arg5[%parallel_loop3A_118] {strides = array<i32>} : memref<2000xi32, #tpu.memory_space<vmem>>, vector<16xi32>,
        %parallel_loop3A_120 = arith.constant 16 : i32
        %parallel_loop3A_121 = arith.muli %parallel_loop3A_115, %parallel_loop3A_120 : i32
        %parallel_loop3A_122 = arith.index_cast %parallel_loop3A_121 : i32 to index
        %parallel_loop3A_123 = tpu.vector_load %arg7[%parallel_loop3A_122] {strides = array<i32>} : memref<2000xi32, #tpu.memory_space<vmem>>, vector<16xi32>,
        %parallel_loop3A_124 = tpu.vector_load_idx %arg9[%parallel_loop3A_119] : memref<50000xf32, #tpu.memory_space<vmem>>[vector<16xi32>], vector<16xf32>,
        tpu.vector_store_idx %arg10[%parallel_loop3A_123], %parallel_loop3A_124 {add = true} : memref<50000xf32, #tpu.memory_space<vmem>>[vector<16xi32>], vector<16xf32>,
      } {sc.loop_unroll_factor = 8 : i64, sc.parallel_access}
      %add3A_86 = arith.constant 2 : i32
      %add3A_87 = arith.addi %add3A_73, %add3A_86 : i32
      %lt3A_88 = arith.constant 100 : i32
      %lt3A_89 = arith.cmpi slt, %add3A_87, %lt3A_88 : i32
      %convert_element_type3A = arith.extui %lt3A_89 : i1 to i32
      %cond3A = arith.constant 0 : i32
      %cond3A_90 = arith.cmpi ne, %convert_element_type3A, %cond3A : i32
      scf.if %cond3A_90 {
        %add3A_115 = arith.constant 2 : i32
        %add3A_116 = arith.addi %add3A_73, %add3A_115 : i32
        %mul3A_117 = arith.constant 2000 : i32
        %mul3A_118 = arith.muli %add3A_116, %mul3A_117 : i32
        %add3A_119 = arith.addi %mul3A_32, %mul3A_118 : i32
        %add3A_120 = arith.constant 3200000 : i32
        %add3A_121 = arith.addi %add3A_120, %add3A_119 : i32
        %dma_start3A_122 = tpu.memref_slice %arg2[%add3A_119] : memref<6400000xi32, #tpu.memory_space<hbm>> -> memref<2000xi32, #tpu.memory_space<hbm>>
        %dma_start3A_123 = tpu.memref_slice %arg2[%add3A_119] : memref<6400000xi32, #tpu.memory_space<hbm>> -> memref<2000xi32, #tpu.memory_space<hbm>>
        tpu.enqueue_dma source(%dma_start3A_123 : memref<2000xi32, #tpu.memory_space<hbm>>) target(%arg5 : memref<2000xi32, #tpu.memory_space<vmem>>) target_semaphore(%arg11 : memref<!tpu.dma_semaphore, #tpu.memory_space<semaphore_mem>>)
        %dma_start3A_124 = tpu.memref_slice %arg2[%add3A_121] : memref<6400000xi32, #tpu.memory_space<hbm>> -> memref<2000xi32, #tpu.memory_space<hbm>>
        %dma_start3A_125 = tpu.memref_slice %arg2[%add3A_121] : memref<6400000xi32, #tpu.memory_space<hbm>> -> memref<2000xi32, #tpu.memory_space<hbm>>
        tpu.enqueue_dma source(%dma_start3A_125 : memref<2000xi32, #tpu.memory_space<hbm>>) target(%arg7 : memref<2000xi32, #tpu.memory_space<vmem>>) target_semaphore(%arg11 : memref<!tpu.dma_semaphore, #tpu.memory_space<semaphore_mem>>)
      } else {
      }
      %mul3A_91 = arith.constant 2 : i32
      %mul3A_92 = arith.muli %mul3A_91, %scan3A_68 : i32
      %add3A_93 = arith.constant 1 : i32
      %add3A_94 = arith.addi %mul3A_92, %add3A_93 : i32
      %mul3A_95 = arith.constant 2000 : i32
      %mul3A_96 = arith.muli %add3A_94, %mul3A_95 : i32
      %add3A_97 = arith.addi %mul3A_32, %mul3A_96 : i32
      %add3A_98 = arith.constant 3200000 : i32
      %add3A_99 = arith.addi %add3A_98, %add3A_97 : i32
      %dma_wait3A_100 = tpu.memref_slice %arg2[%add3A_97] : memref<6400000xi32, #tpu.memory_space<hbm>> -> memref<2000xi32, #tpu.memory_space<hbm>>
      %dma_wait3A_101 = tpu.memref_slice %arg2[%add3A_97] : memref<6400000xi32, #tpu.memory_space<hbm>> -> memref<2000xi32, #tpu.memory_space<hbm>>
      tpu.wait_dma2 semaphore(%arg12 : memref<!tpu.dma_semaphore, #tpu.memory_space<semaphore_mem>>) src(%dma_wait3A_101 : memref<2000xi32, #tpu.memory_space<hbm>>) dst(%arg6 : memref<2000xi32, #tpu.memory_space<vmem>>)
      %dma_wait3A_102 = tpu.memref_slice %arg2[%add3A_99] : memref<6400000xi32, #tpu.memory_space<hbm>> -> memref<2000xi32, #tpu.memory_space<hbm>>
      %dma_wait3A_103 = tpu.memref_slice %arg2[%add3A_99] : memref<6400000xi32, #tpu.memory_space<hbm>> -> memref<2000xi32, #tpu.memory_space<hbm>>
      tpu.wait_dma2 semaphore(%arg12 : memref<!tpu.dma_semaphore, #tpu.memory_space<semaphore_mem>>) src(%dma_wait3A_103 : memref<2000xi32, #tpu.memory_space<hbm>>) dst(%arg8 : memref<2000xi32, #tpu.memory_space<vmem>>)
      %parallel_loop3A_104 = arith.constant 0 : i32
      %parallel_loop3A_105 = arith.constant 125 : i32
      %parallel_loop3A_106 = arith.constant 1 : i32
      scf.for %parallel_loop3A_115 = %parallel_loop3A_104 to %parallel_loop3A_105 step %parallel_loop3A_106  : i32 {
        %parallel_loop3A_116 = arith.constant 16 : i32
        %parallel_loop3A_117 = arith.muli %parallel_loop3A_115, %parallel_loop3A_116 : i32
        %parallel_loop3A_118 = arith.index_cast %parallel_loop3A_117 : i32 to index
        %parallel_loop3A_119 = tpu.vector_load %arg6[%parallel_loop3A_118] {strides = array<i32>} : memref<2000xi32, #tpu.memory_space<vmem>>, vector<16xi32>,
        %parallel_loop3A_120 = arith.constant 16 : i32
        %parallel_loop3A_121 = arith.muli %parallel_loop3A_115, %parallel_loop3A_120 : i32
        %parallel_loop3A_122 = arith.index_cast %parallel_loop3A_121 : i32 to index
        %parallel_loop3A_123 = tpu.vector_load %arg8[%parallel_loop3A_122] {strides = array<i32>} : memref<2000xi32, #tpu.memory_space<vmem>>, vector<16xi32>,
        %parallel_loop3A_124 = tpu.vector_load_idx %arg9[%parallel_loop3A_119] : memref<50000xf32, #tpu.memory_space<vmem>>[vector<16xi32>], vector<16xf32>,
        tpu.vector_store_idx %arg10[%parallel_loop3A_123], %parallel_loop3A_124 {add = true} : memref<50000xf32, #tpu.memory_space<vmem>>[vector<16xi32>], vector<16xf32>,
      } {sc.loop_unroll_factor = 8 : i64, sc.parallel_access}
      %add3A_107 = arith.constant 2 : i32
      %add3A_108 = arith.addi %add3A_94, %add3A_107 : i32
      %lt3A_109 = arith.constant 100 : i32
      %lt3A_110 = arith.cmpi slt, %add3A_108, %lt3A_109 : i32
      %convert_element_type3A_111 = arith.extui %lt3A_110 : i1 to i32
      %cond3A_112 = arith.constant 0 : i32
      %cond3A_113 = arith.cmpi ne, %convert_element_type3A_111, %cond3A_112 : i32
      scf.if %cond3A_113 {
        %add3A_115 = arith.constant 2 : i32
        %add3A_116 = arith.addi %add3A_94, %add3A_115 : i32
        %mul3A_117 = arith.constant 2000 : i32
        %mul3A_118 = arith.muli %add3A_116, %mul3A_117 : i32
        %add3A_119 = arith.addi %mul3A_32, %mul3A_118 : i32
        %add3A_120 = arith.constant 3200000 : i32
        %add3A_121 = arith.addi %add3A_120, %add3A_119 : i32
        %dma_start3A_122 = tpu.memref_slice %arg2[%add3A_119] : memref<6400000xi32, #tpu.memory_space<hbm>> -> memref<2000xi32, #tpu.memory_space<hbm>>
        %dma_start3A_123 = tpu.memref_slice %arg2[%add3A_119] : memref<6400000xi32, #tpu.memory_space<hbm>> -> memref<2000xi32, #tpu.memory_space<hbm>>
        tpu.enqueue_dma source(%dma_start3A_123 : memref<2000xi32, #tpu.memory_space<hbm>>) target(%arg6 : memref<2000xi32, #tpu.memory_space<vmem>>) target_semaphore(%arg12 : memref<!tpu.dma_semaphore, #tpu.memory_space<semaphore_mem>>)
        %dma_start3A_124 = tpu.memref_slice %arg2[%add3A_121] : memref<6400000xi32, #tpu.memory_space<hbm>> -> memref<2000xi32, #tpu.memory_space<hbm>>
        %dma_start3A_125 = tpu.memref_slice %arg2[%add3A_121] : memref<6400000xi32, #tpu.memory_space<hbm>> -> memref<2000xi32, #tpu.memory_space<hbm>>
        tpu.enqueue_dma source(%dma_start3A_125 : memref<2000xi32, #tpu.memory_space<hbm>>) target(%arg8 : memref<2000xi32, #tpu.memory_space<vmem>>) target_semaphore(%arg12 : memref<!tpu.dma_semaphore, #tpu.memory_space<semaphore_mem>>)
      } else {
      }
      %scan3A_114 = arith.constant 0 : i32
      scf.yield %scan3A_114 : i32
    }
    %scan3A_67 = arith.constant 50 : i32
    "tpu.region"() ({
      %run_scoped3A = tpu.sem_alloc : memref<!tpu.dma_semaphore, #tpu.memory_space<semaphore_mem>>
      %dma_start3A_68 = arith.constant 0 : i32
      %dma_start3A_69 = tpu.memref_slice %arg4[%select_n3A_30, %select_n3A_9, %dma_start3A_68] : memref<16x2x50000xf32, #tpu.memory_space<hbm>> -> memref<1x1x50000xf32, #tpu.memory_space<hbm>>
      %dma_start3A_70 = tpu.memref_squeeze %dma_start3A_69 : memref<1x1x50000xf32, #tpu.memory_space<hbm>> -> memref<50000xf32, #tpu.memory_space<hbm>>
      %dma_start3A_71 = arith.constant 0 : i32
      %dma_start3A_72 = tpu.memref_slice %arg4[%select_n3A_30, %select_n3A_9, %dma_start3A_71] : memref<16x2x50000xf32, #tpu.memory_space<hbm>> -> memref<1x1x50000xf32, #tpu.memory_space<hbm>>
      %dma_start3A_73 = tpu.memref_squeeze %dma_start3A_72 : memref<1x1x50000xf32, #tpu.memory_space<hbm>> -> memref<50000xf32, #tpu.memory_space<hbm>>
      tpu.enqueue_dma source(%arg10 : memref<50000xf32, #tpu.memory_space<vmem>>) target(%dma_start3A_73 : memref<50000xf32, #tpu.memory_space<hbm>>) target_semaphore(%run_scoped3A : memref<!tpu.dma_semaphore, #tpu.memory_space<semaphore_mem>>)
      %dma_wait3A_74 = arith.constant 0 : i32
      %dma_wait3A_75 = tpu.memref_slice %arg4[%select_n3A_30, %select_n3A_9, %dma_wait3A_74] : memref<16x2x50000xf32, #tpu.memory_space<hbm>> -> memref<1x1x50000xf32, #tpu.memory_space<hbm>>
      %dma_wait3A_76 = tpu.memref_squeeze %dma_wait3A_75 : memref<1x1x50000xf32, #tpu.memory_space<hbm>> -> memref<50000xf32, #tpu.memory_space<hbm>>
      %dma_wait3A_77 = arith.constant 0 : i32
      %dma_wait3A_78 = tpu.memref_slice %arg4[%select_n3A_30, %select_n3A_9, %dma_wait3A_77] : memref<16x2x50000xf32, #tpu.memory_space<hbm>> -> memref<1x1x50000xf32, #tpu.memory_space<hbm>>
      %dma_wait3A_79 = tpu.memref_squeeze %dma_wait3A_78 : memref<1x1x50000xf32, #tpu.memory_space<hbm>> -> memref<50000xf32, #tpu.memory_space<hbm>>
      tpu.wait_dma2 semaphore(%run_scoped3A : memref<!tpu.dma_semaphore, #tpu.memory_space<semaphore_mem>>) src(%arg10 : memref<50000xf32, #tpu.memory_space<vmem>>) dst(%dma_wait3A_79 : memref<50000xf32, #tpu.memory_space<hbm>>)
      tpu.yield
    }) : () -> ()
    return
  }
}

#map = affine_map<(d0, d1) -> (0)>
#map1 = affine_map<(d0, d1) -> (0, 0)>
#map2 = affine_map<(d0, d1) -> (0, 0, 0)>
module attributes {stable_mosaic.version = 14 : i64} {
  func.func @agg_kernel(%arg0: i32, %arg1: i32, %arg2: memref<6400000xi32, #tpu.memory_space<hbm>>, %arg3: memref<4x50000xf32, #tpu.memory_space<hbm>>, %arg4: memref<8x4x50000xf32, #tpu.memory_space<hbm>>, %arg5: memref<2000xi32, #tpu.memory_space<vmem>>, %arg6: memref<2000xi32, #tpu.memory_space<vmem>>, %arg7: memref<2000xi32, #tpu.memory_space<vmem>>, %arg8: memref<2000xi32, #tpu.memory_space<vmem>>, %arg9: memref<50000xf32, #tpu.memory_space<vmem>>, %arg10: memref<50000xf32, #tpu.memory_space<vmem>>, %arg11: memref<!tpu.dma_semaphore, #tpu.memory_space<semaphore_mem>>, %arg12: memref<!tpu.dma_semaphore, #tpu.memory_space<semaphore_mem>>, %arg13: memref<!tpu.dma_semaphore, #tpu.memory_space<semaphore_mem>>) attributes {dimension_semantics = [#tpu.dimension_semantics<core_parallel>, #tpu.dimension_semantics<subcore_parallel>], iteration_bounds = array<i64: 2, 16>, scalar_prefetch = 0 : i64, scratch_operands = 9 : i64, tpu.core_type = #tpu.core_type<sc_vector_subcore>, window_params = [{transform_indices = #map}, {transform_indices = #map1}, {transform_indices = #map2}]} {
    %mul3A = arith.constant 2 : i32
    %mul3A_0 = arith.muli %arg1, %mul3A : i32
    %add3A = arith.addi %mul3A_0, %arg0 : i32
    %jit3A = arith.constant 4 : i32
    %eq3A = arith.constant 0 : i32
    %eq3A_1 = arith.cmpi eq, %jit3A, %eq3A : i32
    %jit3A_2 = arith.constant 1 : i32
    %select_n3A = arith.select %eq3A_1, %jit3A_2, %jit3A : i32
    %rem3A = arith.remsi %add3A, %select_n3A : i32
    %ne3A = arith.constant 0 : i32
    %ne3A_3 = arith.cmpi ne, %rem3A, %ne3A : i32
    %lt3A = arith.constant 0 : i32
    %lt3A_4 = arith.cmpi slt, %rem3A, %lt3A : i32
    %lt3A_5 = arith.constant 0 : i32
    %lt3A_6 = arith.cmpi slt, %select_n3A, %lt3A_5 : i32
    %ne3A_7 = arith.xori %lt3A_4, %lt3A_6 : i1
    %and3A = arith.andi %ne3A_7, %ne3A_3 : i1
    %add3A_8 = arith.addi %rem3A, %select_n3A : i32
    %select_n3A_9 = arith.select %and3A, %add3A_8, %rem3A : i32
    %jit3A_10 = arith.constant 4 : i32
    %div3A = arith.divsi %add3A, %jit3A_10 : i32
    %sign3A = arith.constant 0 : i32
    %sign3A_11 = arith.cmpi sgt, %add3A, %sign3A : i32
    %sign3A_12 = arith.extui %sign3A_11 : i1 to i32
    %sign3A_13 = arith.constant 0 : i32
    %sign3A_14 = arith.cmpi slt, %add3A, %sign3A_13 : i32
    %sign3A_15 = arith.extui %sign3A_14 : i1 to i32
    %sign3A_16 = arith.subi %sign3A_12, %sign3A_15 : i32
    %sign3A_17 = arith.constant 0 : i32
    %sign3A_18 = arith.cmpi sgt, %jit3A_10, %sign3A_17 : i32
    %sign3A_19 = arith.extui %sign3A_18 : i1 to i32
    %sign3A_20 = arith.constant 0 : i32
    %sign3A_21 = arith.cmpi slt, %jit3A_10, %sign3A_20 : i32
    %sign3A_22 = arith.extui %sign3A_21 : i1 to i32
    %sign3A_23 = arith.subi %sign3A_19, %sign3A_22 : i32
    %ne3A_24 = arith.cmpi ne, %sign3A_16, %sign3A_23 : i32
    %rem3A_25 = arith.remsi %add3A, %jit3A_10 : i32
    %ne3A_26 = arith.constant 0 : i32
    %ne3A_27 = arith.cmpi ne, %rem3A_25, %ne3A_26 : i32
    %and3A_28 = arith.andi %ne3A_24, %ne3A_27 : i1
    %sub3A = arith.constant 1 : i32
    %sub3A_29 = arith.subi %div3A, %sub3A : i32
    %select_n3A_30 = arith.select %and3A_28, %sub3A_29, %div3A : i32
    %mul3A_31 = arith.constant 400000 : i32
    %mul3A_32 = arith.muli %select_n3A_30, %mul3A_31 : i32
    %dma_start3A = arith.constant 0 : i32
    %dma_start3A_33 = tpu.memref_slice %arg3[%select_n3A_9, %dma_start3A] : memref<4x50000xf32, #tpu.memory_space<hbm>> -> memref<1x50000xf32, #tpu.memory_space<hbm>>
    %dma_start3A_34 = tpu.memref_squeeze %dma_start3A_33 : memref<1x50000xf32, #tpu.memory_space<hbm>> -> memref<50000xf32, #tpu.memory_space<hbm>>
    %dma_start3A_35 = arith.constant 0 : i32
    %dma_start3A_36 = tpu.memref_slice %arg3[%select_n3A_9, %dma_start3A_35] : memref<4x50000xf32, #tpu.memory_space<hbm>> -> memref<1x50000xf32, #tpu.memory_space<hbm>>
    %dma_start3A_37 = tpu.memref_squeeze %dma_start3A_36 : memref<1x50000xf32, #tpu.memory_space<hbm>> -> memref<50000xf32, #tpu.memory_space<hbm>>
    tpu.enqueue_dma source(%dma_start3A_37 : memref<50000xf32, #tpu.memory_space<hbm>>) target(%arg9 : memref<50000xf32, #tpu.memory_space<vmem>>) target_semaphore(%arg13 : memref<!tpu.dma_semaphore, #tpu.memory_space<semaphore_mem>>)
    %add3A_38 = arith.constant 0 : i32
    %add3A_39 = arith.addi %mul3A_32, %add3A_38 : i32
    %add3A_40 = arith.constant 3200000 : i32
    %add3A_41 = arith.addi %add3A_40, %add3A_39 : i32
    %dma_start3A_42 = tpu.memref_slice %arg2[%add3A_39] : memref<6400000xi32, #tpu.memory_space<hbm>> -> memref<2000xi32, #tpu.memory_space<hbm>>
    %dma_start3A_43 = tpu.memref_slice %arg2[%add3A_39] : memref<6400000xi32, #tpu.memory_space<hbm>> -> memref<2000xi32, #tpu.memory_space<hbm>>
    tpu.enqueue_dma source(%dma_start3A_43 : memref<2000xi32, #tpu.memory_space<hbm>>) target(%arg5 : memref<2000xi32, #tpu.memory_space<vmem>>) target_semaphore(%arg11 : memref<!tpu.dma_semaphore, #tpu.memory_space<semaphore_mem>>)
    %dma_start3A_44 = tpu.memref_slice %arg2[%add3A_41] : memref<6400000xi32, #tpu.memory_space<hbm>> -> memref<2000xi32, #tpu.memory_space<hbm>>
    %dma_start3A_45 = tpu.memref_slice %arg2[%add3A_41] : memref<6400000xi32, #tpu.memory_space<hbm>> -> memref<2000xi32, #tpu.memory_space<hbm>>
    tpu.enqueue_dma source(%dma_start3A_45 : memref<2000xi32, #tpu.memory_space<hbm>>) target(%arg7 : memref<2000xi32, #tpu.memory_space<vmem>>) target_semaphore(%arg11 : memref<!tpu.dma_semaphore, #tpu.memory_space<semaphore_mem>>)
    %add3A_46 = arith.constant 2000 : i32
    %add3A_47 = arith.addi %mul3A_32, %add3A_46 : i32
    %add3A_48 = arith.constant 3200000 : i32
    %add3A_49 = arith.addi %add3A_48, %add3A_47 : i32
    %dma_start3A_50 = tpu.memref_slice %arg2[%add3A_47] : memref<6400000xi32, #tpu.memory_space<hbm>> -> memref<2000xi32, #tpu.memory_space<hbm>>
    %dma_start3A_51 = tpu.memref_slice %arg2[%add3A_47] : memref<6400000xi32, #tpu.memory_space<hbm>> -> memref<2000xi32, #tpu.memory_space<hbm>>
    tpu.enqueue_dma source(%dma_start3A_51 : memref<2000xi32, #tpu.memory_space<hbm>>) target(%arg6 : memref<2000xi32, #tpu.memory_space<vmem>>) target_semaphore(%arg12 : memref<!tpu.dma_semaphore, #tpu.memory_space<semaphore_mem>>)
    %dma_start3A_52 = tpu.memref_slice %arg2[%add3A_49] : memref<6400000xi32, #tpu.memory_space<hbm>> -> memref<2000xi32, #tpu.memory_space<hbm>>
    %dma_start3A_53 = tpu.memref_slice %arg2[%add3A_49] : memref<6400000xi32, #tpu.memory_space<hbm>> -> memref<2000xi32, #tpu.memory_space<hbm>>
    tpu.enqueue_dma source(%dma_start3A_53 : memref<2000xi32, #tpu.memory_space<hbm>>) target(%arg8 : memref<2000xi32, #tpu.memory_space<vmem>>) target_semaphore(%arg12 : memref<!tpu.dma_semaphore, #tpu.memory_space<semaphore_mem>>)
    %broadcast_in_dim3A = arith.constant 0.000000e+00 : f32
    %broadcast_in_dim3A_54 = vector.broadcast %broadcast_in_dim3A : f32 to vector<16xf32>
    %parallel_loop3A = arith.constant 0 : i32
    %parallel_loop3A_55 = arith.constant 3125 : i32
    %parallel_loop3A_56 = arith.constant 1 : i32
    scf.for %parallel_loop3A_68 = %parallel_loop3A to %parallel_loop3A_55 step %parallel_loop3A_56  : i32 {
      %parallel_loop3A_69 = arith.constant 16 : i32
      %parallel_loop3A_70 = arith.muli %parallel_loop3A_68, %parallel_loop3A_69 : i32
      %parallel_loop3A_71 = arith.index_cast %parallel_loop3A_70 : i32 to index
      %parallel_loop3A_72 = tpu.vector_load %arg10[%parallel_loop3A_71] {strides = array<i32>} : memref<50000xf32, #tpu.memory_space<vmem>>, vector<16xf32>,
      tpu.vector_store %arg10[%parallel_loop3A_71], %broadcast_in_dim3A_54 {strides = array<i32>} : memref<50000xf32, #tpu.memory_space<vmem>>, vector<16xf32>,
    } {sc.loop_unroll_factor = 8 : i64, sc.parallel_access}
    %dma_wait3A = arith.constant 0 : i32
    %dma_wait3A_57 = tpu.memref_slice %arg3[%select_n3A_9, %dma_wait3A] : memref<4x50000xf32, #tpu.memory_space<hbm>> -> memref<1x50000xf32, #tpu.memory_space<hbm>>
    %dma_wait3A_58 = tpu.memref_squeeze %dma_wait3A_57 : memref<1x50000xf32, #tpu.memory_space<hbm>> -> memref<50000xf32, #tpu.memory_space<hbm>>
    %dma_wait3A_59 = arith.constant 0 : i32
    %dma_wait3A_60 = tpu.memref_slice %arg3[%select_n3A_9, %dma_wait3A_59] : memref<4x50000xf32, #tpu.memory_space<hbm>> -> memref<1x50000xf32, #tpu.memory_space<hbm>>
    %dma_wait3A_61 = tpu.memref_squeeze %dma_wait3A_60 : memref<1x50000xf32, #tpu.memory_space<hbm>> -> memref<50000xf32, #tpu.memory_space<hbm>>
    tpu.wait_dma2 semaphore(%arg13 : memref<!tpu.dma_semaphore, #tpu.memory_space<semaphore_mem>>) src(%dma_wait3A_61 : memref<50000xf32, #tpu.memory_space<hbm>>) dst(%arg9 : memref<50000xf32, #tpu.memory_space<vmem>>)
    %scan3A = arith.constant 0 : i32
    %scan3A_62 = arith.constant 0 : i32
    %scan3A_63 = arith.constant 100 : i32
    %scan3A_64 = arith.addi %scan3A_62, %scan3A_63 : i32
    %scan3A_65 = arith.constant 1 : i32
    %scan3A_66 = scf.for %scan3A_68 = %scan3A_62 to %scan3A_64 step %scan3A_65 iter_args(%scan3A_69 = %scan3A) -> (i32)  : i32 {
      %mul3A_70 = arith.constant 2 : i32
      %mul3A_71 = arith.muli %mul3A_70, %scan3A_68 : i32
      %add3A_72 = arith.constant 0 : i32
      %add3A_73 = arith.addi %mul3A_71, %add3A_72 : i32
      %mul3A_74 = arith.constant 2000 : i32
      %mul3A_75 = arith.muli %add3A_73, %mul3A_74 : i32
      %add3A_76 = arith.addi %mul3A_32, %mul3A_75 : i32
      %add3A_77 = arith.constant 3200000 : i32
      %add3A_78 = arith.addi %add3A_77, %add3A_76 : i32
      %dma_wait3A_79 = tpu.memref_slice %arg2[%add3A_76] : memref<6400000xi32, #tpu.memory_space<hbm>> -> memref<2000xi32, #tpu.memory_space<hbm>>
      %dma_wait3A_80 = tpu.memref_slice %arg2[%add3A_76] : memref<6400000xi32, #tpu.memory_space<hbm>> -> memref<2000xi32, #tpu.memory_space<hbm>>
      tpu.wait_dma2 semaphore(%arg11 : memref<!tpu.dma_semaphore, #tpu.memory_space<semaphore_mem>>) src(%dma_wait3A_80 : memref<2000xi32, #tpu.memory_space<hbm>>) dst(%arg5 : memref<2000xi32, #tpu.memory_space<vmem>>)
      %dma_wait3A_81 = tpu.memref_slice %arg2[%add3A_78] : memref<6400000xi32, #tpu.memory_space<hbm>> -> memref<2000xi32, #tpu.memory_space<hbm>>
      %dma_wait3A_82 = tpu.memref_slice %arg2[%add3A_78] : memref<6400000xi32, #tpu.memory_space<hbm>> -> memref<2000xi32, #tpu.memory_space<hbm>>
      tpu.wait_dma2 semaphore(%arg11 : memref<!tpu.dma_semaphore, #tpu.memory_space<semaphore_mem>>) src(%dma_wait3A_82 : memref<2000xi32, #tpu.memory_space<hbm>>) dst(%arg7 : memref<2000xi32, #tpu.memory_space<vmem>>)
      %parallel_loop3A_83 = arith.constant 0 : i32
      %parallel_loop3A_84 = arith.constant 125 : i32
      %parallel_loop3A_85 = arith.constant 1 : i32
      scf.for %parallel_loop3A_115 = %parallel_loop3A_83 to %parallel_loop3A_84 step %parallel_loop3A_85  : i32 {
        %parallel_loop3A_116 = arith.constant 16 : i32
        %parallel_loop3A_117 = arith.muli %parallel_loop3A_115, %parallel_loop3A_116 : i32
        %parallel_loop3A_118 = arith.index_cast %parallel_loop3A_117 : i32 to index
        %parallel_loop3A_119 = tpu.vector_load %arg5[%parallel_loop3A_118] {strides = array<i32>} : memref<2000xi32, #tpu.memory_space<vmem>>, vector<16xi32>,
        %parallel_loop3A_120 = arith.constant 16 : i32
        %parallel_loop3A_121 = arith.muli %parallel_loop3A_115, %parallel_loop3A_120 : i32
        %parallel_loop3A_122 = arith.index_cast %parallel_loop3A_121 : i32 to index
        %parallel_loop3A_123 = tpu.vector_load %arg7[%parallel_loop3A_122] {strides = array<i32>} : memref<2000xi32, #tpu.memory_space<vmem>>, vector<16xi32>,
        %parallel_loop3A_124 = tpu.vector_load_idx %arg9[%parallel_loop3A_119] : memref<50000xf32, #tpu.memory_space<vmem>>[vector<16xi32>], vector<16xf32>,
        tpu.vector_store_idx %arg10[%parallel_loop3A_123], %parallel_loop3A_124 {add = true} : memref<50000xf32, #tpu.memory_space<vmem>>[vector<16xi32>], vector<16xf32>,
      } {sc.loop_unroll_factor = 8 : i64, sc.parallel_access}
      %add3A_86 = arith.constant 2 : i32
      %add3A_87 = arith.addi %add3A_73, %add3A_86 : i32
      %lt3A_88 = arith.constant 200 : i32
      %lt3A_89 = arith.cmpi slt, %add3A_87, %lt3A_88 : i32
      %convert_element_type3A = arith.extui %lt3A_89 : i1 to i32
      %cond3A = arith.constant 0 : i32
      %cond3A_90 = arith.cmpi ne, %convert_element_type3A, %cond3A : i32
      scf.if %cond3A_90 {
        %add3A_115 = arith.constant 2 : i32
        %add3A_116 = arith.addi %add3A_73, %add3A_115 : i32
        %mul3A_117 = arith.constant 2000 : i32
        %mul3A_118 = arith.muli %add3A_116, %mul3A_117 : i32
        %add3A_119 = arith.addi %mul3A_32, %mul3A_118 : i32
        %add3A_120 = arith.constant 3200000 : i32
        %add3A_121 = arith.addi %add3A_120, %add3A_119 : i32
        %dma_start3A_122 = tpu.memref_slice %arg2[%add3A_119] : memref<6400000xi32, #tpu.memory_space<hbm>> -> memref<2000xi32, #tpu.memory_space<hbm>>
        %dma_start3A_123 = tpu.memref_slice %arg2[%add3A_119] : memref<6400000xi32, #tpu.memory_space<hbm>> -> memref<2000xi32, #tpu.memory_space<hbm>>
        tpu.enqueue_dma source(%dma_start3A_123 : memref<2000xi32, #tpu.memory_space<hbm>>) target(%arg5 : memref<2000xi32, #tpu.memory_space<vmem>>) target_semaphore(%arg11 : memref<!tpu.dma_semaphore, #tpu.memory_space<semaphore_mem>>)
        %dma_start3A_124 = tpu.memref_slice %arg2[%add3A_121] : memref<6400000xi32, #tpu.memory_space<hbm>> -> memref<2000xi32, #tpu.memory_space<hbm>>
        %dma_start3A_125 = tpu.memref_slice %arg2[%add3A_121] : memref<6400000xi32, #tpu.memory_space<hbm>> -> memref<2000xi32, #tpu.memory_space<hbm>>
        tpu.enqueue_dma source(%dma_start3A_125 : memref<2000xi32, #tpu.memory_space<hbm>>) target(%arg7 : memref<2000xi32, #tpu.memory_space<vmem>>) target_semaphore(%arg11 : memref<!tpu.dma_semaphore, #tpu.memory_space<semaphore_mem>>)
      } else {
      }
      %mul3A_91 = arith.constant 2 : i32
      %mul3A_92 = arith.muli %mul3A_91, %scan3A_68 : i32
      %add3A_93 = arith.constant 1 : i32
      %add3A_94 = arith.addi %mul3A_92, %add3A_93 : i32
      %mul3A_95 = arith.constant 2000 : i32
      %mul3A_96 = arith.muli %add3A_94, %mul3A_95 : i32
      %add3A_97 = arith.addi %mul3A_32, %mul3A_96 : i32
      %add3A_98 = arith.constant 3200000 : i32
      %add3A_99 = arith.addi %add3A_98, %add3A_97 : i32
      %dma_wait3A_100 = tpu.memref_slice %arg2[%add3A_97] : memref<6400000xi32, #tpu.memory_space<hbm>> -> memref<2000xi32, #tpu.memory_space<hbm>>
      %dma_wait3A_101 = tpu.memref_slice %arg2[%add3A_97] : memref<6400000xi32, #tpu.memory_space<hbm>> -> memref<2000xi32, #tpu.memory_space<hbm>>
      tpu.wait_dma2 semaphore(%arg12 : memref<!tpu.dma_semaphore, #tpu.memory_space<semaphore_mem>>) src(%dma_wait3A_101 : memref<2000xi32, #tpu.memory_space<hbm>>) dst(%arg6 : memref<2000xi32, #tpu.memory_space<vmem>>)
      %dma_wait3A_102 = tpu.memref_slice %arg2[%add3A_99] : memref<6400000xi32, #tpu.memory_space<hbm>> -> memref<2000xi32, #tpu.memory_space<hbm>>
      %dma_wait3A_103 = tpu.memref_slice %arg2[%add3A_99] : memref<6400000xi32, #tpu.memory_space<hbm>> -> memref<2000xi32, #tpu.memory_space<hbm>>
      tpu.wait_dma2 semaphore(%arg12 : memref<!tpu.dma_semaphore, #tpu.memory_space<semaphore_mem>>) src(%dma_wait3A_103 : memref<2000xi32, #tpu.memory_space<hbm>>) dst(%arg8 : memref<2000xi32, #tpu.memory_space<vmem>>)
      %parallel_loop3A_104 = arith.constant 0 : i32
      %parallel_loop3A_105 = arith.constant 125 : i32
      %parallel_loop3A_106 = arith.constant 1 : i32
      scf.for %parallel_loop3A_115 = %parallel_loop3A_104 to %parallel_loop3A_105 step %parallel_loop3A_106  : i32 {
        %parallel_loop3A_116 = arith.constant 16 : i32
        %parallel_loop3A_117 = arith.muli %parallel_loop3A_115, %parallel_loop3A_116 : i32
        %parallel_loop3A_118 = arith.index_cast %parallel_loop3A_117 : i32 to index
        %parallel_loop3A_119 = tpu.vector_load %arg6[%parallel_loop3A_118] {strides = array<i32>} : memref<2000xi32, #tpu.memory_space<vmem>>, vector<16xi32>,
        %parallel_loop3A_120 = arith.constant 16 : i32
        %parallel_loop3A_121 = arith.muli %parallel_loop3A_115, %parallel_loop3A_120 : i32
        %parallel_loop3A_122 = arith.index_cast %parallel_loop3A_121 : i32 to index
        %parallel_loop3A_123 = tpu.vector_load %arg8[%parallel_loop3A_122] {strides = array<i32>} : memref<2000xi32, #tpu.memory_space<vmem>>, vector<16xi32>,
        %parallel_loop3A_124 = tpu.vector_load_idx %arg9[%parallel_loop3A_119] : memref<50000xf32, #tpu.memory_space<vmem>>[vector<16xi32>], vector<16xf32>,
        tpu.vector_store_idx %arg10[%parallel_loop3A_123], %parallel_loop3A_124 {add = true} : memref<50000xf32, #tpu.memory_space<vmem>>[vector<16xi32>], vector<16xf32>,
      } {sc.loop_unroll_factor = 8 : i64, sc.parallel_access}
      %add3A_107 = arith.constant 2 : i32
      %add3A_108 = arith.addi %add3A_94, %add3A_107 : i32
      %lt3A_109 = arith.constant 200 : i32
      %lt3A_110 = arith.cmpi slt, %add3A_108, %lt3A_109 : i32
      %convert_element_type3A_111 = arith.extui %lt3A_110 : i1 to i32
      %cond3A_112 = arith.constant 0 : i32
      %cond3A_113 = arith.cmpi ne, %convert_element_type3A_111, %cond3A_112 : i32
      scf.if %cond3A_113 {
        %add3A_115 = arith.constant 2 : i32
        %add3A_116 = arith.addi %add3A_94, %add3A_115 : i32
        %mul3A_117 = arith.constant 2000 : i32
        %mul3A_118 = arith.muli %add3A_116, %mul3A_117 : i32
        %add3A_119 = arith.addi %mul3A_32, %mul3A_118 : i32
        %add3A_120 = arith.constant 3200000 : i32
        %add3A_121 = arith.addi %add3A_120, %add3A_119 : i32
        %dma_start3A_122 = tpu.memref_slice %arg2[%add3A_119] : memref<6400000xi32, #tpu.memory_space<hbm>> -> memref<2000xi32, #tpu.memory_space<hbm>>
        %dma_start3A_123 = tpu.memref_slice %arg2[%add3A_119] : memref<6400000xi32, #tpu.memory_space<hbm>> -> memref<2000xi32, #tpu.memory_space<hbm>>
        tpu.enqueue_dma source(%dma_start3A_123 : memref<2000xi32, #tpu.memory_space<hbm>>) target(%arg6 : memref<2000xi32, #tpu.memory_space<vmem>>) target_semaphore(%arg12 : memref<!tpu.dma_semaphore, #tpu.memory_space<semaphore_mem>>)
        %dma_start3A_124 = tpu.memref_slice %arg2[%add3A_121] : memref<6400000xi32, #tpu.memory_space<hbm>> -> memref<2000xi32, #tpu.memory_space<hbm>>
        %dma_start3A_125 = tpu.memref_slice %arg2[%add3A_121] : memref<6400000xi32, #tpu.memory_space<hbm>> -> memref<2000xi32, #tpu.memory_space<hbm>>
        tpu.enqueue_dma source(%dma_start3A_125 : memref<2000xi32, #tpu.memory_space<hbm>>) target(%arg8 : memref<2000xi32, #tpu.memory_space<vmem>>) target_semaphore(%arg12 : memref<!tpu.dma_semaphore, #tpu.memory_space<semaphore_mem>>)
      } else {
      }
      %scan3A_114 = arith.constant 0 : i32
      scf.yield %scan3A_114 : i32
    }
    %scan3A_67 = arith.constant 100 : i32
    "tpu.region"() ({
      %run_scoped3A = tpu.sem_alloc : memref<!tpu.dma_semaphore, #tpu.memory_space<semaphore_mem>>
      %dma_start3A_68 = arith.constant 0 : i32
      %dma_start3A_69 = tpu.memref_slice %arg4[%select_n3A_30, %select_n3A_9, %dma_start3A_68] : memref<8x4x50000xf32, #tpu.memory_space<hbm>> -> memref<1x1x50000xf32, #tpu.memory_space<hbm>>
      %dma_start3A_70 = tpu.memref_squeeze %dma_start3A_69 : memref<1x1x50000xf32, #tpu.memory_space<hbm>> -> memref<50000xf32, #tpu.memory_space<hbm>>
      %dma_start3A_71 = arith.constant 0 : i32
      %dma_start3A_72 = tpu.memref_slice %arg4[%select_n3A_30, %select_n3A_9, %dma_start3A_71] : memref<8x4x50000xf32, #tpu.memory_space<hbm>> -> memref<1x1x50000xf32, #tpu.memory_space<hbm>>
      %dma_start3A_73 = tpu.memref_squeeze %dma_start3A_72 : memref<1x1x50000xf32, #tpu.memory_space<hbm>> -> memref<50000xf32, #tpu.memory_space<hbm>>
      tpu.enqueue_dma source(%arg10 : memref<50000xf32, #tpu.memory_space<vmem>>) target(%dma_start3A_73 : memref<50000xf32, #tpu.memory_space<hbm>>) target_semaphore(%run_scoped3A : memref<!tpu.dma_semaphore, #tpu.memory_space<semaphore_mem>>)
      %dma_wait3A_74 = arith.constant 0 : i32
      %dma_wait3A_75 = tpu.memref_slice %arg4[%select_n3A_30, %select_n3A_9, %dma_wait3A_74] : memref<8x4x50000xf32, #tpu.memory_space<hbm>> -> memref<1x1x50000xf32, #tpu.memory_space<hbm>>
      %dma_wait3A_76 = tpu.memref_squeeze %dma_wait3A_75 : memref<1x1x50000xf32, #tpu.memory_space<hbm>> -> memref<50000xf32, #tpu.memory_space<hbm>>
      %dma_wait3A_77 = arith.constant 0 : i32
      %dma_wait3A_78 = tpu.memref_slice %arg4[%select_n3A_30, %select_n3A_9, %dma_wait3A_77] : memref<8x4x50000xf32, #tpu.memory_space<hbm>> -> memref<1x1x50000xf32, #tpu.memory_space<hbm>>
      %dma_wait3A_79 = tpu.memref_squeeze %dma_wait3A_78 : memref<1x1x50000xf32, #tpu.memory_space<hbm>> -> memref<50000xf32, #tpu.memory_space<hbm>>
      tpu.wait_dma2 semaphore(%run_scoped3A : memref<!tpu.dma_semaphore, #tpu.memory_space<semaphore_mem>>) src(%arg10 : memref<50000xf32, #tpu.memory_space<vmem>>) dst(%dma_wait3A_79 : memref<50000xf32, #tpu.memory_space<hbm>>)
      tpu.yield
    }) : () -> ()
    return
  }
}

#map = affine_map<(d0, d1) -> (0)>
#map1 = affine_map<(d0, d1) -> (0, 0)>
module attributes {stable_mosaic.version = 14 : i64} {
  func.func @deg_kernel(%arg0: i32, %arg1: i32, %arg2: memref<6400000xi32, #tpu.memory_space<hbm>>, %arg3: memref<32x50000xf32, #tpu.memory_space<hbm>>, %arg4: memref<2000xi32, #tpu.memory_space<vmem>>, %arg5: memref<2000xi32, #tpu.memory_space<vmem>>, %arg6: memref<50000xf32, #tpu.memory_space<vmem>>, %arg7: memref<!tpu.dma_semaphore, #tpu.memory_space<semaphore_mem>>, %arg8: memref<!tpu.dma_semaphore, #tpu.memory_space<semaphore_mem>>) attributes {dimension_semantics = [#tpu.dimension_semantics<core_parallel>, #tpu.dimension_semantics<subcore_parallel>], iteration_bounds = array<i64: 2, 16>, scalar_prefetch = 0 : i64, scratch_operands = 5 : i64, tpu.core_type = #tpu.core_type<sc_vector_subcore>, window_params = [{transform_indices = #map}, {transform_indices = #map1}]} {
    %mul3A = arith.constant 2 : i32
    %mul3A_0 = arith.muli %arg1, %mul3A : i32
    %add3A = arith.addi %mul3A_0, %arg0 : i32
    %mul3A_1 = arith.constant 100000 : i32
    %mul3A_2 = arith.muli %add3A, %mul3A_1 : i32
    %add3A_3 = arith.constant 3200000 : i32
    %add3A_4 = arith.addi %add3A_3, %mul3A_2 : i32
    %add3A_5 = arith.constant 0 : i32
    %add3A_6 = arith.addi %add3A_4, %add3A_5 : i32
    %dma_start3A = tpu.memref_slice %arg2[%add3A_6] : memref<6400000xi32, #tpu.memory_space<hbm>> -> memref<2000xi32, #tpu.memory_space<hbm>>
    %dma_start3A_7 = tpu.memref_slice %arg2[%add3A_6] : memref<6400000xi32, #tpu.memory_space<hbm>> -> memref<2000xi32, #tpu.memory_space<hbm>>
    tpu.enqueue_dma source(%dma_start3A_7 : memref<2000xi32, #tpu.memory_space<hbm>>) target(%arg4 : memref<2000xi32, #tpu.memory_space<vmem>>) target_semaphore(%arg7 : memref<!tpu.dma_semaphore, #tpu.memory_space<semaphore_mem>>)
    %add3A_8 = arith.constant 3200000 : i32
    %add3A_9 = arith.addi %add3A_8, %mul3A_2 : i32
    %add3A_10 = arith.constant 2000 : i32
    %add3A_11 = arith.addi %add3A_9, %add3A_10 : i32
    %dma_start3A_12 = tpu.memref_slice %arg2[%add3A_11] : memref<6400000xi32, #tpu.memory_space<hbm>> -> memref<2000xi32, #tpu.memory_space<hbm>>
    %dma_start3A_13 = tpu.memref_slice %arg2[%add3A_11] : memref<6400000xi32, #tpu.memory_space<hbm>> -> memref<2000xi32, #tpu.memory_space<hbm>>
    tpu.enqueue_dma source(%dma_start3A_13 : memref<2000xi32, #tpu.memory_space<hbm>>) target(%arg5 : memref<2000xi32, #tpu.memory_space<vmem>>) target_semaphore(%arg8 : memref<!tpu.dma_semaphore, #tpu.memory_space<semaphore_mem>>)
    %broadcast_in_dim3A = arith.constant 0.000000e+00 : f32
    %broadcast_in_dim3A_14 = vector.broadcast %broadcast_in_dim3A : f32 to vector<16xf32>
    %parallel_loop3A = arith.constant 0 : i32
    %parallel_loop3A_15 = arith.constant 3125 : i32
    %parallel_loop3A_16 = arith.constant 1 : i32
    scf.for %parallel_loop3A_25 = %parallel_loop3A to %parallel_loop3A_15 step %parallel_loop3A_16  : i32 {
      %parallel_loop3A_26 = arith.constant 16 : i32
      %parallel_loop3A_27 = arith.muli %parallel_loop3A_25, %parallel_loop3A_26 : i32
      %parallel_loop3A_28 = arith.index_cast %parallel_loop3A_27 : i32 to index
      %parallel_loop3A_29 = tpu.vector_load %arg6[%parallel_loop3A_28] {strides = array<i32>} : memref<50000xf32, #tpu.memory_space<vmem>>, vector<16xf32>,
      tpu.vector_store %arg6[%parallel_loop3A_28], %broadcast_in_dim3A_14 {strides = array<i32>} : memref<50000xf32, #tpu.memory_space<vmem>>, vector<16xf32>,
    } {sc.loop_unroll_factor = 8 : i64, sc.parallel_access}
    %broadcast_in_dim3A_17 = arith.constant 1.000000e+00 : f32
    %broadcast_in_dim3A_18 = vector.broadcast %broadcast_in_dim3A_17 : f32 to vector<16xf32>
    %scan3A = arith.constant 0 : i32
    %scan3A_19 = arith.constant 0 : i32
    %scan3A_20 = arith.constant 25 : i32
    %scan3A_21 = arith.addi %scan3A_19, %scan3A_20 : i32
    %scan3A_22 = arith.constant 1 : i32
    %scan3A_23 = scf.for %scan3A_25 = %scan3A_19 to %scan3A_21 step %scan3A_22 iter_args(%scan3A_26 = %scan3A) -> (i32)  : i32 {
      %mul3A_27 = arith.constant 2 : i32
      %mul3A_28 = arith.muli %mul3A_27, %scan3A_25 : i32
      %add3A_29 = arith.constant 0 : i32
      %add3A_30 = arith.addi %mul3A_28, %add3A_29 : i32
      %add3A_31 = arith.constant 3200000 : i32
      %add3A_32 = arith.addi %add3A_31, %mul3A_2 : i32
      %mul3A_33 = arith.constant 2000 : i32
      %mul3A_34 = arith.muli %add3A_30, %mul3A_33 : i32
      %add3A_35 = arith.addi %add3A_32, %mul3A_34 : i32
      %dma_wait3A = tpu.memref_slice %arg2[%add3A_35] : memref<6400000xi32, #tpu.memory_space<hbm>> -> memref<2000xi32, #tpu.memory_space<hbm>>
      %dma_wait3A_36 = tpu.memref_slice %arg2[%add3A_35] : memref<6400000xi32, #tpu.memory_space<hbm>> -> memref<2000xi32, #tpu.memory_space<hbm>>
      tpu.wait_dma2 semaphore(%arg7 : memref<!tpu.dma_semaphore, #tpu.memory_space<semaphore_mem>>) src(%dma_wait3A_36 : memref<2000xi32, #tpu.memory_space<hbm>>) dst(%arg4 : memref<2000xi32, #tpu.memory_space<vmem>>)
      %parallel_loop3A_37 = arith.constant 0 : i32
      %parallel_loop3A_38 = arith.constant 125 : i32
      %parallel_loop3A_39 = arith.constant 1 : i32
      scf.for %parallel_loop3A_66 = %parallel_loop3A_37 to %parallel_loop3A_38 step %parallel_loop3A_39  : i32 {
        %parallel_loop3A_67 = arith.constant 16 : i32
        %parallel_loop3A_68 = arith.muli %parallel_loop3A_66, %parallel_loop3A_67 : i32
        %parallel_loop3A_69 = arith.index_cast %parallel_loop3A_68 : i32 to index
        %parallel_loop3A_70 = tpu.vector_load %arg4[%parallel_loop3A_69] {strides = array<i32>} : memref<2000xi32, #tpu.memory_space<vmem>>, vector<16xi32>,
        tpu.vector_store_idx %arg6[%parallel_loop3A_70], %broadcast_in_dim3A_18 {add = true} : memref<50000xf32, #tpu.memory_space<vmem>>[vector<16xi32>], vector<16xf32>,
      } {sc.loop_unroll_factor = 8 : i64, sc.parallel_access}
      %add3A_40 = arith.constant 2 : i32
      %add3A_41 = arith.addi %add3A_30, %add3A_40 : i32
      %lt3A = arith.constant 50 : i32
      %lt3A_42 = arith.cmpi slt, %add3A_41, %lt3A : i32
      %convert_element_type3A = arith.extui %lt3A_42 : i1 to i32
      %cond3A = arith.constant 0 : i32
      %cond3A_43 = arith.cmpi ne, %convert_element_type3A, %cond3A : i32
      scf.if %cond3A_43 {
        %add3A_66 = arith.constant 2 : i32
        %add3A_67 = arith.addi %add3A_30, %add3A_66 : i32
        %add3A_68 = arith.constant 3200000 : i32
        %add3A_69 = arith.addi %add3A_68, %mul3A_2 : i32
        %mul3A_70 = arith.constant 2000 : i32
        %mul3A_71 = arith.muli %add3A_67, %mul3A_70 : i32
        %add3A_72 = arith.addi %add3A_69, %mul3A_71 : i32
        %dma_start3A_73 = tpu.memref_slice %arg2[%add3A_72] : memref<6400000xi32, #tpu.memory_space<hbm>> -> memref<2000xi32, #tpu.memory_space<hbm>>
        %dma_start3A_74 = tpu.memref_slice %arg2[%add3A_72] : memref<6400000xi32, #tpu.memory_space<hbm>> -> memref<2000xi32, #tpu.memory_space<hbm>>
        tpu.enqueue_dma source(%dma_start3A_74 : memref<2000xi32, #tpu.memory_space<hbm>>) target(%arg4 : memref<2000xi32, #tpu.memory_space<vmem>>) target_semaphore(%arg7 : memref<!tpu.dma_semaphore, #tpu.memory_space<semaphore_mem>>)
      } else {
      }
      %mul3A_44 = arith.constant 2 : i32
      %mul3A_45 = arith.muli %mul3A_44, %scan3A_25 : i32
      %add3A_46 = arith.constant 1 : i32
      %add3A_47 = arith.addi %mul3A_45, %add3A_46 : i32
      %add3A_48 = arith.constant 3200000 : i32
      %add3A_49 = arith.addi %add3A_48, %mul3A_2 : i32
      %mul3A_50 = arith.constant 2000 : i32
      %mul3A_51 = arith.muli %add3A_47, %mul3A_50 : i32
      %add3A_52 = arith.addi %add3A_49, %mul3A_51 : i32
      %dma_wait3A_53 = tpu.memref_slice %arg2[%add3A_52] : memref<6400000xi32, #tpu.memory_space<hbm>> -> memref<2000xi32, #tpu.memory_space<hbm>>
      %dma_wait3A_54 = tpu.memref_slice %arg2[%add3A_52] : memref<6400000xi32, #tpu.memory_space<hbm>> -> memref<2000xi32, #tpu.memory_space<hbm>>
      tpu.wait_dma2 semaphore(%arg8 : memref<!tpu.dma_semaphore, #tpu.memory_space<semaphore_mem>>) src(%dma_wait3A_54 : memref<2000xi32, #tpu.memory_space<hbm>>) dst(%arg5 : memref<2000xi32, #tpu.memory_space<vmem>>)
      %parallel_loop3A_55 = arith.constant 0 : i32
      %parallel_loop3A_56 = arith.constant 125 : i32
      %parallel_loop3A_57 = arith.constant 1 : i32
      scf.for %parallel_loop3A_66 = %parallel_loop3A_55 to %parallel_loop3A_56 step %parallel_loop3A_57  : i32 {
        %parallel_loop3A_67 = arith.constant 16 : i32
        %parallel_loop3A_68 = arith.muli %parallel_loop3A_66, %parallel_loop3A_67 : i32
        %parallel_loop3A_69 = arith.index_cast %parallel_loop3A_68 : i32 to index
        %parallel_loop3A_70 = tpu.vector_load %arg5[%parallel_loop3A_69] {strides = array<i32>} : memref<2000xi32, #tpu.memory_space<vmem>>, vector<16xi32>,
        tpu.vector_store_idx %arg6[%parallel_loop3A_70], %broadcast_in_dim3A_18 {add = true} : memref<50000xf32, #tpu.memory_space<vmem>>[vector<16xi32>], vector<16xf32>,
      } {sc.loop_unroll_factor = 8 : i64, sc.parallel_access}
      %add3A_58 = arith.constant 2 : i32
      %add3A_59 = arith.addi %add3A_47, %add3A_58 : i32
      %lt3A_60 = arith.constant 50 : i32
      %lt3A_61 = arith.cmpi slt, %add3A_59, %lt3A_60 : i32
      %convert_element_type3A_62 = arith.extui %lt3A_61 : i1 to i32
      %cond3A_63 = arith.constant 0 : i32
      %cond3A_64 = arith.cmpi ne, %convert_element_type3A_62, %cond3A_63 : i32
      scf.if %cond3A_64 {
        %add3A_66 = arith.constant 2 : i32
        %add3A_67 = arith.addi %add3A_47, %add3A_66 : i32
        %add3A_68 = arith.constant 3200000 : i32
        %add3A_69 = arith.addi %add3A_68, %mul3A_2 : i32
        %mul3A_70 = arith.constant 2000 : i32
        %mul3A_71 = arith.muli %add3A_67, %mul3A_70 : i32
        %add3A_72 = arith.addi %add3A_69, %mul3A_71 : i32
        %dma_start3A_73 = tpu.memref_slice %arg2[%add3A_72] : memref<6400000xi32, #tpu.memory_space<hbm>> -> memref<2000xi32, #tpu.memory_space<hbm>>
        %dma_start3A_74 = tpu.memref_slice %arg2[%add3A_72] : memref<6400000xi32, #tpu.memory_space<hbm>> -> memref<2000xi32, #tpu.memory_space<hbm>>
        tpu.enqueue_dma source(%dma_start3A_74 : memref<2000xi32, #tpu.memory_space<hbm>>) target(%arg5 : memref<2000xi32, #tpu.memory_space<vmem>>) target_semaphore(%arg8 : memref<!tpu.dma_semaphore, #tpu.memory_space<semaphore_mem>>)
      } else {
      }
      %scan3A_65 = arith.constant 0 : i32
      scf.yield %scan3A_65 : i32
    }
    %scan3A_24 = arith.constant 25 : i32
    "tpu.region"() ({
      %run_scoped3A = tpu.sem_alloc : memref<!tpu.dma_semaphore, #tpu.memory_space<semaphore_mem>>
      %dma_start3A_25 = arith.constant 0 : i32
      %dma_start3A_26 = tpu.memref_slice %arg3[%add3A, %dma_start3A_25] : memref<32x50000xf32, #tpu.memory_space<hbm>> -> memref<1x50000xf32, #tpu.memory_space<hbm>>
      %dma_start3A_27 = tpu.memref_squeeze %dma_start3A_26 : memref<1x50000xf32, #tpu.memory_space<hbm>> -> memref<50000xf32, #tpu.memory_space<hbm>>
      %dma_start3A_28 = arith.constant 0 : i32
      %dma_start3A_29 = tpu.memref_slice %arg3[%add3A, %dma_start3A_28] : memref<32x50000xf32, #tpu.memory_space<hbm>> -> memref<1x50000xf32, #tpu.memory_space<hbm>>
      %dma_start3A_30 = tpu.memref_squeeze %dma_start3A_29 : memref<1x50000xf32, #tpu.memory_space<hbm>> -> memref<50000xf32, #tpu.memory_space<hbm>>
      tpu.enqueue_dma source(%arg6 : memref<50000xf32, #tpu.memory_space<vmem>>) target(%dma_start3A_30 : memref<50000xf32, #tpu.memory_space<hbm>>) target_semaphore(%run_scoped3A : memref<!tpu.dma_semaphore, #tpu.memory_space<semaphore_mem>>)
      %dma_wait3A = arith.constant 0 : i32
      %dma_wait3A_31 = tpu.memref_slice %arg3[%add3A, %dma_wait3A] : memref<32x50000xf32, #tpu.memory_space<hbm>> -> memref<1x50000xf32, #tpu.memory_space<hbm>>
      %dma_wait3A_32 = tpu.memref_squeeze %dma_wait3A_31 : memref<1x50000xf32, #tpu.memory_space<hbm>> -> memref<50000xf32, #tpu.memory_space<hbm>>
      %dma_wait3A_33 = arith.constant 0 : i32
      %dma_wait3A_34 = tpu.memref_slice %arg3[%add3A, %dma_wait3A_33] : memref<32x50000xf32, #tpu.memory_space<hbm>> -> memref<1x50000xf32, #tpu.memory_space<hbm>>
      %dma_wait3A_35 = tpu.memref_squeeze %dma_wait3A_34 : memref<1x50000xf32, #tpu.memory_space<hbm>> -> memref<50000xf32, #tpu.memory_space<hbm>>
      tpu.wait_dma2 semaphore(%run_scoped3A : memref<!tpu.dma_semaphore, #tpu.memory_space<semaphore_mem>>) src(%arg6 : memref<50000xf32, #tpu.memory_space<vmem>>) dst(%dma_wait3A_35 : memref<50000xf32, #tpu.memory_space<hbm>>)
      tpu.yield
    }) : () -> ()
    return
  }
}

#map = affine_map<(d0, d1) -> (0)>
#map1 = affine_map<(d0, d1) -> (0, 0)>
#map2 = affine_map<(d0, d1) -> (0, 0, 0)>
module attributes {stable_mosaic.version = 14 : i64} {
  func.func @agg_kernel(%arg0: i32, %arg1: i32, %arg2: memref<6400000xi32, #tpu.memory_space<hbm>>, %arg3: memref<4x50000xf32, #tpu.memory_space<hbm>>, %arg4: memref<8x4x50000xf32, #tpu.memory_space<hbm>>, %arg5: memref<2000xi32, #tpu.memory_space<vmem>>, %arg6: memref<2000xi32, #tpu.memory_space<vmem>>, %arg7: memref<2000xi32, #tpu.memory_space<vmem>>, %arg8: memref<2000xi32, #tpu.memory_space<vmem>>, %arg9: memref<50000xf32, #tpu.memory_space<vmem>>, %arg10: memref<50000xf32, #tpu.memory_space<vmem>>, %arg11: memref<!tpu.dma_semaphore, #tpu.memory_space<semaphore_mem>>, %arg12: memref<!tpu.dma_semaphore, #tpu.memory_space<semaphore_mem>>, %arg13: memref<!tpu.dma_semaphore, #tpu.memory_space<semaphore_mem>>) attributes {dimension_semantics = [#tpu.dimension_semantics<core_parallel>, #tpu.dimension_semantics<subcore_parallel>], iteration_bounds = array<i64: 2, 16>, scalar_prefetch = 0 : i64, scratch_operands = 9 : i64, tpu.core_type = #tpu.core_type<sc_vector_subcore>, window_params = [{transform_indices = #map}, {transform_indices = #map1}, {transform_indices = #map2}]} {
    %mul3A = arith.constant 2 : i32
    %mul3A_0 = arith.muli %arg1, %mul3A : i32
    %add3A = arith.addi %mul3A_0, %arg0 : i32
    %jit3A = arith.constant 4 : i32
    %eq3A = arith.constant 0 : i32
    %eq3A_1 = arith.cmpi eq, %jit3A, %eq3A : i32
    %jit3A_2 = arith.constant 1 : i32
    %select_n3A = arith.select %eq3A_1, %jit3A_2, %jit3A : i32
    %rem3A = arith.remsi %add3A, %select_n3A : i32
    %ne3A = arith.constant 0 : i32
    %ne3A_3 = arith.cmpi ne, %rem3A, %ne3A : i32
    %lt3A = arith.constant 0 : i32
    %lt3A_4 = arith.cmpi slt, %rem3A, %lt3A : i32
    %lt3A_5 = arith.constant 0 : i32
    %lt3A_6 = arith.cmpi slt, %select_n3A, %lt3A_5 : i32
    %ne3A_7 = arith.xori %lt3A_4, %lt3A_6 : i1
    %and3A = arith.andi %ne3A_7, %ne3A_3 : i1
    %add3A_8 = arith.addi %rem3A, %select_n3A : i32
    %select_n3A_9 = arith.select %and3A, %add3A_8, %rem3A : i32
    %jit3A_10 = arith.constant 4 : i32
    %div3A = arith.divsi %add3A, %jit3A_10 : i32
    %sign3A = arith.constant 0 : i32
    %sign3A_11 = arith.cmpi sgt, %add3A, %sign3A : i32
    %sign3A_12 = arith.extui %sign3A_11 : i1 to i32
    %sign3A_13 = arith.constant 0 : i32
    %sign3A_14 = arith.cmpi slt, %add3A, %sign3A_13 : i32
    %sign3A_15 = arith.extui %sign3A_14 : i1 to i32
    %sign3A_16 = arith.subi %sign3A_12, %sign3A_15 : i32
    %sign3A_17 = arith.constant 0 : i32
    %sign3A_18 = arith.cmpi sgt, %jit3A_10, %sign3A_17 : i32
    %sign3A_19 = arith.extui %sign3A_18 : i1 to i32
    %sign3A_20 = arith.constant 0 : i32
    %sign3A_21 = arith.cmpi slt, %jit3A_10, %sign3A_20 : i32
    %sign3A_22 = arith.extui %sign3A_21 : i1 to i32
    %sign3A_23 = arith.subi %sign3A_19, %sign3A_22 : i32
    %ne3A_24 = arith.cmpi ne, %sign3A_16, %sign3A_23 : i32
    %rem3A_25 = arith.remsi %add3A, %jit3A_10 : i32
    %ne3A_26 = arith.constant 0 : i32
    %ne3A_27 = arith.cmpi ne, %rem3A_25, %ne3A_26 : i32
    %and3A_28 = arith.andi %ne3A_24, %ne3A_27 : i1
    %sub3A = arith.constant 1 : i32
    %sub3A_29 = arith.subi %div3A, %sub3A : i32
    %select_n3A_30 = arith.select %and3A_28, %sub3A_29, %div3A : i32
    %mul3A_31 = arith.constant 400000 : i32
    %mul3A_32 = arith.muli %select_n3A_30, %mul3A_31 : i32
    %dma_start3A = arith.constant 0 : i32
    %dma_start3A_33 = tpu.memref_slice %arg3[%select_n3A_9, %dma_start3A] : memref<4x50000xf32, #tpu.memory_space<hbm>> -> memref<1x50000xf32, #tpu.memory_space<hbm>>
    %dma_start3A_34 = tpu.memref_squeeze %dma_start3A_33 : memref<1x50000xf32, #tpu.memory_space<hbm>> -> memref<50000xf32, #tpu.memory_space<hbm>>
    %dma_start3A_35 = arith.constant 0 : i32
    %dma_start3A_36 = tpu.memref_slice %arg3[%select_n3A_9, %dma_start3A_35] : memref<4x50000xf32, #tpu.memory_space<hbm>> -> memref<1x50000xf32, #tpu.memory_space<hbm>>
    %dma_start3A_37 = tpu.memref_squeeze %dma_start3A_36 : memref<1x50000xf32, #tpu.memory_space<hbm>> -> memref<50000xf32, #tpu.memory_space<hbm>>
    tpu.enqueue_dma source(%dma_start3A_37 : memref<50000xf32, #tpu.memory_space<hbm>>) target(%arg9 : memref<50000xf32, #tpu.memory_space<vmem>>) target_semaphore(%arg13 : memref<!tpu.dma_semaphore, #tpu.memory_space<semaphore_mem>>)
    %add3A_38 = arith.constant 0 : i32
    %add3A_39 = arith.addi %mul3A_32, %add3A_38 : i32
    %add3A_40 = arith.constant 3200000 : i32
    %add3A_41 = arith.addi %add3A_40, %add3A_39 : i32
    %dma_start3A_42 = tpu.memref_slice %arg2[%add3A_39] : memref<6400000xi32, #tpu.memory_space<hbm>> -> memref<2000xi32, #tpu.memory_space<hbm>>
    %dma_start3A_43 = tpu.memref_slice %arg2[%add3A_39] : memref<6400000xi32, #tpu.memory_space<hbm>> -> memref<2000xi32, #tpu.memory_space<hbm>>
    tpu.enqueue_dma source(%dma_start3A_43 : memref<2000xi32, #tpu.memory_space<hbm>>) target(%arg5 : memref<2000xi32, #tpu.memory_space<vmem>>) target_semaphore(%arg11 : memref<!tpu.dma_semaphore, #tpu.memory_space<semaphore_mem>>)
    %dma_start3A_44 = tpu.memref_slice %arg2[%add3A_41] : memref<6400000xi32, #tpu.memory_space<hbm>> -> memref<2000xi32, #tpu.memory_space<hbm>>
    %dma_start3A_45 = tpu.memref_slice %arg2[%add3A_41] : memref<6400000xi32, #tpu.memory_space<hbm>> -> memref<2000xi32, #tpu.memory_space<hbm>>
    tpu.enqueue_dma source(%dma_start3A_45 : memref<2000xi32, #tpu.memory_space<hbm>>) target(%arg7 : memref<2000xi32, #tpu.memory_space<vmem>>) target_semaphore(%arg11 : memref<!tpu.dma_semaphore, #tpu.memory_space<semaphore_mem>>)
    %add3A_46 = arith.constant 2000 : i32
    %add3A_47 = arith.addi %mul3A_32, %add3A_46 : i32
    %add3A_48 = arith.constant 3200000 : i32
    %add3A_49 = arith.addi %add3A_48, %add3A_47 : i32
    %dma_start3A_50 = tpu.memref_slice %arg2[%add3A_47] : memref<6400000xi32, #tpu.memory_space<hbm>> -> memref<2000xi32, #tpu.memory_space<hbm>>
    %dma_start3A_51 = tpu.memref_slice %arg2[%add3A_47] : memref<6400000xi32, #tpu.memory_space<hbm>> -> memref<2000xi32, #tpu.memory_space<hbm>>
    tpu.enqueue_dma source(%dma_start3A_51 : memref<2000xi32, #tpu.memory_space<hbm>>) target(%arg6 : memref<2000xi32, #tpu.memory_space<vmem>>) target_semaphore(%arg12 : memref<!tpu.dma_semaphore, #tpu.memory_space<semaphore_mem>>)
    %dma_start3A_52 = tpu.memref_slice %arg2[%add3A_49] : memref<6400000xi32, #tpu.memory_space<hbm>> -> memref<2000xi32, #tpu.memory_space<hbm>>
    %dma_start3A_53 = tpu.memref_slice %arg2[%add3A_49] : memref<6400000xi32, #tpu.memory_space<hbm>> -> memref<2000xi32, #tpu.memory_space<hbm>>
    tpu.enqueue_dma source(%dma_start3A_53 : memref<2000xi32, #tpu.memory_space<hbm>>) target(%arg8 : memref<2000xi32, #tpu.memory_space<vmem>>) target_semaphore(%arg12 : memref<!tpu.dma_semaphore, #tpu.memory_space<semaphore_mem>>)
    %broadcast_in_dim3A = arith.constant 0.000000e+00 : f32
    %broadcast_in_dim3A_54 = vector.broadcast %broadcast_in_dim3A : f32 to vector<16xf32>
    %parallel_loop3A = arith.constant 0 : i32
    %parallel_loop3A_55 = arith.constant 3125 : i32
    %parallel_loop3A_56 = arith.constant 1 : i32
    scf.for %parallel_loop3A_68 = %parallel_loop3A to %parallel_loop3A_55 step %parallel_loop3A_56  : i32 {
      %parallel_loop3A_69 = arith.constant 16 : i32
      %parallel_loop3A_70 = arith.muli %parallel_loop3A_68, %parallel_loop3A_69 : i32
      %parallel_loop3A_71 = arith.index_cast %parallel_loop3A_70 : i32 to index
      %parallel_loop3A_72 = tpu.vector_load %arg10[%parallel_loop3A_71] {strides = array<i32>} : memref<50000xf32, #tpu.memory_space<vmem>>, vector<16xf32>,
      tpu.vector_store %arg10[%parallel_loop3A_71], %broadcast_in_dim3A_54 {strides = array<i32>} : memref<50000xf32, #tpu.memory_space<vmem>>, vector<16xf32>,
    } {sc.loop_unroll_factor = 8 : i64, sc.parallel_access}
    %dma_wait3A = arith.constant 0 : i32
    %dma_wait3A_57 = tpu.memref_slice %arg3[%select_n3A_9, %dma_wait3A] : memref<4x50000xf32, #tpu.memory_space<hbm>> -> memref<1x50000xf32, #tpu.memory_space<hbm>>
    %dma_wait3A_58 = tpu.memref_squeeze %dma_wait3A_57 : memref<1x50000xf32, #tpu.memory_space<hbm>> -> memref<50000xf32, #tpu.memory_space<hbm>>
    %dma_wait3A_59 = arith.constant 0 : i32
    %dma_wait3A_60 = tpu.memref_slice %arg3[%select_n3A_9, %dma_wait3A_59] : memref<4x50000xf32, #tpu.memory_space<hbm>> -> memref<1x50000xf32, #tpu.memory_space<hbm>>
    %dma_wait3A_61 = tpu.memref_squeeze %dma_wait3A_60 : memref<1x50000xf32, #tpu.memory_space<hbm>> -> memref<50000xf32, #tpu.memory_space<hbm>>
    tpu.wait_dma2 semaphore(%arg13 : memref<!tpu.dma_semaphore, #tpu.memory_space<semaphore_mem>>) src(%dma_wait3A_61 : memref<50000xf32, #tpu.memory_space<hbm>>) dst(%arg9 : memref<50000xf32, #tpu.memory_space<vmem>>)
    %scan3A = arith.constant 0 : i32
    %scan3A_62 = arith.constant 0 : i32
    %scan3A_63 = arith.constant 100 : i32
    %scan3A_64 = arith.addi %scan3A_62, %scan3A_63 : i32
    %scan3A_65 = arith.constant 1 : i32
    %scan3A_66 = scf.for %scan3A_68 = %scan3A_62 to %scan3A_64 step %scan3A_65 iter_args(%scan3A_69 = %scan3A) -> (i32)  : i32 {
      %mul3A_70 = arith.constant 2 : i32
      %mul3A_71 = arith.muli %mul3A_70, %scan3A_68 : i32
      %add3A_72 = arith.constant 0 : i32
      %add3A_73 = arith.addi %mul3A_71, %add3A_72 : i32
      %mul3A_74 = arith.constant 2000 : i32
      %mul3A_75 = arith.muli %add3A_73, %mul3A_74 : i32
      %add3A_76 = arith.addi %mul3A_32, %mul3A_75 : i32
      %add3A_77 = arith.constant 3200000 : i32
      %add3A_78 = arith.addi %add3A_77, %add3A_76 : i32
      %dma_wait3A_79 = tpu.memref_slice %arg2[%add3A_76] : memref<6400000xi32, #tpu.memory_space<hbm>> -> memref<2000xi32, #tpu.memory_space<hbm>>
      %dma_wait3A_80 = tpu.memref_slice %arg2[%add3A_76] : memref<6400000xi32, #tpu.memory_space<hbm>> -> memref<2000xi32, #tpu.memory_space<hbm>>
      tpu.wait_dma2 semaphore(%arg11 : memref<!tpu.dma_semaphore, #tpu.memory_space<semaphore_mem>>) src(%dma_wait3A_80 : memref<2000xi32, #tpu.memory_space<hbm>>) dst(%arg5 : memref<2000xi32, #tpu.memory_space<vmem>>)
      %dma_wait3A_81 = tpu.memref_slice %arg2[%add3A_78] : memref<6400000xi32, #tpu.memory_space<hbm>> -> memref<2000xi32, #tpu.memory_space<hbm>>
      %dma_wait3A_82 = tpu.memref_slice %arg2[%add3A_78] : memref<6400000xi32, #tpu.memory_space<hbm>> -> memref<2000xi32, #tpu.memory_space<hbm>>
      tpu.wait_dma2 semaphore(%arg11 : memref<!tpu.dma_semaphore, #tpu.memory_space<semaphore_mem>>) src(%dma_wait3A_82 : memref<2000xi32, #tpu.memory_space<hbm>>) dst(%arg7 : memref<2000xi32, #tpu.memory_space<vmem>>)
      %parallel_loop3A_83 = arith.constant 0 : i32
      %parallel_loop3A_84 = arith.constant 125 : i32
      %parallel_loop3A_85 = arith.constant 1 : i32
      scf.for %parallel_loop3A_115 = %parallel_loop3A_83 to %parallel_loop3A_84 step %parallel_loop3A_85  : i32 {
        %parallel_loop3A_116 = arith.constant 16 : i32
        %parallel_loop3A_117 = arith.muli %parallel_loop3A_115, %parallel_loop3A_116 : i32
        %parallel_loop3A_118 = arith.index_cast %parallel_loop3A_117 : i32 to index
        %parallel_loop3A_119 = tpu.vector_load %arg5[%parallel_loop3A_118] {strides = array<i32>} : memref<2000xi32, #tpu.memory_space<vmem>>, vector<16xi32>,
        %parallel_loop3A_120 = arith.constant 16 : i32
        %parallel_loop3A_121 = arith.muli %parallel_loop3A_115, %parallel_loop3A_120 : i32
        %parallel_loop3A_122 = arith.index_cast %parallel_loop3A_121 : i32 to index
        %parallel_loop3A_123 = tpu.vector_load %arg7[%parallel_loop3A_122] {strides = array<i32>} : memref<2000xi32, #tpu.memory_space<vmem>>, vector<16xi32>,
        %parallel_loop3A_124 = tpu.vector_load_idx %arg9[%parallel_loop3A_119] : memref<50000xf32, #tpu.memory_space<vmem>>[vector<16xi32>], vector<16xf32>,
        tpu.vector_store_idx %arg10[%parallel_loop3A_123], %parallel_loop3A_124 {add = true} : memref<50000xf32, #tpu.memory_space<vmem>>[vector<16xi32>], vector<16xf32>,
      } {sc.loop_unroll_factor = 8 : i64, sc.parallel_access}
      %add3A_86 = arith.constant 2 : i32
      %add3A_87 = arith.addi %add3A_73, %add3A_86 : i32
      %lt3A_88 = arith.constant 200 : i32
      %lt3A_89 = arith.cmpi slt, %add3A_87, %lt3A_88 : i32
      %convert_element_type3A = arith.extui %lt3A_89 : i1 to i32
      %cond3A = arith.constant 0 : i32
      %cond3A_90 = arith.cmpi ne, %convert_element_type3A, %cond3A : i32
      scf.if %cond3A_90 {
        %add3A_115 = arith.constant 2 : i32
        %add3A_116 = arith.addi %add3A_73, %add3A_115 : i32
        %mul3A_117 = arith.constant 2000 : i32
        %mul3A_118 = arith.muli %add3A_116, %mul3A_117 : i32
        %add3A_119 = arith.addi %mul3A_32, %mul3A_118 : i32
        %add3A_120 = arith.constant 3200000 : i32
        %add3A_121 = arith.addi %add3A_120, %add3A_119 : i32
        %dma_start3A_122 = tpu.memref_slice %arg2[%add3A_119] : memref<6400000xi32, #tpu.memory_space<hbm>> -> memref<2000xi32, #tpu.memory_space<hbm>>
        %dma_start3A_123 = tpu.memref_slice %arg2[%add3A_119] : memref<6400000xi32, #tpu.memory_space<hbm>> -> memref<2000xi32, #tpu.memory_space<hbm>>
        tpu.enqueue_dma source(%dma_start3A_123 : memref<2000xi32, #tpu.memory_space<hbm>>) target(%arg5 : memref<2000xi32, #tpu.memory_space<vmem>>) target_semaphore(%arg11 : memref<!tpu.dma_semaphore, #tpu.memory_space<semaphore_mem>>)
        %dma_start3A_124 = tpu.memref_slice %arg2[%add3A_121] : memref<6400000xi32, #tpu.memory_space<hbm>> -> memref<2000xi32, #tpu.memory_space<hbm>>
        %dma_start3A_125 = tpu.memref_slice %arg2[%add3A_121] : memref<6400000xi32, #tpu.memory_space<hbm>> -> memref<2000xi32, #tpu.memory_space<hbm>>
        tpu.enqueue_dma source(%dma_start3A_125 : memref<2000xi32, #tpu.memory_space<hbm>>) target(%arg7 : memref<2000xi32, #tpu.memory_space<vmem>>) target_semaphore(%arg11 : memref<!tpu.dma_semaphore, #tpu.memory_space<semaphore_mem>>)
      } else {
      }
      %mul3A_91 = arith.constant 2 : i32
      %mul3A_92 = arith.muli %mul3A_91, %scan3A_68 : i32
      %add3A_93 = arith.constant 1 : i32
      %add3A_94 = arith.addi %mul3A_92, %add3A_93 : i32
      %mul3A_95 = arith.constant 2000 : i32
      %mul3A_96 = arith.muli %add3A_94, %mul3A_95 : i32
      %add3A_97 = arith.addi %mul3A_32, %mul3A_96 : i32
      %add3A_98 = arith.constant 3200000 : i32
      %add3A_99 = arith.addi %add3A_98, %add3A_97 : i32
      %dma_wait3A_100 = tpu.memref_slice %arg2[%add3A_97] : memref<6400000xi32, #tpu.memory_space<hbm>> -> memref<2000xi32, #tpu.memory_space<hbm>>
      %dma_wait3A_101 = tpu.memref_slice %arg2[%add3A_97] : memref<6400000xi32, #tpu.memory_space<hbm>> -> memref<2000xi32, #tpu.memory_space<hbm>>
      tpu.wait_dma2 semaphore(%arg12 : memref<!tpu.dma_semaphore, #tpu.memory_space<semaphore_mem>>) src(%dma_wait3A_101 : memref<2000xi32, #tpu.memory_space<hbm>>) dst(%arg6 : memref<2000xi32, #tpu.memory_space<vmem>>)
      %dma_wait3A_102 = tpu.memref_slice %arg2[%add3A_99] : memref<6400000xi32, #tpu.memory_space<hbm>> -> memref<2000xi32, #tpu.memory_space<hbm>>
      %dma_wait3A_103 = tpu.memref_slice %arg2[%add3A_99] : memref<6400000xi32, #tpu.memory_space<hbm>> -> memref<2000xi32, #tpu.memory_space<hbm>>
      tpu.wait_dma2 semaphore(%arg12 : memref<!tpu.dma_semaphore, #tpu.memory_space<semaphore_mem>>) src(%dma_wait3A_103 : memref<2000xi32, #tpu.memory_space<hbm>>) dst(%arg8 : memref<2000xi32, #tpu.memory_space<vmem>>)
      %parallel_loop3A_104 = arith.constant 0 : i32
      %parallel_loop3A_105 = arith.constant 125 : i32
      %parallel_loop3A_106 = arith.constant 1 : i32
      scf.for %parallel_loop3A_115 = %parallel_loop3A_104 to %parallel_loop3A_105 step %parallel_loop3A_106  : i32 {
        %parallel_loop3A_116 = arith.constant 16 : i32
        %parallel_loop3A_117 = arith.muli %parallel_loop3A_115, %parallel_loop3A_116 : i32
        %parallel_loop3A_118 = arith.index_cast %parallel_loop3A_117 : i32 to index
        %parallel_loop3A_119 = tpu.vector_load %arg6[%parallel_loop3A_118] {strides = array<i32>} : memref<2000xi32, #tpu.memory_space<vmem>>, vector<16xi32>,
        %parallel_loop3A_120 = arith.constant 16 : i32
        %parallel_loop3A_121 = arith.muli %parallel_loop3A_115, %parallel_loop3A_120 : i32
        %parallel_loop3A_122 = arith.index_cast %parallel_loop3A_121 : i32 to index
        %parallel_loop3A_123 = tpu.vector_load %arg8[%parallel_loop3A_122] {strides = array<i32>} : memref<2000xi32, #tpu.memory_space<vmem>>, vector<16xi32>,
        %parallel_loop3A_124 = tpu.vector_load_idx %arg9[%parallel_loop3A_119] : memref<50000xf32, #tpu.memory_space<vmem>>[vector<16xi32>], vector<16xf32>,
        tpu.vector_store_idx %arg10[%parallel_loop3A_123], %parallel_loop3A_124 {add = true} : memref<50000xf32, #tpu.memory_space<vmem>>[vector<16xi32>], vector<16xf32>,
      } {sc.loop_unroll_factor = 8 : i64, sc.parallel_access}
      %add3A_107 = arith.constant 2 : i32
      %add3A_108 = arith.addi %add3A_94, %add3A_107 : i32
      %lt3A_109 = arith.constant 200 : i32
      %lt3A_110 = arith.cmpi slt, %add3A_108, %lt3A_109 : i32
      %convert_element_type3A_111 = arith.extui %lt3A_110 : i1 to i32
      %cond3A_112 = arith.constant 0 : i32
      %cond3A_113 = arith.cmpi ne, %convert_element_type3A_111, %cond3A_112 : i32
      scf.if %cond3A_113 {
        %add3A_115 = arith.constant 2 : i32
        %add3A_116 = arith.addi %add3A_94, %add3A_115 : i32
        %mul3A_117 = arith.constant 2000 : i32
        %mul3A_118 = arith.muli %add3A_116, %mul3A_117 : i32
        %add3A_119 = arith.addi %mul3A_32, %mul3A_118 : i32
        %add3A_120 = arith.constant 3200000 : i32
        %add3A_121 = arith.addi %add3A_120, %add3A_119 : i32
        %dma_start3A_122 = tpu.memref_slice %arg2[%add3A_119] : memref<6400000xi32, #tpu.memory_space<hbm>> -> memref<2000xi32, #tpu.memory_space<hbm>>
        %dma_start3A_123 = tpu.memref_slice %arg2[%add3A_119] : memref<6400000xi32, #tpu.memory_space<hbm>> -> memref<2000xi32, #tpu.memory_space<hbm>>
        tpu.enqueue_dma source(%dma_start3A_123 : memref<2000xi32, #tpu.memory_space<hbm>>) target(%arg6 : memref<2000xi32, #tpu.memory_space<vmem>>) target_semaphore(%arg12 : memref<!tpu.dma_semaphore, #tpu.memory_space<semaphore_mem>>)
        %dma_start3A_124 = tpu.memref_slice %arg2[%add3A_121] : memref<6400000xi32, #tpu.memory_space<hbm>> -> memref<2000xi32, #tpu.memory_space<hbm>>
        %dma_start3A_125 = tpu.memref_slice %arg2[%add3A_121] : memref<6400000xi32, #tpu.memory_space<hbm>> -> memref<2000xi32, #tpu.memory_space<hbm>>
        tpu.enqueue_dma source(%dma_start3A_125 : memref<2000xi32, #tpu.memory_space<hbm>>) target(%arg8 : memref<2000xi32, #tpu.memory_space<vmem>>) target_semaphore(%arg12 : memref<!tpu.dma_semaphore, #tpu.memory_space<semaphore_mem>>)
      } else {
      }
      %scan3A_114 = arith.constant 0 : i32
      scf.yield %scan3A_114 : i32
    }
    %scan3A_67 = arith.constant 100 : i32
    "tpu.region"() ({
      %run_scoped3A = tpu.sem_alloc : memref<!tpu.dma_semaphore, #tpu.memory_space<semaphore_mem>>
      %dma_start3A_68 = arith.constant 0 : i32
      %dma_start3A_69 = tpu.memref_slice %arg4[%select_n3A_30, %select_n3A_9, %dma_start3A_68] : memref<8x4x50000xf32, #tpu.memory_space<hbm>> -> memref<1x1x50000xf32, #tpu.memory_space<hbm>>
      %dma_start3A_70 = tpu.memref_squeeze %dma_start3A_69 : memref<1x1x50000xf32, #tpu.memory_space<hbm>> -> memref<50000xf32, #tpu.memory_space<hbm>>
      %dma_start3A_71 = arith.constant 0 : i32
      %dma_start3A_72 = tpu.memref_slice %arg4[%select_n3A_30, %select_n3A_9, %dma_start3A_71] : memref<8x4x50000xf32, #tpu.memory_space<hbm>> -> memref<1x1x50000xf32, #tpu.memory_space<hbm>>
      %dma_start3A_73 = tpu.memref_squeeze %dma_start3A_72 : memref<1x1x50000xf32, #tpu.memory_space<hbm>> -> memref<50000xf32, #tpu.memory_space<hbm>>
      tpu.enqueue_dma source(%arg10 : memref<50000xf32, #tpu.memory_space<vmem>>) target(%dma_start3A_73 : memref<50000xf32, #tpu.memory_space<hbm>>) target_semaphore(%run_scoped3A : memref<!tpu.dma_semaphore, #tpu.memory_space<semaphore_mem>>)
      %dma_wait3A_74 = arith.constant 0 : i32
      %dma_wait3A_75 = tpu.memref_slice %arg4[%select_n3A_30, %select_n3A_9, %dma_wait3A_74] : memref<8x4x50000xf32, #tpu.memory_space<hbm>> -> memref<1x1x50000xf32, #tpu.memory_space<hbm>>
      %dma_wait3A_76 = tpu.memref_squeeze %dma_wait3A_75 : memref<1x1x50000xf32, #tpu.memory_space<hbm>> -> memref<50000xf32, #tpu.memory_space<hbm>>
      %dma_wait3A_77 = arith.constant 0 : i32
      %dma_wait3A_78 = tpu.memref_slice %arg4[%select_n3A_30, %select_n3A_9, %dma_wait3A_77] : memref<8x4x50000xf32, #tpu.memory_space<hbm>> -> memref<1x1x50000xf32, #tpu.memory_space<hbm>>
      %dma_wait3A_79 = tpu.memref_squeeze %dma_wait3A_78 : memref<1x1x50000xf32, #tpu.memory_space<hbm>> -> memref<50000xf32, #tpu.memory_space<hbm>>
      tpu.wait_dma2 semaphore(%run_scoped3A : memref<!tpu.dma_semaphore, #tpu.memory_space<semaphore_mem>>) src(%arg10 : memref<50000xf32, #tpu.memory_space<vmem>>) dst(%dma_wait3A_79 : memref<50000xf32, #tpu.memory_space<hbm>>)
      tpu.yield
    }) : () -> ()
    return
  }
}

module attributes {stable_mosaic.version = 14 : i64} {
  func.func @_tc_mid_body(%arg0: memref<8x4x50000xf32, #tpu.memory_space<vmem>>, %arg1: memref<4x50000xf32, #tpu.memory_space<vmem>>, %arg2: memref<1x50000xf32, #tpu.memory_space<vmem>>, %arg3: memref<4x1xf32, #tpu.memory_space<vmem>>, %arg4: memref<4x4xf32, #tpu.memory_space<vmem>>, %arg5: memref<4x50000xf32, #tpu.memory_space<vmem>>, %arg6: memref<4x50000xf32, #tpu.memory_space<vmem>>) attributes {dimension_semantics = [], scalar_prefetch = 0 : i64, scratch_operands = 0 : i64, tpu.core_type = #tpu.core_type<tc>} {
    %get3A = arith.constant 0 : index
    %get3A_0 = arith.constant 0 : index
    %get3A_1 = vector.load %arg2[%get3A, %get3A_0] : memref<1x50000xf32, #tpu.memory_space<vmem>>, vector<1x50000xf32>
    %get3A_2 = arith.constant 0 : index
    %get3A_3 = arith.constant 0 : index
    %get3A_4 = arith.constant 0 : index
    %get3A_5 = vector.load %arg0[%get3A_2, %get3A_3, %get3A_4] : memref<8x4x50000xf32, #tpu.memory_space<vmem>>, vector<8x4x50000xf32>
    %reduce_sum3A = arith.constant dense<0.000000e+00> : vector<4x50000xf32>
    %reduce_sum3A_6 = vector.multi_reduction <add>, %get3A_5, %reduce_sum3A [0] : vector<8x4x50000xf32> to vector<4x50000xf32>
    %mul3A = vector.broadcast %get3A_1 : vector<1x50000xf32> to vector<4x50000xf32>
    %mul3A_7 = arith.mulf %mul3A, %reduce_sum3A_6 : vector<4x50000xf32>
    %mul3A_8 = arith.mulf %get3A_1, %get3A_1 : vector<1x50000xf32>
    %get3A_9 = arith.constant 0 : index
    %get3A_10 = arith.constant 0 : index
    %get3A_11 = vector.load %arg1[%get3A_9, %get3A_10] : memref<4x50000xf32, #tpu.memory_space<vmem>>, vector<4x50000xf32>
    %mul3A_12 = vector.broadcast %mul3A_8 : vector<1x50000xf32> to vector<4x50000xf32>
    %mul3A_13 = arith.mulf %mul3A_12, %get3A_11 : vector<4x50000xf32>
    %add3A = arith.addf %mul3A_7, %mul3A_13 : vector<4x50000xf32>
    %get3A_14 = arith.constant 0 : index
    %get3A_15 = arith.constant 0 : index
    %get3A_16 = vector.load %arg3[%get3A_14, %get3A_15] : memref<4x1xf32, #tpu.memory_space<vmem>>, vector<4x1xf32>
    %add3A_17 = vector.broadcast %get3A_16 : vector<4x1xf32> to vector<4x50000xf32>
    %add3A_18 = arith.addf %add3A, %add3A_17 : vector<4x50000xf32>
    %tanh3A = math.tanh %add3A_18 : vector<4x50000xf32>
    %get3A_19 = arith.constant 0 : index
    %get3A_20 = arith.constant 0 : index
    %get3A_21 = vector.load %arg4[%get3A_19, %get3A_20] : memref<4x4xf32, #tpu.memory_space<vmem>>, vector<4x4xf32>
    %dot_general3A = arith.constant dense<0.000000e+00> : vector<4x50000xf32>
    %dot_general3A_22 = tpu.matmul %get3A_21, %tanh3A, %dot_general3A {dimension_numbers = #tpu.dot_dimension_numbers<[1], [0], [0], [1], [0, 0, 1, 1], [], []>, transpose_lhs_hint = false} : vector<4x4xf32>, vector<4x50000xf32>, vector<4x50000xf32> -> vector<4x50000xf32>
    %swap3A = arith.constant 0 : index
    %swap3A_23 = arith.constant 0 : index
    %swap3A_24 = vector.load %arg5[%swap3A, %swap3A_23] : memref<4x50000xf32, #tpu.memory_space<vmem>>, vector<4x50000xf32>
    tpu.vector_store %arg5[%swap3A, %swap3A_23], %dot_general3A_22 {strides = array<i32>} : memref<4x50000xf32, #tpu.memory_space<vmem>>, vector<4x50000xf32>,
    %mul3A_25 = vector.broadcast %get3A_1 : vector<1x50000xf32> to vector<4x50000xf32>
    %mul3A_26 = arith.mulf %dot_general3A_22, %mul3A_25 : vector<4x50000xf32>
    %swap3A_27 = arith.constant 0 : index
    %swap3A_28 = arith.constant 0 : index
    %swap3A_29 = vector.load %arg6[%swap3A_27, %swap3A_28] : memref<4x50000xf32, #tpu.memory_space<vmem>>, vector<4x50000xf32>
    tpu.vector_store %arg6[%swap3A_27, %swap3A_28], %mul3A_26 {strides = array<i32>} : memref<4x50000xf32, #tpu.memory_space<vmem>>, vector<4x50000xf32>,
    return
  }
}

module attributes {stable_mosaic.version = 14 : i64} {
  func.func @_tc0_body(%arg0: memref<32x50000xf32, #tpu.memory_space<vmem>>, %arg1: memref<21x50000xf32, #tpu.memory_space<vmem>>, %arg2: memref<4x21xf32, #tpu.memory_space<vmem>>, %arg3: memref<1x50000xf32, #tpu.memory_space<vmem>>, %arg4: memref<4x50000xf32, #tpu.memory_space<vmem>>, %arg5: memref<4x50000xf32, #tpu.memory_space<vmem>>) attributes {dimension_semantics = [], scalar_prefetch = 0 : i64, scratch_operands = 0 : i64, tpu.core_type = #tpu.core_type<tc>} {
    %get3A = arith.constant 0 : index
    %get3A_0 = arith.constant 0 : index
    %get3A_1 = vector.load %arg0[%get3A, %get3A_0] : memref<32x50000xf32, #tpu.memory_space<vmem>>, vector<32x50000xf32>
    %reduce_sum3A = arith.constant dense<0.000000e+00> : vector<50000xf32>
    %reduce_sum3A_2 = vector.multi_reduction <add>, %get3A_1, %reduce_sum3A [0] : vector<32x50000xf32> to vector<50000xf32>
    %broadcast_in_dim3A = vector.shape_cast %reduce_sum3A_2 : vector<50000xf32> to vector<1x50000xf32>
    %add3A = arith.constant 1.000000e+00 : f32
    %add3A_3 = vector.broadcast %add3A : f32 to vector<1x50000xf32>
    %add3A_4 = arith.addf %broadcast_in_dim3A, %add3A_3 : vector<1x50000xf32>
    %rsqrt3A = math.rsqrt %add3A_4 : vector<1x50000xf32>
    %swap3A = arith.constant 0 : index
    %swap3A_5 = arith.constant 0 : index
    %swap3A_6 = vector.load %arg3[%swap3A, %swap3A_5] : memref<1x50000xf32, #tpu.memory_space<vmem>>, vector<1x50000xf32>
    tpu.vector_store %arg3[%swap3A, %swap3A_5], %rsqrt3A {strides = array<i32>} : memref<1x50000xf32, #tpu.memory_space<vmem>>, vector<1x50000xf32>,
    %get3A_7 = arith.constant 0 : index
    %get3A_8 = arith.constant 0 : index
    %get3A_9 = vector.load %arg2[%get3A_7, %get3A_8] : memref<4x21xf32, #tpu.memory_space<vmem>>, vector<4x21xf32>
    %get3A_10 = arith.constant 0 : index
    %get3A_11 = arith.constant 0 : index
    %get3A_12 = vector.load %arg1[%get3A_10, %get3A_11] : memref<21x50000xf32, #tpu.memory_space<vmem>>, vector<21x50000xf32>
    %dot_general3A = arith.constant dense<0.000000e+00> : vector<4x50000xf32>
    %dot_general3A_13 = tpu.matmul %get3A_9, %get3A_12, %dot_general3A {dimension_numbers = #tpu.dot_dimension_numbers<[1], [0], [0], [1], [0, 0, 1, 1], [], []>, transpose_lhs_hint = false} : vector<4x21xf32>, vector<21x50000xf32>, vector<4x50000xf32> -> vector<4x50000xf32>
    %swap3A_14 = arith.constant 0 : index
    %swap3A_15 = arith.constant 0 : index
    %swap3A_16 = vector.load %arg4[%swap3A_14, %swap3A_15] : memref<4x50000xf32, #tpu.memory_space<vmem>>, vector<4x50000xf32>
    tpu.vector_store %arg4[%swap3A_14, %swap3A_15], %dot_general3A_13 {strides = array<i32>} : memref<4x50000xf32, #tpu.memory_space<vmem>>, vector<4x50000xf32>,
    %mul3A = vector.broadcast %rsqrt3A : vector<1x50000xf32> to vector<4x50000xf32>
    %mul3A_17 = arith.mulf %dot_general3A_13, %mul3A : vector<4x50000xf32>
    %swap3A_18 = arith.constant 0 : index
    %swap3A_19 = arith.constant 0 : index
    %swap3A_20 = vector.load %arg5[%swap3A_18, %swap3A_19] : memref<4x50000xf32, #tpu.memory_space<vmem>>, vector<4x50000xf32>
    tpu.vector_store %arg5[%swap3A_18, %swap3A_19], %mul3A_17 {strides = array<i32>} : memref<4x50000xf32, #tpu.memory_space<vmem>>, vector<4x50000xf32>,
    return
  }
}

module attributes {stable_mosaic.version = 14 : i64} {
  func.func @_tc_mid_body(%arg0: memref<8x4x50000xf32, #tpu.memory_space<vmem>>, %arg1: memref<4x50000xf32, #tpu.memory_space<vmem>>, %arg2: memref<1x50000xf32, #tpu.memory_space<vmem>>, %arg3: memref<4x1xf32, #tpu.memory_space<vmem>>, %arg4: memref<2x4xf32, #tpu.memory_space<vmem>>, %arg5: memref<2x50000xf32, #tpu.memory_space<vmem>>, %arg6: memref<2x50000xf32, #tpu.memory_space<vmem>>) attributes {dimension_semantics = [], scalar_prefetch = 0 : i64, scratch_operands = 0 : i64, tpu.core_type = #tpu.core_type<tc>} {
    %get3A = arith.constant 0 : index
    %get3A_0 = arith.constant 0 : index
    %get3A_1 = vector.load %arg2[%get3A, %get3A_0] : memref<1x50000xf32, #tpu.memory_space<vmem>>, vector<1x50000xf32>
    %get3A_2 = arith.constant 0 : index
    %get3A_3 = arith.constant 0 : index
    %get3A_4 = arith.constant 0 : index
    %get3A_5 = vector.load %arg0[%get3A_2, %get3A_3, %get3A_4] : memref<8x4x50000xf32, #tpu.memory_space<vmem>>, vector<8x4x50000xf32>
    %reduce_sum3A = arith.constant dense<0.000000e+00> : vector<4x50000xf32>
    %reduce_sum3A_6 = vector.multi_reduction <add>, %get3A_5, %reduce_sum3A [0] : vector<8x4x50000xf32> to vector<4x50000xf32>
    %mul3A = vector.broadcast %get3A_1 : vector<1x50000xf32> to vector<4x50000xf32>
    %mul3A_7 = arith.mulf %mul3A, %reduce_sum3A_6 : vector<4x50000xf32>
    %mul3A_8 = arith.mulf %get3A_1, %get3A_1 : vector<1x50000xf32>
    %get3A_9 = arith.constant 0 : index
    %get3A_10 = arith.constant 0 : index
    %get3A_11 = vector.load %arg1[%get3A_9, %get3A_10] : memref<4x50000xf32, #tpu.memory_space<vmem>>, vector<4x50000xf32>
    %mul3A_12 = vector.broadcast %mul3A_8 : vector<1x50000xf32> to vector<4x50000xf32>
    %mul3A_13 = arith.mulf %mul3A_12, %get3A_11 : vector<4x50000xf32>
    %add3A = arith.addf %mul3A_7, %mul3A_13 : vector<4x50000xf32>
    %get3A_14 = arith.constant 0 : index
    %get3A_15 = arith.constant 0 : index
    %get3A_16 = vector.load %arg3[%get3A_14, %get3A_15] : memref<4x1xf32, #tpu.memory_space<vmem>>, vector<4x1xf32>
    %add3A_17 = vector.broadcast %get3A_16 : vector<4x1xf32> to vector<4x50000xf32>
    %add3A_18 = arith.addf %add3A, %add3A_17 : vector<4x50000xf32>
    %tanh3A = math.tanh %add3A_18 : vector<4x50000xf32>
    %get3A_19 = arith.constant 0 : index
    %get3A_20 = arith.constant 0 : index
    %get3A_21 = vector.load %arg4[%get3A_19, %get3A_20] : memref<2x4xf32, #tpu.memory_space<vmem>>, vector<2x4xf32>
    %dot_general3A = arith.constant dense<0.000000e+00> : vector<2x50000xf32>
    %dot_general3A_22 = tpu.matmul %get3A_21, %tanh3A, %dot_general3A {dimension_numbers = #tpu.dot_dimension_numbers<[1], [0], [0], [1], [0, 0, 1, 1], [], []>, transpose_lhs_hint = false} : vector<2x4xf32>, vector<4x50000xf32>, vector<2x50000xf32> -> vector<2x50000xf32>
    %swap3A = arith.constant 0 : index
    %swap3A_23 = arith.constant 0 : index
    %swap3A_24 = vector.load %arg5[%swap3A, %swap3A_23] : memref<2x50000xf32, #tpu.memory_space<vmem>>, vector<2x50000xf32>
    tpu.vector_store %arg5[%swap3A, %swap3A_23], %dot_general3A_22 {strides = array<i32>} : memref<2x50000xf32, #tpu.memory_space<vmem>>, vector<2x50000xf32>,
    %mul3A_25 = vector.broadcast %get3A_1 : vector<1x50000xf32> to vector<2x50000xf32>
    %mul3A_26 = arith.mulf %dot_general3A_22, %mul3A_25 : vector<2x50000xf32>
    %swap3A_27 = arith.constant 0 : index
    %swap3A_28 = arith.constant 0 : index
    %swap3A_29 = vector.load %arg6[%swap3A_27, %swap3A_28] : memref<2x50000xf32, #tpu.memory_space<vmem>>, vector<2x50000xf32>
    tpu.vector_store %arg6[%swap3A_27, %swap3A_28], %mul3A_26 {strides = array<i32>} : memref<2x50000xf32, #tpu.memory_space<vmem>>, vector<2x50000xf32>,
    return
  }
}

module attributes {stable_mosaic.version = 14 : i64} {
  func.func @_tc_final_body(%arg0: memref<16x2x50000xf32, #tpu.memory_space<vmem>>, %arg1: memref<2x50000xf32, #tpu.memory_space<vmem>>, %arg2: memref<1x50000xf32, #tpu.memory_space<vmem>>, %arg3: memref<2x1xf32, #tpu.memory_space<vmem>>, %arg4: memref<1x2xf32, #tpu.memory_space<vmem>>, %arg5: memref<1x1xf32, #tpu.memory_space<vmem>>, %arg6: memref<2x50000xf32, #tpu.memory_space<vmem>>, %arg7: memref<1x50000xf32, #tpu.memory_space<vmem>>) attributes {dimension_semantics = [], scalar_prefetch = 0 : i64, scratch_operands = 0 : i64, tpu.core_type = #tpu.core_type<tc>} {
    %get3A = arith.constant 0 : index
    %get3A_0 = arith.constant 0 : index
    %get3A_1 = vector.load %arg2[%get3A, %get3A_0] : memref<1x50000xf32, #tpu.memory_space<vmem>>, vector<1x50000xf32>
    %get3A_2 = arith.constant 0 : index
    %get3A_3 = arith.constant 0 : index
    %get3A_4 = arith.constant 0 : index
    %get3A_5 = vector.load %arg0[%get3A_2, %get3A_3, %get3A_4] : memref<16x2x50000xf32, #tpu.memory_space<vmem>>, vector<16x2x50000xf32>
    %reduce_sum3A = arith.constant dense<0.000000e+00> : vector<2x50000xf32>
    %reduce_sum3A_6 = vector.multi_reduction <add>, %get3A_5, %reduce_sum3A [0] : vector<16x2x50000xf32> to vector<2x50000xf32>
    %mul3A = vector.broadcast %get3A_1 : vector<1x50000xf32> to vector<2x50000xf32>
    %mul3A_7 = arith.mulf %mul3A, %reduce_sum3A_6 : vector<2x50000xf32>
    %mul3A_8 = arith.mulf %get3A_1, %get3A_1 : vector<1x50000xf32>
    %get3A_9 = arith.constant 0 : index
    %get3A_10 = arith.constant 0 : index
    %get3A_11 = vector.load %arg1[%get3A_9, %get3A_10] : memref<2x50000xf32, #tpu.memory_space<vmem>>, vector<2x50000xf32>
    %mul3A_12 = vector.broadcast %mul3A_8 : vector<1x50000xf32> to vector<2x50000xf32>
    %mul3A_13 = arith.mulf %mul3A_12, %get3A_11 : vector<2x50000xf32>
    %add3A = arith.addf %mul3A_7, %mul3A_13 : vector<2x50000xf32>
    %get3A_14 = arith.constant 0 : index
    %get3A_15 = arith.constant 0 : index
    %get3A_16 = vector.load %arg3[%get3A_14, %get3A_15] : memref<2x1xf32, #tpu.memory_space<vmem>>, vector<2x1xf32>
    %add3A_17 = vector.broadcast %get3A_16 : vector<2x1xf32> to vector<2x50000xf32>
    %add3A_18 = arith.addf %add3A, %add3A_17 : vector<2x50000xf32>
    %tanh3A = math.tanh %add3A_18 : vector<2x50000xf32>
    %swap3A = arith.constant 0 : index
    %swap3A_19 = arith.constant 0 : index
    %swap3A_20 = vector.load %arg6[%swap3A, %swap3A_19] : memref<2x50000xf32, #tpu.memory_space<vmem>>, vector<2x50000xf32>
    tpu.vector_store %arg6[%swap3A, %swap3A_19], %tanh3A {strides = array<i32>} : memref<2x50000xf32, #tpu.memory_space<vmem>>, vector<2x50000xf32>,
    %get3A_21 = arith.constant 0 : index
    %get3A_22 = arith.constant 0 : index
    %get3A_23 = vector.load %arg4[%get3A_21, %get3A_22] : memref<1x2xf32, #tpu.memory_space<vmem>>, vector<1x2xf32>
    %dot_general3A = arith.constant dense<0.000000e+00> : vector<1x50000xf32>
    %dot_general3A_24 = tpu.matmul %get3A_23, %tanh3A, %dot_general3A {dimension_numbers = #tpu.dot_dimension_numbers<[1], [0], [0], [1], [0, 0, 1, 1], [], []>, transpose_lhs_hint = false} : vector<1x2xf32>, vector<2x50000xf32>, vector<1x50000xf32> -> vector<1x50000xf32>
    %get3A_25 = arith.constant 0 : index
    %get3A_26 = arith.constant 0 : index
    %get3A_27 = vector.load %arg5[%get3A_25, %get3A_26] : memref<1x1xf32, #tpu.memory_space<vmem>>, vector<1x1xf32>
    %add3A_28 = vector.broadcast %get3A_27 : vector<1x1xf32> to vector<1x50000xf32>
    %add3A_29 = arith.addf %dot_general3A_24, %add3A_28 : vector<1x50000xf32>
    %swap3A_30 = arith.constant 0 : index
    %swap3A_31 = arith.constant 0 : index
    %swap3A_32 = vector.load %arg7[%swap3A_30, %swap3A_31] : memref<1x50000xf32, #tpu.memory_space<vmem>>, vector<1x50000xf32>
    tpu.vector_store %arg7[%swap3A_30, %swap3A_31], %add3A_29 {strides = array<i32>} : memref<1x50000xf32, #tpu.memory_space<vmem>>, vector<1x50000xf32>,
    return
  }
}

</mosaic_0001>

<sc_bundles>
// kernel: kernel.10.cloned.1.call-start
scs
__scs_entry_jumppad:
0x0: {  	(pc) =	sbr.rel $0x88, $3  }
0x1: {  	(tag) =	ssettag $0x0;
	lr =	simm.s32 $0x1  }
0x2: {  	[smem:$0x3F97] =	sst lr;
	_ =	strace $0xD0000000  }
0x3: {  	_ = 	snop  }
0x4: {  	_ = 	snop  }
0x5: {  	_ = 	snop  }
0x6: {  	_ = 	snop  }
0x7: {  	_ = 	snop  }
__scs_overlays_trampoline_lowered:
0x8: {  	[smem:$0x3FA6] =	sst s0  }
0x9: {  	[smem:$0x3FA7] =	sst s1  }
0xa: {  	[smem:$0x3FA8] =	sst s2  }
0xb: {  	[smem:$0x3FA9] =	sst s3  }
0xc: {  	[smem:$0x3FAA] =	sst s4  }
0xd: {  	[smem:$0x3FAB] =	sst s5  }
0xe: {  	[smem:$0x3FAC] =	sst s6  }
0xf: {  	[smem:$0x3FAD] =	sst s7  }
0x10: {  	[smem:$0x3FAE] =	sst s8  }
0x11: {  	[smem:$0x3FAF] =	sst s9;
	s0 =	simm.s32 @!p0 $0x0  }
0x12: {  	s1 =	sld [smem:$0x3F95];
	s0 =	simm.s32 @p0 $0x1  }
0x13: {  	[smem:$0x3FB0] =	sst s0;
	s0 =	simm.s32 @!p1 $0x0  }
0x14: {  	s2 =	sld [smem:$0x3F94];
	s0 =	simm.s32 @p1 $0x1  }
0x15: {  	[smem:$0x3FB1] =	sst s0;
	s0 =	simm.s32 @!p2 $0x0  }
0x16: {  	s3 =	sld [smem:$0x3FDB];
	s0 =	simm.s32 @p2 $0x1  }
0x17: {  	s4 =	simm.s32 $0x1BF5;
	[smem:$0x3FB3] =	sst s0  }
0x18: {  	s0 =	sld [smem:$0x3F96];
	_ =	swait.ge [sflag:s4], $0x0  }
0x19: {  	s7 =	sld [smem:$0x3F97]  }
0x1a: {  	s8 =	sadd.s32 $0xFFFFE003, lr  }
0x1b: {  	s9 =	sadd.s32 $0xFFFFFEF7, lr;
	s5 =	simm.s32 $0xFFFFFFFF;
	p2 =	slt.u32 s8, $0xFFFFF086  }
0x1c: {  	p1 =	slt.u32 s9, $0xF7A;
	s5 =	simm.s32 @!p2 $0x0  }
0x1d: {  	s5 =	simm.s32 @p1 $0x1;
	p0 =	seq.s32 s7, s2  }
0x1e: {  	s7 =	smul.u32 @!p0 $0xF7A, s2;
	p2 =	seq.s32 @!p0 s5, $0x0  }
0x1f: {  	s9 =	smul.u32 $0xF7A, s1;
	s8 =	simm.s32 @!p0 $0x1BF5;
	p2 =	por !p2, p0  }
0x20: {  	[sflag:s8] =	ssyncset.s32 @!p0 $0xFFFFF086;
	s6 =	sadd.s32 @!p0 s3, s7;
	s7 =	simm.s32 @!p0 $0x108  }
0x21: {  	s3 =	sadd.s32 s3, s9;
	s6 =	sadd.s32 @!p0 $0x88, s6;
	s7 =	simm.s32 @p2 $0x1082  }
0x22: {  	[simem:s7], [sflag:s8] =	dma.local @!p0 [hbm:s6], $0xF7A  }
0x23: {  	s9 =	sor.u32 $0xD0000000, s2;
	s6 =	simm.s32 $0x108;
	_ =	swait.ge @!p0 [sflag:s8], $0x0  }
0x24: {  	s3 =	sadd.s32 $0x88, s3;
	s6 =	simm.s32 @!p1 $0x1082;
	[sflag:s4] =	ssyncset.s32 $0xFFFFF086  }
0x25: {  	[simem:s6], [sflag:s4] =	dma.local [hbm:s3], $0xF7A  }
0x26: {  	[smem:$0x3F97] =	sst s1;
	(tag) =	ssettag s2;
	_ =	strace s9  }
0x27: {  	s1 =	sld [smem:$0x3FA7]  }
0x28: {  	s2 =	sld [smem:$0x3FA8]  }
0x29: {  	s4 =	sld [smem:$0x3FAA]  }
0x2a: {  	p0 =	seq.s32 s5, $0x0;
	s5 =	sld [smem:$0x3FAB]  }
0x2b: {  	s6 =	sld [smem:$0x3FAC]  }
0x2c: {  	s7 =	sld [smem:$0x3FAD]  }
0x2d: {  	s3 =	simm.s32 $0x108;
	s8 =	sld [smem:$0x3FAE]  }
0x2e: {  	s3 =	simm.s32 @!p0 $0x1082;
	s9 =	sld [smem:$0x3FAF]  }
0x2f: {  	lr =	sadd.s32 s0, s3;
	s0 =	sld [smem:$0x3FA6]  }
0x30: {  	s3 =	sld [smem:$0x3FA9]  }
0x31: {  	[smem:$0x3FB2] =	sst s10  }
0x32: {  	s10 =	sld [smem:$0x3FB0];
	_ =	sdelay $0x3  }
0x33: {  	p0 =	seq.s32 s10, $0x1;
	s10 =	sld [smem:$0x3FB2];
	_ =	sdelay $0x3  }
0x34: {  	[smem:$0x3FB2] =	sst s10  }
0x35: {  	s10 =	sld [smem:$0x3FB1];
	_ =	sdelay $0x3  }
0x36: {  	p1 =	seq.s32 s10, $0x1;
	s10 =	sld [smem:$0x3FB2];
	_ =	sdelay $0x3  }
0x37: {  	[smem:$0x3FB2] =	sst s10  }
0x38: {  	s10 =	sld [smem:$0x3FB3]  }
0x39: {  	_ = 	snop;
	(pc) =	sbr.ind lr, $3  }
0x3a: {  	_ = 	snop  }
0x3b: {  	_ = 	snop  }
0x3c: {  	p2 =	seq.s32 s10, $0x1;
	s10 =	sld [smem:$0x3FB2]  }
0x3d: {  	_ =	shalt  }
0x3e: {  	_ =	shalt  }
0x3f: {  	_ =	shalt  }
0x40: {  	_ =	shalt  }
0x41: {  	_ =	shalt  }
0x42: {  	_ =	shalt  }
0x43: {  	_ =	shalt  }
0x44: {  	_ =	shalt  }
0x45: {  	_ =	shalt  }
0x46: {  	_ =	shalt  }
0x47: {  	_ =	shalt  }
0x48: {  	_ =	shalt  }
0x49: {  	_ =	shalt  }
0x4a: {  	_ =	shalt  }
0x4b: {  	_ =	shalt  }
0x4c: {  	_ =	shalt  }
0x4d: {  	_ =	shalt  }
0x4e: {  	_ =	shalt  }
0x4f: {  	_ =	shalt  }
0x50: {  	_ =	shalt  }
0x51: {  	_ =	shalt  }
0x52: {  	_ =	shalt  }
0x53: {  	_ =	shalt  }
0x54: {  	_ =	shalt  }
0x55: {  	_ =	shalt  }
0x56: {  	_ =	shalt  }
0x57: {  	_ =	shalt  }
0x58: {  	_ =	shalt  }
0x59: {  	_ =	shalt  }
0x5a: {  	_ =	shalt  }
0x5b: {  	_ =	shalt  }
0x5c: {  	_ =	shalt  }
0x5d: {  	_ =	shalt  }
0x5e: {  	_ =	shalt  }
0x5f: {  	_ =	shalt  }
0x60: {  	_ =	shalt  }
0x61: {  	_ =	shalt  }
0x62: {  	_ =	shalt  }
0x63: {  	_ =	shalt  }
0x64: {  	_ =	shalt  }
0x65: {  	_ =	shalt  }
0x66: {  	_ =	shalt  }
0x67: {  	_ =	shalt  }
0x68: {  	_ =	shalt  }
0x69: {  	_ =	shalt  }
0x6a: {  	_ =	shalt  }
0x6b: {  	_ =	shalt  }
0x6c: {  	_ =	shalt  }
0x6d: {  	_ =	shalt  }
0x6e: {  	_ =	shalt  }
0x6f: {  	_ =	shalt  }
0x70: {  	_ =	shalt  }
0x71: {  	_ =	shalt  }
0x72: {  	_ =	shalt  }
0x73: {  	_ =	shalt  }
0x74: {  	_ =	shalt  }
0x75: {  	_ =	shalt  }
0x76: {  	_ =	shalt  }
0x77: {  	_ =	shalt  }
0x78: {  	_ =	shalt  }
0x79: {  	_ =	shalt  }
0x7a: {  	_ =	shalt  }
0x7b: {  	_ =	shalt  }
0x7c: {  	_ =	shalt  }
0x7d: {  	_ =	shalt  }
0x7e: {  	_ =	shalt  }
0x7f: {  	_ =	shalt  }
0x80: {  	_ =	shalt  }
0x81: {  	_ =	shalt  }
0x82: {  	_ =	shalt  }
0x83: {  	_ =	shalt  }
0x84: {  	_ =	shalt  }
0x85: {  	_ =	shalt  }
0x86: {  	_ =	shalt  }
0x87: {  	_ =	shalt  }
.Lfunc_end0:
.L_simem_size_0:
called_computation_lowered:
.L_overlay_start_0:
0x88: {  	s2 =	sld [smem:$0x3FD9]  }
0x89: {  	s3 =	sld [smem:$0x3FFE];
	_ =	sdelay $0x1  }
0x8a: {  	s1 =	srdreg.scid  }
0x8b: {  	s0 =	sand.u32 $0x1, s1  }
0x8c: {  	s16 =	sshll.u32 s0, $0xA;
	s2 =	sadd.s32 s3, s2  }
0x8d: {  	s2 =	sadd.s32 s2, s16  }
0x8e: {  	[smem:$0x3FBE] =	sst s2  }
0x8f: {  	_ = 	snop  }
0x90: {  	(tm) =	ssettm $0x1  }
0x91: {  	s17 =	sld [smem:$0x3FFB];
	_ =	sdelay $0x3  }
0x92: {  	_ =	strace s17  }
0x93: {  	s2 =	sld [smem:$0x3FFC];
	_ =	sdelay $0x3  }
0x94: {  	_ =	strace s2  }
0x95: {  	s2 =	sld [smem:$0x3FFD];
	_ =	sdelay $0x3  }
0x96: {  	_ =	strace s2  }
0x97: {  	_ =	strace $0x8FFFFFFF  }
0x98: {  	s18 =	sld [smem:$0x3FDB];
	_ =	sdelay $0x1  }
0x99: {  	s19 =	simm.s32 $_scs_section_size  }
0x9a: {  	s4 =	simm.s32 $_size__tile_overlayer_lowered;
	s5 =	simm.s32 $_tile_overlayer_lowered  }
0x9b: {  	s22 =	simm.s32 $0x1BFF;
	s21 =	sshll.u32 s5, $0x1;
	s2 =	sadd.s32 s19, s18  }
0x9c: {  	s6 =	simm.s32 $0x0;
	s20 =	sshll.u32 s4, $0x1;
	s4 =	sadd.s32 s21, s2  }
0x9d: {  	[timem:s6], [sflag:s22] =	dma.local [hbm:s4], s20  }
0x9e: {  	_ =	swait.ge [sflag:s22], s20  }
0x9f: {  	s3 =	ssub.s32 $0x0, s20;
	[sflag:s22] =	ssyncset.done $0x0  }
0xa0: {  	[sflag:s22] =	ssyncadd.s32 s3;
	_ =	sdelay $0x1  }
0xa1: {  	s23 =	simm.s32 $0x1B8B  }
0xa2: {  	_ =	swait.ge [sflag:s23], $0x1  }
0xa3: {  	[sflag:s23] =	ssyncset.done $0x0  }
0xa4: {  	s25 =	simm.s32 $0x1B8E;
	s24 =	sld [smem:$0x3FFE];
	[sflag:s23] =	ssyncadd.s32 $0xFFFFFFFF  }
0xa5: {  	s26 =	simm.s32 $execute0_lowered;
	[smem:$0x3FD2] =	sst s25  }
0xa6: {  	s4 =	sshll.u32 s26, $0x1;
	_ =	strace $0x80000046;
	[dreg:$0x1] =	wrdreg $0xFFFFFFFF  }
0xa7: {  	s28 =	simm.s32 $_size_execute0_lowered;
	s2 =	sadd.s32 s2, s4;
	[dreg:$0x0] =	wrdreg $0x0  }
0xa8: {  	s4 =	sshll.u32 s28, $0x1;
	[dreg:$0x2] =	wrdreg s2  }
0xa9: {  	[dreg:$0x3] =	wrdreg s4  }
0xaa: {  	[dreg:$0x4] =	wrdreg $0xC0  }
0xab: {  	_ =	task [dreg:s6], $0x5FFFF  }
0xac: {  	[dreg:$0x1] =	wrdreg $0xFFFFFFFF  }
0xad: {  	[dreg:$0x0] =	wrdreg $0x60  }
0xae: {  	[dreg:$0x2] =	wrdreg s24  }
0xaf: {  	[dreg:$0x3] =	wrdreg $0x9  }
0xb0: {  	_ =	task.clear_ibuf [dreg:s6], $0x4FFFF;
	_ =	strace $0x90000046  }
0xb1: {  	s29 =	simm.s32 $0x9;
	_ =	strace $0x80000048  }
0xb2: {  	_ =	swait.ge [sflag:s29], $0x1  }
0xb3: {  	[sflag:s29] =	ssyncadd.s32 $0xFFFFFFFF  }
0xb4: {  	_ =	strace $0x90000048  }
0xb5: {  	_ =	sfence  }
0xb6: {  	s30 =	sld [smem:$0x0];
	_ =	sdelay $0x2  }
0xb7: {  	s31 =	sshll.u32 s1, $0xD;
	s1 =	sshrl.u32 s1, $0x2  }
0xb8: {  	s3 =	sand.u32 $0x4000, s31;
	s1 =	sadd.s32 s1, s30  }
0xb9: {  	s0 =	sor.u32 s3, s0;
	s1 =	sshll.u32 s1, $0x11  }
0xba: {  	s0 =	sor.u32 s1, s0  }
0xbb: {  	s0 =	sadd.s32 $0x8F2B, s0  }
0xbc: {  	[sflag:s0] =	ssyncadd.remote.s32 $0x1  }
0xbd: {  	_ =	sfence.sel $0xFFFF  }
0xbe: {  	[dreg:$0x0] =	wrdreg $0xFFFFFFFF;
	(pc) =	sbr.abs _section_cstart, $3  }
0xbf: {  	[dreg:$0x1] =	wrdreg $0xFFFFFFFF  }
0xc0: {  	_ =	task.clear_ibuf [dreg:s6], $0x2FFFF;
	_ =	strace $0x9FFFFFFF  }
0xc1: {  	(tm) =	ssettm $0x7FFFFFFF  }
tec
execute0_lowered:
.L_overlay_start_1:
0x0: {  	(tag) =	ssettag $0x1  }
0x1: {  	s1 =	srdreg.scid;
	s0 =	stileid.u32  }
0x2: {  	s4 =	rddreg [dreg:$0x0];
	s11 =	simm.s32 $0x1;
	s12 =	simm.s32 $0x1000  }
0x3: {  	s13 =	simm.s32 $0x2;
	s14 =	simm.s32 $0x80;
	s15 =	simm.s32 $0x400  }
0x4: {  	s16 =	simm.s32 $0x3;
	s17 =	simm.s32 $0x0;
	s5 =	sand.u32 $0x1, s1  }
0x5: {  	s2 =	sshll.u32 s0, $0x1;
	s1 =	rddreg [dreg:$0x1];
	s6 =	sshrl.u32 s0, $0x2  }
0x6: {  	s3 =	sor.u32 s5, s2;
	s2 =	simm.s32 $0x0;
	s6 =	smul.u32 $0x61C00, s6  }
0x7: {  	s5 =	ssub.s32 $0x2, s5;
	s7 =	sshll.u32 s3, $0x7;
	[smem:$0x7FF] =	sst s2  }
0x8: {  	s8 =	smul.u32 $0x186A0, s3;
	s3 =	sadd.s32 $0x3C00, s4;
	s30 =	sshrl.u32 s5, $0x1  }
0x9: {  	s7 =	sand.u32 $0x380, s7;
	_ =	strace $0x80000047;
	s10 =	ssub.s32 s5, s30  }
0xa: {  	s6 =	sor.u32 s6, s7;
	s29 =	sshrl.u32 s8, $0x3;
	s5 =	sadd.s32 $0x30E3A0, s8  }
0xb: {  	s7 =	sadd.s32 $0x30EB70, s8;
	s6 =	sshrl.u32 s6, $0x3;
	s31 =	sadd.s32 s3, s29  }
0xc: {  	s9 =	sadd.s32 s6, s4;
	s4 =	sadd.s32 $0x61A80, s31;
	s6 =	sadd.s32 $0x61B7A, s31  }
0xd: {  	v0 =	vimm.f32 $0.0e+00;
	v1 =	vimm.f32 $1.000000000e+00;
	s8 =	sadd.s32 $0xC7200, s9;
	s9 =	smax.u32 s10, $0x1;
	s10 =	simm.s32 $0x800  }
.LBB2_1:
0xe: {  	[tilespmem:s2], [sflag:$0x1] =	stream.linear.gather [hbm4b:s4+s2], $0x7D0, $0x38;
	[tilespmem:$0xD380] =	vst v63  }
0xf: {  	s18 =	simm.s32 $0x1040  }
0x10: {  	[tilespmem:s10], [sflag:$0x2] =	stream.linear.gather [hbm4b:s6+s2], $0x7D0, $0x38;
	[tilespmem:$0xD380] =	vst v63  }
0x11: {  	[tilespmem:s18+$0xFFFFFFC0] =	vst v0  }
0x12: {  	[tilespmem:s18+$0x30] =	vst v0  }
0x13: {  	[tilespmem:s18+$0x20] =	vst v0  }
0x14: {  	[tilespmem:s18+$0x10] =	vst v0  }
0x15: {  	[tilespmem:s18+$0x0] =	vst v0  }
0x16: {  	[tilespmem:s18+$0xFFFFFFF0] =	vst v0  }
0x17: {  	s19 =	simm.s32 $0x0;
	[tilespmem:s18+$0xFFFFFFE0] =	vst v0  }
.LBB2_2:
0x18: {  	s19 =	sadd.s32 $0x8, s19;
	[tilespmem:s18+$0xFFFFFFD0] =	vst v0;
	s18 =	sadd.s32 $0x80, s18  }
0x19: {  	[tilespmem:s18+$0xFFFFFFC0] =	vst v0;
	p0 =	slt.u32 s19, $0xC28  }
0x1a: {  	[tilespmem:s18+$0x30] =	vst v0  }
.Ltmp0:
0x1b: {  	[tilespmem:s18+$0x20] =	vst v0;
	(pc) =	sbr.rel @p0 .LBB2_2-.Ltmp0, $4  }
0x1c: {  	[tilespmem:s18+$0x10] =	vst v0  }
0x1d: {  	[tilespmem:s18+$0x0] =	vst v0  }
0x1e: {  	[tilespmem:s18+$0xFFFFFFF0] =	vst v0  }
0x1f: {  	[tilespmem:s18+$0xFFFFFFE0] =	vst v0  }
0x20: {  	[tilespmem:s18+$0xFFFFFFD0] =	vst v0;
	s18 =	simm.s32 $0x0;
	s19 =	simm.s32 $0x0  }
.LBB2_4:
0x21: {  	p0 =	sne.s32 s19, $0x100  }
.Ltmp1:
0x22: {  	_ = 	snop;
	(pc) =	sbr.rel @p0 .LBB2_4-.Ltmp1, $3  }
0x23: {  	_ =	sdelay $0x1  }
0x24: {  	s20 =	sshra.s32 s19, $0x2  }
0x25: {  	s19 =	sadd.s32 $0x40, s19;
	[tilespmem:s20+$0xD300] =	vst v0  }
.Ltmp2:
0x26: {  	_ = 	snop;
	(pc) =	sbr.rel .LBB2_5-.Ltmp2, $1  }
0x27: {  	_ =	sdelay $0x3  }
.LBB2_14:
0x28: {  	s19 =	smul.u32 $0xFA0, s18;
	_ =	sdelay $0x1  }
0x29: {  	s19 =	sadd.s32 s19, s7  }
0x2a: {  	s19 =	sshrl.u32 s19, $0x3  }
0x2b: {  	s18 =	sadd.s32 $0x1, s18;
	s19 =	sadd.s32 s3, s19  }
0x2c: {  	[tilespmem:s10], [sflag:$0x2] =	stream.linear.gather [hbm4b:s19+s2], $0x7D0, $0x38;
	[tilespmem:$0xD380] =	vst v63  }
.LBB2_5:
0x2d: {  	_ =	swait.ge [sflag:s11], $0x7D0  }
0x2e: {  	[sflag:s11] =	ssyncset.done $0x0  }
0x2f: {  	s19 =	simm.s32 $0x40;
	[sflag:s11] =	ssyncadd.s32 $0xFFFFF830  }
0x30: {  	v3 =	vld [tilespmem:s19+$0xFFFFFFC0]  }
0x31: {  	v4 =	vld [tilespmem:s19+$0x30]  }
0x32: {  	v5 =	vld [tilespmem:s19+$0x20]  }
0x33: {  	v6 =	vld [tilespmem:s19+$0x10]  }
0x34: {  	v7 =	vld [tilespmem:s19+$0x0]  }
0x35: {  	v8 =	vld [tilespmem:s19+$0xFFFFFFF0]  }
0x36: {  	v9 =	vld [tilespmem:s19+$0xFFFFFFE0]  }
0x37: {  	v2 =	vld [tilespmem:s19+$0xFFFFFFD0]  }
0x38: {  	[tilespmem:v3+s12+$0x0] =	vst.idx.add.f32.msk $0xffff, v1  }
0x39: {  	[tilespmem:v4+s12+$0x0] =	vst.idx.add.f32.msk $0xffff, v1  }
0x3a: {  	[tilespmem:v5+s12+$0x0] =	vst.idx.add.f32.msk $0xffff, v1  }
0x3b: {  	[tilespmem:v6+s12+$0x0] =	vst.idx.add.f32.msk $0xffff, v1  }
0x3c: {  	[tilespmem:v7+s12+$0x0] =	vst.idx.add.f32.msk $0xffff, v1  }
0x3d: {  	[tilespmem:v8+s12+$0x0] =	vst.idx.add.f32.msk $0xffff, v1  }
0x3e: {  	s20 =	simm.s32 $0x0;
	[tilespmem:v9+s12+$0x0] =	vst.idx.add.f32.msk $0xffff, v1  }
.LBB2_6:
0x3f: {  	s20 =	sadd.s32 $0x8, s20;
	[tilespmem:v2+s12+$0x0] =	vst.idx.add.f32.msk $0xffff, v1;
	s19 =	sadd.s32 $0x80, s19  }
0x40: {  	v3 =	vld [tilespmem:s19+$0xFFFFFFC0];
	p0 =	slt.u32 s20, $0x70  }
0x41: {  	v4 =	vld [tilespmem:s19+$0x30]  }
0x42: {  	v5 =	vld [tilespmem:s19+$0x20]  }
0x43: {  	v6 =	vld [tilespmem:s19+$0x10]  }
0x44: {  	v7 =	vld [tilespmem:s19+$0x0]  }
0x45: {  	v8 =	vld [tilespmem:s19+$0xFFFFFFF0]  }
0x46: {  	v9 =	vld [tilespmem:s19+$0xFFFFFFE0]  }
0x47: {  	v2 =	vld [tilespmem:s19+$0xFFFFFFD0]  }
0x48: {  	[tilespmem:v3+s12+$0x0] =	vst.idx.add.f32.msk $0xffff, v1  }
0x49: {  	[tilespmem:v4+s12+$0x0] =	vst.idx.add.f32.msk $0xffff, v1  }
.Ltmp3:
0x4a: {  	[tilespmem:v5+s12+$0x0] =	vst.idx.add.f32.msk $0xffff, v1;
	(pc) =	sbr.rel @p0 .LBB2_6-.Ltmp3, $4  }
0x4b: {  	[tilespmem:v6+s12+$0x0] =	vst.idx.add.f32.msk $0xffff, v1  }
0x4c: {  	[tilespmem:v7+s12+$0x0] =	vst.idx.add.f32.msk $0xffff, v1  }
0x4d: {  	[tilespmem:v8+s12+$0x0] =	vst.idx.add.f32.msk $0xffff, v1  }
0x4e: {  	[tilespmem:v9+s12+$0x0] =	vst.idx.add.f32.msk $0xffff, v1  }
0x4f: {  	_ =	sdelay $0x3  }
0x50: {  	[tilespmem:v2+s12+$0x0] =	vst.idx.add.f32.msk $0xffff, v1;
	s19 =	simm.s32 $0x0  }
.LBB2_8:
0x51: {  	s20 =	sshra.s32 s19, $0x2  }
0x52: {  	v2 =	vld [tilespmem:s20+$0x780];
	_ =	sdelay $0x2  }
0x53: {  	p0 =	sne.s32 s19, $0x100  }
.Ltmp4:
0x54: {  	_ = 	snop;
	(pc) =	sbr.rel @p0 .LBB2_8-.Ltmp4, $2  }
0x55: {  	_ =	sdelay $0x2  }
0x56: {  	s19 =	sadd.s32 $0x40, s19;
	[tilespmem:v2+s12+$0x0] =	vst.idx.add.f32.msk $0xffff, v1  }
0x57: {  	p0 =	seq.s32 s18, $0x18  }
0x58: {  	s19 =	smul.u32 @!p0 $0xFA0, s18;
	_ =	sdelay $0x1  }
0x59: {  	s19 =	sadd.s32 @!p0 s19, s5  }
0x5a: {  	s19 =	sshrl.u32 @!p0 s19, $0x3  }
0x5b: {  	s20 =	simm.s32 @!p0 $0x0;
	s19 =	sadd.s32 @!p0 s3, s19  }
0x5c: {  	[tilespmem:s20], [sflag:$0x1] =	stream.linear.gather @!p0 [hbm4b:s19+s20], $0x7D0, $0x38;
	[tilespmem:$0xD380] =	vst v63  }
0x5d: {  	_ =	swait.ge [sflag:s13], $0x7D0  }
0x5e: {  	[sflag:s13] =	ssyncset.done $0x0  }
0x5f: {  	s19 =	simm.s32 $0x840;
	[sflag:s13] =	ssyncadd.s32 $0xFFFFF830  }
0x60: {  	v3 =	vld [tilespmem:s19+$0xFFFFFFC0]  }
0x61: {  	v4 =	vld [tilespmem:s19+$0x30]  }
0x62: {  	v5 =	vld [tilespmem:s19+$0x20]  }
0x63: {  	v6 =	vld [tilespmem:s19+$0x10]  }
0x64: {  	v7 =	vld [tilespmem:s19+$0x0]  }
0x65: {  	v8 =	vld [tilespmem:s19+$0xFFFFFFF0]  }
0x66: {  	v9 =	vld [tilespmem:s19+$0xFFFFFFE0]  }
0x67: {  	v2 =	vld [tilespmem:s19+$0xFFFFFFD0]  }
0x68: {  	[tilespmem:v3+s12+$0x0] =	vst.idx.add.f32.msk $0xffff, v1  }
0x69: {  	[tilespmem:v4+s12+$0x0] =	vst.idx.add.f32.msk $0xffff, v1  }
0x6a: {  	[tilespmem:v5+s12+$0x0] =	vst.idx.add.f32.msk $0xffff, v1  }
0x6b: {  	[tilespmem:v6+s12+$0x0] =	vst.idx.add.f32.msk $0xffff, v1  }
0x6c: {  	[tilespmem:v7+s12+$0x0] =	vst.idx.add.f32.msk $0xffff, v1  }
0x6d: {  	[tilespmem:v8+s12+$0x0] =	vst.idx.add.f32.msk $0xffff, v1  }
0x6e: {  	s20 =	simm.s32 $0x0;
	[tilespmem:v9+s12+$0x0] =	vst.idx.add.f32.msk $0xffff, v1  }
.LBB2_10:
0x6f: {  	s20 =	sadd.s32 $0x8, s20;
	[tilespmem:v2+s12+$0x0] =	vst.idx.add.f32.msk $0xffff, v1;
	s19 =	sadd.s32 $0x80, s19  }
0x70: {  	v3 =	vld [tilespmem:s19+$0xFFFFFFC0];
	p1 =	slt.u32 s20, $0x70  }
0x71: {  	v4 =	vld [tilespmem:s19+$0x30]  }
0x72: {  	v5 =	vld [tilespmem:s19+$0x20]  }
0x73: {  	v6 =	vld [tilespmem:s19+$0x10]  }
0x74: {  	v7 =	vld [tilespmem:s19+$0x0]  }
0x75: {  	v8 =	vld [tilespmem:s19+$0xFFFFFFF0]  }
0x76: {  	v9 =	vld [tilespmem:s19+$0xFFFFFFE0]  }
0x77: {  	v2 =	vld [tilespmem:s19+$0xFFFFFFD0]  }
0x78: {  	[tilespmem:v3+s12+$0x0] =	vst.idx.add.f32.msk $0xffff, v1  }
0x79: {  	[tilespmem:v4+s12+$0x0] =	vst.idx.add.f32.msk $0xffff, v1  }
.Ltmp5:
0x7a: {  	[tilespmem:v5+s12+$0x0] =	vst.idx.add.f32.msk $0xffff, v1;
	(pc) =	sbr.rel @p1 .LBB2_10-.Ltmp5, $4  }
0x7b: {  	[tilespmem:v6+s12+$0x0] =	vst.idx.add.f32.msk $0xffff, v1  }
0x7c: {  	[tilespmem:v7+s12+$0x0] =	vst.idx.add.f32.msk $0xffff, v1  }
0x7d: {  	[tilespmem:v8+s12+$0x0] =	vst.idx.add.f32.msk $0xffff, v1  }
0x7e: {  	[tilespmem:v9+s12+$0x0] =	vst.idx.add.f32.msk $0xffff, v1  }
0x7f: {  	_ =	sdelay $0x3  }
0x80: {  	[tilespmem:v2+s12+$0x0] =	vst.idx.add.f32.msk $0xffff, v1;
	s19 =	simm.s32 $0x0  }
.LBB2_12:
0x81: {  	s20 =	sshra.s32 s19, $0x2  }
0x82: {  	v2 =	vld [tilespmem:s20+$0xF80];
	_ =	sdelay $0x2  }
0x83: {  	p1 =	sne.s32 s19, $0x100  }
.Ltmp6:
0x84: {  	_ = 	snop;
	(pc) =	sbr.rel @p1 .LBB2_12-.Ltmp6, $2  }
0x85: {  	_ =	sdelay $0x2  }
0x86: {  	s19 =	sadd.s32 $0x40, s19;
	[tilespmem:v2+s12+$0x0] =	vst.idx.add.f32.msk $0xffff, v1  }
.Ltmp7:
0x87: {  	(pc) =	sbr.rel @!p0 .LBB2_14-.Ltmp7, $1  }
0x88: {  	_ =	sdelay $0x3  }
0x89: {  	s17 =	sadd.s32 $0x1, s17  }
0x8a: {  	p0 =	sne.s32 s17, s9  }
.Ltmp8:
0x8b: {  	_ = 	snop;
	(pc) =	sbr.rel @p0 .LBB2_1-.Ltmp8, $4  }
0x8c: {  	[hbm4b:s8+s14] =	stream.strided.scatter [tilespmem:s12], [sflag:$0x3], $0xC380, s15, s14, $0x38;
	[tilespmem:$0xD380] =	vst v63  }
0x8d: {  	_ =	swait.ge [sflag:s16], $0xC380  }
0x8e: {  	[sflag:s16] =	ssyncset.done $0x0  }
0x8f: {  	[sflag:s16] =	ssyncadd.s32 $0xFFFF3C80  }
0x90: {  	_ =	sfence.sel $0x180000  }
0x91: {  	[bflag:$0x0] =	sbarrier.arrive $0xFFFF  }
0x92: {  	p0 =	sne.s32 s0, $0x0;
	_ =	strace $0x90000047  }
0x93: {  	s0 =	sadd.s32 @!p0 $0x100000, s1;
	[bflag:$0x2] =	sbarrier.arrive $0xFFFF  }
0x94: {  	[sflag:s0] =	ssyncadd.tile.s32 @!p0 $0x1;
	_ =	shalt  }
.Lfunc_end2:
_tile_overlayer_lowered:
.L_overlay_start_2:
0x95: {  	(tag) =	ssettag $0x2  }
0x96: {  	s0 =	rddreg [dreg:$0x0];
	s2 =	stileid.u32  }
0x97: {  	s1 =	rddreg [dreg:$0x1];
	p0 =	sne.s32 s2, $0x0  }
0x98: {  	s3 =	rddreg [dreg:$0x2];
	[bflag:$0x3] =	sbarrier.arrive $0xFFFF;
	s2 =	simm.s32 @!p0 $0x1C03  }
0x99: {  	[timem:s3], [sflag:s2] =	dma.local @!p0 [hbm:s0], s1  }
0x9a: {  	s0 =	simm.s32 @!p0 $0x3  }
0x9b: {  	_ =	swait.ge @!p0 [sflag:s0], s1  }
0x9c: {  	s1 =	ssub.s32 @!p0 $0x0, s1;
	[sflag:s0] =	ssyncset.done @!p0 $0x0  }
0x9d: {  	[sflag:s0] =	ssyncadd.s32 @!p0 s1  }
0x9e: {  	[bflag:$0x3] =	sbarrier.arrive $0xFFFF  }
0x9f: {  	_ =	shalt  }

// kernel: kernel.13.cloned.1.call-start
scs
__scs_entry_jumppad:
0x0: {  	(pc) =	sbr.rel $0x88, $3  }
0x1: {  	(tag) =	ssettag $0x0;
	lr =	simm.s32 $0x1  }
0x2: {  	[smem:$0x3F97] =	sst lr;
	_ =	strace $0xD0000000  }
0x3: {  	_ = 	snop  }
0x4: {  	_ = 	snop  }
0x5: {  	_ = 	snop  }
0x6: {  	_ = 	snop  }
0x7: {  	_ = 	snop  }
__scs_overlays_trampoline_lowered:
0x8: {  	[smem:$0x3FA6] =	sst s0  }
0x9: {  	[smem:$0x3FA7] =	sst s1  }
0xa: {  	[smem:$0x3FA8] =	sst s2  }
0xb: {  	[smem:$0x3FA9] =	sst s3  }
0xc: {  	[smem:$0x3FAA] =	sst s4  }
0xd: {  	[smem:$0x3FAB] =	sst s5  }
0xe: {  	[smem:$0x3FAC] =	sst s6  }
0xf: {  	[smem:$0x3FAD] =	sst s7  }
0x10: {  	[smem:$0x3FAE] =	sst s8  }
0x11: {  	[smem:$0x3FAF] =	sst s9;
	s0 =	simm.s32 @!p0 $0x0  }
0x12: {  	s1 =	sld [smem:$0x3F95];
	s0 =	simm.s32 @p0 $0x1  }
0x13: {  	[smem:$0x3FB0] =	sst s0;
	s0 =	simm.s32 @!p1 $0x0  }
0x14: {  	s2 =	sld [smem:$0x3F94];
	s0 =	simm.s32 @p1 $0x1  }
0x15: {  	[smem:$0x3FB1] =	sst s0;
	s0 =	simm.s32 @!p2 $0x0  }
0x16: {  	s3 =	sld [smem:$0x3FDB];
	s0 =	simm.s32 @p2 $0x1  }
0x17: {  	s4 =	simm.s32 $0x1BF5;
	[smem:$0x3FB3] =	sst s0  }
0x18: {  	s0 =	sld [smem:$0x3F96];
	_ =	swait.ge [sflag:s4], $0x0  }
0x19: {  	s7 =	sld [smem:$0x3F97]  }
0x1a: {  	s8 =	sadd.s32 $0xFFFFE003, lr  }
0x1b: {  	s9 =	sadd.s32 $0xFFFFFEF7, lr;
	s5 =	simm.s32 $0xFFFFFFFF;
	p2 =	slt.u32 s8, $0xFFFFF086  }
0x1c: {  	p1 =	slt.u32 s9, $0xF7A;
	s5 =	simm.s32 @!p2 $0x0  }
0x1d: {  	s5 =	simm.s32 @p1 $0x1;
	p0 =	seq.s32 s7, s2  }
0x1e: {  	s7 =	smul.u32 @!p0 $0xF7A, s2;
	p2 =	seq.s32 @!p0 s5, $0x0  }
0x1f: {  	s9 =	smul.u32 $0xF7A, s1;
	s8 =	simm.s32 @!p0 $0x1BF5;
	p2 =	por !p2, p0  }
0x20: {  	[sflag:s8] =	ssyncset.s32 @!p0 $0xFFFFF086;
	s6 =	sadd.s32 @!p0 s3, s7;
	s7 =	simm.s32 @!p0 $0x108  }
0x21: {  	s3 =	sadd.s32 s3, s9;
	s6 =	sadd.s32 @!p0 $0x88, s6;
	s7 =	simm.s32 @p2 $0x1082  }
0x22: {  	[simem:s7], [sflag:s8] =	dma.local @!p0 [hbm:s6], $0xF7A  }
0x23: {  	s9 =	sor.u32 $0xD0000000, s2;
	s6 =	simm.s32 $0x108;
	_ =	swait.ge @!p0 [sflag:s8], $0x0  }
0x24: {  	s3 =	sadd.s32 $0x88, s3;
	s6 =	simm.s32 @!p1 $0x1082;
	[sflag:s4] =	ssyncset.s32 $0xFFFFF086  }
0x25: {  	[simem:s6], [sflag:s4] =	dma.local [hbm:s3], $0xF7A  }
0x26: {  	[smem:$0x3F97] =	sst s1;
	(tag) =	ssettag s2;
	_ =	strace s9  }
0x27: {  	s1 =	sld [smem:$0x3FA7]  }
0x28: {  	s2 =	sld [smem:$0x3FA8]  }
0x29: {  	s4 =	sld [smem:$0x3FAA]  }
0x2a: {  	p0 =	seq.s32 s5, $0x0;
	s5 =	sld [smem:$0x3FAB]  }
0x2b: {  	s6 =	sld [smem:$0x3FAC]  }
0x2c: {  	s7 =	sld [smem:$0x3FAD]  }
0x2d: {  	s3 =	simm.s32 $0x108;
	s8 =	sld [smem:$0x3FAE]  }
0x2e: {  	s3 =	simm.s32 @!p0 $0x1082;
	s9 =	sld [smem:$0x3FAF]  }
0x2f: {  	lr =	sadd.s32 s0, s3;
	s0 =	sld [smem:$0x3FA6]  }
0x30: {  	s3 =	sld [smem:$0x3FA9]  }
0x31: {  	[smem:$0x3FB2] =	sst s10  }
0x32: {  	s10 =	sld [smem:$0x3FB0];
	_ =	sdelay $0x3  }
0x33: {  	p0 =	seq.s32 s10, $0x1;
	s10 =	sld [smem:$0x3FB2];
	_ =	sdelay $0x3  }
0x34: {  	[smem:$0x3FB2] =	sst s10  }
0x35: {  	s10 =	sld [smem:$0x3FB1];
	_ =	sdelay $0x3  }
0x36: {  	p1 =	seq.s32 s10, $0x1;
	s10 =	sld [smem:$0x3FB2];
	_ =	sdelay $0x3  }
0x37: {  	[smem:$0x3FB2] =	sst s10  }
0x38: {  	s10 =	sld [smem:$0x3FB3]  }
0x39: {  	_ = 	snop;
	(pc) =	sbr.ind lr, $3  }
0x3a: {  	_ = 	snop  }
0x3b: {  	_ = 	snop  }
0x3c: {  	p2 =	seq.s32 s10, $0x1;
	s10 =	sld [smem:$0x3FB2]  }
0x3d: {  	_ =	shalt  }
0x3e: {  	_ =	shalt  }
0x3f: {  	_ =	shalt  }
0x40: {  	_ =	shalt  }
0x41: {  	_ =	shalt  }
0x42: {  	_ =	shalt  }
0x43: {  	_ =	shalt  }
0x44: {  	_ =	shalt  }
0x45: {  	_ =	shalt  }
0x46: {  	_ =	shalt  }
0x47: {  	_ =	shalt  }
0x48: {  	_ =	shalt  }
0x49: {  	_ =	shalt  }
0x4a: {  	_ =	shalt  }
0x4b: {  	_ =	shalt  }
0x4c: {  	_ =	shalt  }
0x4d: {  	_ =	shalt  }
0x4e: {  	_ =	shalt  }
0x4f: {  	_ =	shalt  }
0x50: {  	_ =	shalt  }
0x51: {  	_ =	shalt  }
0x52: {  	_ =	shalt  }
0x53: {  	_ =	shalt  }
0x54: {  	_ =	shalt  }
0x55: {  	_ =	shalt  }
0x56: {  	_ =	shalt  }
0x57: {  	_ =	shalt  }
0x58: {  	_ =	shalt  }
0x59: {  	_ =	shalt  }
0x5a: {  	_ =	shalt  }
0x5b: {  	_ =	shalt  }
0x5c: {  	_ =	shalt  }
0x5d: {  	_ =	shalt  }
0x5e: {  	_ =	shalt  }
0x5f: {  	_ =	shalt  }
0x60: {  	_ =	shalt  }
0x61: {  	_ =	shalt  }
0x62: {  	_ =	shalt  }
0x63: {  	_ =	shalt  }
0x64: {  	_ =	shalt  }
0x65: {  	_ =	shalt  }
0x66: {  	_ =	shalt  }
0x67: {  	_ =	shalt  }
0x68: {  	_ =	shalt  }
0x69: {  	_ =	shalt  }
0x6a: {  	_ =	shalt  }
0x6b: {  	_ =	shalt  }
0x6c: {  	_ =	shalt  }
0x6d: {  	_ =	shalt  }
0x6e: {  	_ =	shalt  }
0x6f: {  	_ =	shalt  }
0x70: {  	_ =	shalt  }
0x71: {  	_ =	shalt  }
0x72: {  	_ =	shalt  }
0x73: {  	_ =	shalt  }
0x74: {  	_ =	shalt  }
0x75: {  	_ =	shalt  }
0x76: {  	_ =	shalt  }
0x77: {  	_ =	shalt  }
0x78: {  	_ =	shalt  }
0x79: {  	_ =	shalt  }
0x7a: {  	_ =	shalt  }
0x7b: {  	_ =	shalt  }
0x7c: {  	_ =	shalt  }
0x7d: {  	_ =	shalt  }
0x7e: {  	_ =	shalt  }
0x7f: {  	_ =	shalt  }
0x80: {  	_ =	shalt  }
0x81: {  	_ =	shalt  }
0x82: {  	_ =	shalt  }
0x83: {  	_ =	shalt  }
0x84: {  	_ =	shalt  }
0x85: {  	_ =	shalt  }
0x86: {  	_ =	shalt  }
0x87: {  	_ =	shalt  }
.Lfunc_end0:
.L_simem_size_0:
called_computation.1_lowered:
.L_overlay_start_0:
0x88: {  	s2 =	sld [smem:$0x3FD9]  }
0x89: {  	s3 =	sld [smem:$0x3FFE];
	_ =	sdelay $0x1  }
0x8a: {  	s1 =	srdreg.scid  }
0x8b: {  	s0 =	sand.u32 $0x1, s1  }
0x8c: {  	s16 =	sshll.u32 s0, $0xA;
	s2 =	sadd.s32 s3, s2  }
0x8d: {  	s2 =	sadd.s32 s2, s16  }
0x8e: {  	[smem:$0x3FBE] =	sst s2  }
0x8f: {  	_ = 	snop  }
0x90: {  	(tm) =	ssettm $0x1  }
0x91: {  	s17 =	sld [smem:$0x3FFB];
	_ =	sdelay $0x3  }
0x92: {  	_ =	strace s17  }
0x93: {  	s2 =	sld [smem:$0x3FFC];
	_ =	sdelay $0x3  }
0x94: {  	_ =	strace s2  }
0x95: {  	s2 =	sld [smem:$0x3FFD];
	_ =	sdelay $0x3  }
0x96: {  	_ =	strace s2  }
0x97: {  	_ =	strace $0x8FFFFFFF  }
0x98: {  	s18 =	sld [smem:$0x3FDB];
	_ =	sdelay $0x1  }
0x99: {  	s19 =	simm.s32 $_scs_section_size  }
0x9a: {  	s4 =	simm.s32 $_size__tile_overlayer_lowered;
	s5 =	simm.s32 $_tile_overlayer_lowered  }
0x9b: {  	s22 =	simm.s32 $0x1BFF;
	s21 =	sshll.u32 s5, $0x1;
	s2 =	sadd.s32 s19, s18  }
0x9c: {  	s6 =	simm.s32 $0x0;
	s20 =	sshll.u32 s4, $0x1;
	s4 =	sadd.s32 s21, s2  }
0x9d: {  	[timem:s6], [sflag:s22] =	dma.local [hbm:s4], s20  }
0x9e: {  	_ =	swait.ge [sflag:s22], s20  }
0x9f: {  	s3 =	ssub.s32 $0x0, s20;
	[sflag:s22] =	ssyncset.done $0x0  }
0xa0: {  	[sflag:s22] =	ssyncadd.s32 s3;
	_ =	sdelay $0x1  }
0xa1: {  	s23 =	simm.s32 $0x1B8B  }
0xa2: {  	_ =	swait.ge [sflag:s23], $0x1  }
0xa3: {  	[sflag:s23] =	ssyncset.done $0x0  }
0xa4: {  	s25 =	simm.s32 $0x1B8E;
	s24 =	sld [smem:$0x3FFE];
	[sflag:s23] =	ssyncadd.s32 $0xFFFFFFFF  }
0xa5: {  	s26 =	simm.s32 $execute0_lowered;
	[smem:$0x3FD2] =	sst s25  }
0xa6: {  	s4 =	sshll.u32 s26, $0x1;
	_ =	strace $0x80000049;
	[dreg:$0x1] =	wrdreg $0xFFFFFFFF  }
0xa7: {  	s28 =	simm.s32 $_size_execute0_lowered;
	s2 =	sadd.s32 s2, s4;
	[dreg:$0x0] =	wrdreg $0x0  }
0xa8: {  	s4 =	sshll.u32 s28, $0x1;
	[dreg:$0x2] =	wrdreg s2  }
0xa9: {  	[dreg:$0x3] =	wrdreg s4  }
0xaa: {  	[dreg:$0x4] =	wrdreg $0xC0  }
0xab: {  	_ =	task [dreg:s6], $0x5FFFF  }
0xac: {  	[dreg:$0x1] =	wrdreg $0xFFFFFFFF  }
0xad: {  	[dreg:$0x0] =	wrdreg $0x60  }
0xae: {  	[dreg:$0x2] =	wrdreg s24  }
0xaf: {  	[dreg:$0x3] =	wrdreg $0x9  }
0xb0: {  	_ =	task.clear_ibuf [dreg:s6], $0x4FFFF;
	_ =	strace $0x90000049  }
0xb1: {  	s29 =	simm.s32 $0x9;
	_ =	strace $0x8000004B  }
0xb2: {  	_ =	swait.ge [sflag:s29], $0x1  }
0xb3: {  	[sflag:s29] =	ssyncadd.s32 $0xFFFFFFFF  }
0xb4: {  	_ =	strace $0x9000004B  }
0xb5: {  	_ =	sfence  }
0xb6: {  	s30 =	sld [smem:$0x0];
	_ =	sdelay $0x2  }
0xb7: {  	s31 =	sshll.u32 s1, $0xD;
	s1 =	sshrl.u32 s1, $0x2  }
0xb8: {  	s3 =	sand.u32 $0x4000, s31;
	s1 =	sadd.s32 s1, s30  }
0xb9: {  	s0 =	sor.u32 s3, s0;
	s1 =	sshll.u32 s1, $0x11  }
0xba: {  	s0 =	sor.u32 s1, s0  }
0xbb: {  	s0 =	sadd.s32 $0x8F2B, s0  }
0xbc: {  	[sflag:s0] =	ssyncadd.remote.s32 $0x1  }
0xbd: {  	_ =	sfence.sel $0xFFFF  }
0xbe: {  	[dreg:$0x0] =	wrdreg $0xFFFFFFFF;
	(pc) =	sbr.abs _section_cstart, $3  }
0xbf: {  	[dreg:$0x1] =	wrdreg $0xFFFFFFFF  }
0xc0: {  	_ =	task.clear_ibuf [dreg:s6], $0x2FFFF;
	_ =	strace $0x9FFFFFFF  }
0xc1: {  	(tm) =	ssettm $0x7FFFFFFF  }
tec
execute0_lowered:
.L_overlay_start_1:
0x0: {  	(tag) =	ssettag $0x1  }
0x1: {  	s4 =	rddreg [dreg:$0x0]  }
0x2: {  	s0 =	rddreg [dreg:$0x1]  }
0x3: {  	s2 =	simm.s32 $0x0;
	s1 =	stileid.u32;
	s3 =	srdreg.scid  }
0x4: {  	s13 =	simm.s32 $0x80;
	s14 =	simm.s32 $0x200;
	s15 =	simm.s32 $0x2000  }
0x5: {  	s16 =	simm.s32 $0x1000;
	s17 =	simm.s32 $0x800;
	s18 =	simm.s32 $0x1800  }
0x6: {  	s19 =	simm.s32 $0x3;
	s20 =	simm.s32 $0x1;
	s21 =	simm.s32 $0xE380  }
0x7: {  	s22 =	simm.s32 $0x2;
	s23 =	simm.s32 $0x4;
	s24 =	simm.s32 $0x0  }
0x8: {  	[smem:$0x7FF] =	sst s2;
	s5 =	sshll.u32 s1, $0x1;
	s28 =	sshrl.u32 s1, $0x1  }
0x9: {  	s6 =	sand.u32 $0x1, s3;
	s26 =	sand.u32 $0x2, s5;
	s7 =	smul.u32 $0x30E00, s28  }
0xa: {  	_ =	strace $0x8000004A;
	s10 =	smul.u32 $0x61A80, s28;
	s3 =	sor.u32 s6, s26  }
0xb: {  	s6 =	ssub.s32 $0x2, s6;
	s8 =	sshll.u32 s3, $0x4;
	s9 =	sshll.u32 s3, $0x7  }
0xc: {  	s3 =	sadd.s32 $0x3C00, s4;
	s30 =	sshrl.u32 s10, $0x3;
	s31 =	sshrl.u32 s6, $0x1  }
.Ltmp0:
0xd: {  	s29 =	sadd.s32 s8, s4;
	s7 =	sor.u32 s7, s9;
	(pc) =	sbr.rel .LBB2_1-.Ltmp0, $4  }
0xe: {  	s12 =	ssub.s32 s6, s31;
	s9 =	sadd.s32 $0xFA0, s10;
	s7 =	sshrl.u32 s7, $0x3  }
0xf: {  	s10 =	sadd.s32 $0x1770, s10;
	s11 =	sadd.s32 s7, s4;
	s4 =	sadd.s32 s3, s30  }
0x10: {  	s5 =	sadd.s32 $0xC7200, s29;
	s12 =	smax.u32 s12, $0x1;
	s6 =	sadd.s32 $0x61A80, s4  }
0x11: {  	v0 =	vimm.f32 $0.0e+00;
	s7 =	sadd.s32 $0xFA, s4;
	s8 =	sadd.s32 $0x61B7A, s4;
	s11 =	sadd.s32 $0xCD400, s11  }
.LBB2_16:
0x12: {  	s24 =	sadd.s32 $0x1, s24  }
0x13: {  	p0 =	sne.s32 s24, s12  }
.Ltmp1:
0x14: {  	_ = 	snop;
	(pc) =	sbr.rel @!p0 .LBB2_17-.Ltmp1, $4  }
0x15: {  	[hbm4b:s11+s13] =	stream.strided.scatter [tilespmem:s21], [sflag:$0x4], $0xC380, s14, s13, $0x38;
	[tilespmem:$0x1A700] =	vst v63  }
0x16: {  	_ =	swait.ge [sflag:s23], $0xC380  }
0x17: {  	[sflag:s23] =	ssyncset.done $0x0  }
0x18: {  	[sflag:s23] =	ssyncadd.s32 $0xFFFF3C80  }
.LBB2_1:
0x19: {  	[tilespmem:s15], [sflag:$0x3] =	stream.strided.gather [hbm4b:s5+s13], $0xC380, s14, s13, $0x38;
	[tilespmem:$0x1A700] =	vst v63  }
0x1a: {  	_ = 	snop  }
0x1b: {  	[tilespmem:s2], [sflag:$0x1] =	stream.linear.gather [hbm4b:s4+s2], $0x7D0, $0x38;
	[tilespmem:$0x1A700] =	vst v63  }
0x1c: {  	_ = 	snop  }
0x1d: {  	[tilespmem:s16], [sflag:$0x1] =	stream.linear.gather [hbm4b:s6+s2], $0x7D0, $0x38;
	[tilespmem:$0x1A700] =	vst v63  }
0x1e: {  	_ = 	snop  }
0x1f: {  	[tilespmem:s17], [sflag:$0x2] =	stream.linear.gather [hbm4b:s7+s2], $0x7D0, $0x38;
	[tilespmem:$0x1A700] =	vst v63  }
0x20: {  	s25 =	simm.s32 $0xE3C0  }
0x21: {  	[tilespmem:s18], [sflag:$0x2] =	stream.linear.gather [hbm4b:s8+s2], $0x7D0, $0x38;
	[tilespmem:$0x1A700] =	vst v63  }
0x22: {  	[tilespmem:s25+$0xFFFFFFC0] =	vst v0  }
0x23: {  	[tilespmem:s25+$0x30] =	vst v0  }
0x24: {  	[tilespmem:s25+$0x20] =	vst v0  }
0x25: {  	[tilespmem:s25+$0x10] =	vst v0  }
0x26: {  	[tilespmem:s25+$0x0] =	vst v0  }
0x27: {  	[tilespmem:s25+$0xFFFFFFF0] =	vst v0  }
0x28: {  	s26 =	simm.s32 $0x0;
	[tilespmem:s25+$0xFFFFFFE0] =	vst v0  }
.LBB2_2:
0x29: {  	s26 =	sadd.s32 $0x8, s26;
	[tilespmem:s25+$0xFFFFFFD0] =	vst v0;
	s25 =	sadd.s32 $0x80, s25  }
0x2a: {  	[tilespmem:s25+$0xFFFFFFC0] =	vst v0;
	p0 =	slt.u32 s26, $0xC28  }
0x2b: {  	[tilespmem:s25+$0x30] =	vst v0  }
.Ltmp2:
0x2c: {  	[tilespmem:s25+$0x20] =	vst v0;
	(pc) =	sbr.rel @p0 .LBB2_2-.Ltmp2, $4  }
0x2d: {  	[tilespmem:s25+$0x10] =	vst v0  }
0x2e: {  	[tilespmem:s25+$0x0] =	vst v0  }
0x2f: {  	[tilespmem:s25+$0xFFFFFFF0] =	vst v0  }
0x30: {  	[tilespmem:s25+$0xFFFFFFE0] =	vst v0  }
0x31: {  	[tilespmem:s25+$0xFFFFFFD0] =	vst v0;
	s25 =	simm.s32 $0x0  }
.LBB2_4:
0x32: {  	p0 =	sne.s32 s25, $0x100  }
.Ltmp3:
0x33: {  	_ = 	snop;
	(pc) =	sbr.rel @p0 .LBB2_4-.Ltmp3, $3  }
0x34: {  	_ =	sdelay $0x1  }
0x35: {  	s26 =	sshra.s32 s25, $0x2  }
0x36: {  	s25 =	sadd.s32 $0x40, s25;
	[tilespmem:s26+$0x1A680] =	vst v0  }
0x37: {  	_ =	swait.ge [sflag:s19], $0xC380  }
0x38: {  	[sflag:s19] =	ssyncset.done $0x0  }
0x39: {  	s25 =	simm.s32 $0x0;
	[sflag:s19] =	ssyncadd.s32 $0xFFFF3C80  }
.LBB2_6:
0x3a: {  	_ =	swait.ge [sflag:s20], $0x7D0  }
0x3b: {  	[sflag:s20] =	ssyncset.done $0x0  }
0x3c: {  	[sflag:s20] =	ssyncadd.s32 $0xFFFFF830  }
0x3d: {  	_ =	swait.ge [sflag:s20], $0x7D0  }
0x3e: {  	[sflag:s20] =	ssyncset.done $0x0  }
0x3f: {  	s28 =	simm.s32 $0x40;
	[sflag:s20] =	ssyncadd.s32 $0xFFFFF830  }
0x40: {  	v1 =	vld [tilespmem:s28+$0x30]  }
0x41: {  	v2 =	vld [tilespmem:s28+$0xFFFFFFD0]  }
0x42: {  	v3 =	vld [tilespmem:s28+$0xFFFFFFE0]  }
0x43: {  	v4 =	vld [tilespmem:s28+$0xFFFFFFF0]  }
0x44: {  	v5 =	vld [tilespmem:s28+$0x0]  }
0x45: {  	s26 =	simm.s32 $0x1040;
	v6 =	vld [tilespmem:s28+$0x10]  }
0x46: {  	v7 =	vld [tilespmem:s26+$0x30]  }
0x47: {  	v8 =	vld [tilespmem:s28+$0x20]  }
0x48: {  	v9 =	vld [tilespmem:s28+$0xFFFFFFC0]  }
0x49: {  	v63 =	vld [tilespmem:s26+$0xFFFFFFC0]  }
0x4a: {  	v11 =	vld [tilespmem:s26+$0xFFFFFFD0]  }
0x4b: {  	v12 =	vld [tilespmem:s26+$0xFFFFFFE0]  }
0x4c: {  	v13 =	vld [tilespmem:s26+$0xFFFFFFF0]  }
0x4d: {  	v14 =	vld [tilespmem:s26+$0x0]  }
0x4e: {  	v15 =	vld [tilespmem:s26+$0x10]  }
0x4f: {  	v1 =	vld.idx.msk [tilespmem:v1+s15+$0x0], $0xffff  }
0x50: {  	v10 =	vld.idx.msk [tilespmem:v2+s15+$0x0], $0xffff  }
0x51: {  	v3 =	vld.idx.msk [tilespmem:v3+s15+$0x0], $0xffff  }
0x52: {  	v4 =	vld.idx.msk [tilespmem:v4+s15+$0x0], $0xffff  }
0x53: {  	v5 =	vld.idx.msk [tilespmem:v5+s15+$0x0], $0xffff  }
0x54: {  	v62 =	vld.idx.msk [tilespmem:v9+s15+$0x0], $0xffff  }
0x55: {  	v6 =	vld.idx.msk [tilespmem:v6+s15+$0x0], $0xffff  }
0x56: {  	v2 =	vld [tilespmem:s26+$0x20]  }
0x57: {  	[tilespmem:v7+s21+$0x0] =	vst.idx.add.f32.msk $0xffff, v1  }
0x58: {  	v1 =	vld.idx.msk [tilespmem:v8+s15+$0x0], $0xffff  }
0x59: {  	[tilespmem:v63+s21+$0x0] =	vst.idx.add.f32.msk $0xffff, v62  }
0x5a: {  	[tilespmem:v11+s21+$0x0] =	vst.idx.add.f32.msk $0xffff, v10  }
0x5b: {  	[tilespmem:v12+s21+$0x0] =	vst.idx.add.f32.msk $0xffff, v3  }
0x5c: {  	[tilespmem:v13+s21+$0x0] =	vst.idx.add.f32.msk $0xffff, v4  }
0x5d: {  	[tilespmem:v14+s21+$0x0] =	vst.idx.add.f32.msk $0xffff, v5  }
0x5e: {  	s29 =	simm.s32 $0xC0;
	s28 =	simm.s32 $0x0;
	[tilespmem:v15+s21+$0x0] =	vst.idx.add.f32.msk $0xffff, v6  }
.LBB2_7:
0x5f: {  	v3 =	vld [tilespmem:s29+$0x30];
	s28 =	sadd.s32 $0x8, s28  }
0x60: {  	v4 =	vld [tilespmem:s29+$0xFFFFFFD0];
	p0 =	slt.u32 s28, $0x70  }
0x61: {  	v5 =	vld [tilespmem:s29+$0xFFFFFFE0]  }
0x62: {  	v6 =	vld [tilespmem:s29+$0xFFFFFFF0]  }
0x63: {  	v7 =	vld [tilespmem:s29+$0x0]  }
0x64: {  	s26 =	sadd.s32 $0x80, s26;
	v8 =	vld [tilespmem:s29+$0x10]  }
0x65: {  	v9 =	vld [tilespmem:s26+$0x30]  }
0x66: {  	v10 =	vld [tilespmem:s29+$0x20]  }
0x67: {  	v3 =	vld.idx.msk [tilespmem:v3+s15+$0x0], $0xffff  }
0x68: {  	v11 =	vld [tilespmem:s29+$0xFFFFFFC0]  }
0x69: {  	v4 =	vld.idx.msk [tilespmem:v4+s15+$0x0], $0xffff  }
0x6a: {  	v5 =	vld.idx.msk [tilespmem:v5+s15+$0x0], $0xffff  }
0x6b: {  	v6 =	vld.idx.msk [tilespmem:v6+s15+$0x0], $0xffff  }
0x6c: {  	v7 =	vld.idx.msk [tilespmem:v7+s15+$0x0], $0xffff  }
0x6d: {  	s30 =	simm.s32 $0x0;
	[tilespmem:v9+s21+$0x0] =	vst.idx.add.f32.msk $0xffff, v3  }
0x6e: {  	v3 =	vld.idx.msk [tilespmem:v8+s15+$0x0], $0xffff  }
0x6f: {  	v8 =	vld.idx.msk [tilespmem:v10+s15+$0x0], $0xffff  }
0x70: {  	v9 =	vld.idx.msk [tilespmem:v11+s15+$0x0], $0xffff  }
0x71: {  	v10 =	vld [tilespmem:s26+$0xFFFFFFC0]  }
0x72: {  	v11 =	vld [tilespmem:s26+$0xFFFFFFD0]  }
0x73: {  	v12 =	vld [tilespmem:s26+$0xFFFFFFE0]  }
0x74: {  	v13 =	vld [tilespmem:s26+$0xFFFFFFF0]  }
0x75: {  	v14 =	vld [tilespmem:s26+$0x0]  }
0x76: {  	v15 =	vld [tilespmem:s26+$0x10]  }
0x77: {  	v16 =	vld [tilespmem:s26+$0x20]  }
0x78: {  	[tilespmem:v2+s21+$0x0] =	vst.idx.add.f32.msk $0xffff, v1;
	v1 =	vmov v8  }
0x79: {  	[tilespmem:v10+s21+$0x0] =	vst.idx.add.f32.msk $0xffff, v9  }
.Ltmp4:
0x7a: {  	[tilespmem:v11+s21+$0x0] =	vst.idx.add.f32.msk $0xffff, v4;
	(pc) =	sbr.rel @p0 .LBB2_7-.Ltmp4, $4  }
0x7b: {  	[tilespmem:v12+s21+$0x0] =	vst.idx.add.f32.msk $0xffff, v5  }
0x7c: {  	[tilespmem:v13+s21+$0x0] =	vst.idx.add.f32.msk $0xffff, v6;
	v2 =	vmov v16  }
0x7d: {  	[tilespmem:v14+s21+$0x0] =	vst.idx.add.f32.msk $0xffff, v7  }
0x7e: {  	s29 =	sadd.s32 $0x80, s29;
	[tilespmem:v15+s21+$0x0] =	vst.idx.add.f32.msk $0xffff, v3  }
0x7f: {  	_ =	sdelay $0x3  }
0x80: {  	[tilespmem:v2+s21+$0x0] =	vst.idx.add.f32.msk $0xffff, v1  }
.LBB2_9:
0x81: {  	s26 =	sshra.s32 s30, $0x2  }
0x82: {  	v1 =	vld [tilespmem:s26+$0x780];
	_ =	sdelay $0x4  }
0x83: {  	v2 =	vld [tilespmem:s26+$0x1780];
	_ =	sdelay $0x2  }
0x84: {  	p0 =	sne.s32 s30, $0x100;
	v1 =	vld.idx.msk [tilespmem:v1+s15+$0x0], $0xffff  }
.Ltmp5:
0x85: {  	_ = 	snop;
	(pc) =	sbr.rel @p0 .LBB2_9-.Ltmp5, $2  }
0x86: {  	_ =	sdelay $0x2  }
0x87: {  	s30 =	sadd.s32 $0x40, s30;
	[tilespmem:v2+s21+$0x0] =	vst.idx.add.f32.msk $0xffff, v1  }
0x88: {  	p0 =	seq.s32 s25, $0x63  }
0x89: {  	s26 =	smul.u32 @!p0 $0xFA0, s25;
	_ =	sdelay $0x1  }
0x8a: {  	s26 =	sadd.s32 @!p0 s26, s9  }
0x8b: {  	s26 =	sshrl.u32 @!p0 s26, $0x3  }
0x8c: {  	s28 =	simm.s32 @!p0 $0x0;
	s26 =	sadd.s32 @!p0 s3, s26  }
0x8d: {  	[tilespmem:s28], [sflag:$0x1] =	stream.linear.gather @!p0 [hbm4b:s26+s28], $0x7D0, $0x38;
	[tilespmem:$0x1A700] =	vst v63  }
0x8e: {  	s29 =	simm.s32 @!p0 $0x1000;
	s26 =	sadd.s32 @!p0 $0x61A80, s26  }
0x8f: {  	[tilespmem:s29], [sflag:$0x1] =	stream.linear.gather @!p0 [hbm4b:s26+s28], $0x7D0, $0x38;
	[tilespmem:$0x1A700] =	vst v63  }
0x90: {  	_ =	swait.ge [sflag:s22], $0x7D0  }
0x91: {  	[sflag:s22] =	ssyncset.done $0x0  }
0x92: {  	[sflag:s22] =	ssyncadd.s32 $0xFFFFF830  }
0x93: {  	_ =	swait.ge [sflag:s22], $0x7D0  }
0x94: {  	[sflag:s22] =	ssyncset.done $0x0  }
0x95: {  	s28 =	simm.s32 $0x840;
	[sflag:s22] =	ssyncadd.s32 $0xFFFFF830  }
0x96: {  	v1 =	vld [tilespmem:s28+$0x30]  }
0x97: {  	v2 =	vld [tilespmem:s28+$0xFFFFFFD0]  }
0x98: {  	v3 =	vld [tilespmem:s28+$0xFFFFFFE0]  }
0x99: {  	v4 =	vld [tilespmem:s28+$0xFFFFFFF0]  }
0x9a: {  	v5 =	vld [tilespmem:s28+$0x0]  }
0x9b: {  	s26 =	simm.s32 $0x1840;
	v6 =	vld [tilespmem:s28+$0x10]  }
0x9c: {  	v7 =	vld [tilespmem:s26+$0x30]  }
0x9d: {  	v8 =	vld [tilespmem:s28+$0x20]  }
0x9e: {  	v9 =	vld [tilespmem:s28+$0xFFFFFFC0]  }
0x9f: {  	v63 =	vld [tilespmem:s26+$0xFFFFFFC0]  }
0xa0: {  	v11 =	vld [tilespmem:s26+$0xFFFFFFD0]  }
0xa1: {  	v12 =	vld [tilespmem:s26+$0xFFFFFFE0]  }
0xa2: {  	v13 =	vld [tilespmem:s26+$0xFFFFFFF0]  }
0xa3: {  	v14 =	vld [tilespmem:s26+$0x0]  }
0xa4: {  	v15 =	vld [tilespmem:s26+$0x10]  }
0xa5: {  	v1 =	vld.idx.msk [tilespmem:v1+s15+$0x0], $0xffff  }
0xa6: {  	v10 =	vld.idx.msk [tilespmem:v2+s15+$0x0], $0xffff  }
0xa7: {  	v3 =	vld.idx.msk [tilespmem:v3+s15+$0x0], $0xffff  }
0xa8: {  	v4 =	vld.idx.msk [tilespmem:v4+s15+$0x0], $0xffff  }
0xa9: {  	v5 =	vld.idx.msk [tilespmem:v5+s15+$0x0], $0xffff  }
0xaa: {  	v62 =	vld.idx.msk [tilespmem:v9+s15+$0x0], $0xffff  }
0xab: {  	v6 =	vld.idx.msk [tilespmem:v6+s15+$0x0], $0xffff  }
0xac: {  	v2 =	vld [tilespmem:s26+$0x20]  }
0xad: {  	[tilespmem:v7+s21+$0x0] =	vst.idx.add.f32.msk $0xffff, v1  }
0xae: {  	v1 =	vld.idx.msk [tilespmem:v8+s15+$0x0], $0xffff  }
0xaf: {  	[tilespmem:v63+s21+$0x0] =	vst.idx.add.f32.msk $0xffff, v62  }
0xb0: {  	[tilespmem:v11+s21+$0x0] =	vst.idx.add.f32.msk $0xffff, v10  }
0xb1: {  	[tilespmem:v12+s21+$0x0] =	vst.idx.add.f32.msk $0xffff, v3  }
0xb2: {  	[tilespmem:v13+s21+$0x0] =	vst.idx.add.f32.msk $0xffff, v4  }
0xb3: {  	[tilespmem:v14+s21+$0x0] =	vst.idx.add.f32.msk $0xffff, v5  }
0xb4: {  	s29 =	simm.s32 $0x8C0;
	s28 =	simm.s32 $0x0;
	[tilespmem:v15+s21+$0x0] =	vst.idx.add.f32.msk $0xffff, v6  }
.LBB2_11:
0xb5: {  	v3 =	vld [tilespmem:s29+$0x30];
	s28 =	sadd.s32 $0x8, s28  }
0xb6: {  	v4 =	vld [tilespmem:s29+$0xFFFFFFD0];
	p1 =	slt.u32 s28, $0x70  }
0xb7: {  	v5 =	vld [tilespmem:s29+$0xFFFFFFE0]  }
0xb8: {  	v6 =	vld [tilespmem:s29+$0xFFFFFFF0]  }
0xb9: {  	v7 =	vld [tilespmem:s29+$0x0]  }
0xba: {  	s26 =	sadd.s32 $0x80, s26;
	v8 =	vld [tilespmem:s29+$0x10]  }
0xbb: {  	v9 =	vld [tilespmem:s26+$0x30]  }
0xbc: {  	v10 =	vld [tilespmem:s29+$0x20]  }
0xbd: {  	v3 =	vld.idx.msk [tilespmem:v3+s15+$0x0], $0xffff  }
0xbe: {  	v11 =	vld [tilespmem:s29+$0xFFFFFFC0]  }
0xbf: {  	v4 =	vld.idx.msk [tilespmem:v4+s15+$0x0], $0xffff  }
0xc0: {  	v5 =	vld.idx.msk [tilespmem:v5+s15+$0x0], $0xffff  }
0xc1: {  	v6 =	vld.idx.msk [tilespmem:v6+s15+$0x0], $0xffff  }
0xc2: {  	v7 =	vld.idx.msk [tilespmem:v7+s15+$0x0], $0xffff  }
0xc3: {  	s30 =	simm.s32 $0x0;
	[tilespmem:v9+s21+$0x0] =	vst.idx.add.f32.msk $0xffff, v3  }
0xc4: {  	v3 =	vld.idx.msk [tilespmem:v8+s15+$0x0], $0xffff  }
0xc5: {  	v8 =	vld.idx.msk [tilespmem:v10+s15+$0x0], $0xffff  }
0xc6: {  	v9 =	vld.idx.msk [tilespmem:v11+s15+$0x0], $0xffff  }
0xc7: {  	v10 =	vld [tilespmem:s26+$0xFFFFFFC0]  }
0xc8: {  	v11 =	vld [tilespmem:s26+$0xFFFFFFD0]  }
0xc9: {  	v12 =	vld [tilespmem:s26+$0xFFFFFFE0]  }
0xca: {  	v13 =	vld [tilespmem:s26+$0xFFFFFFF0]  }
0xcb: {  	v14 =	vld [tilespmem:s26+$0x0]  }
0xcc: {  	v15 =	vld [tilespmem:s26+$0x10]  }
0xcd: {  	v16 =	vld [tilespmem:s26+$0x20]  }
0xce: {  	[tilespmem:v2+s21+$0x0] =	vst.idx.add.f32.msk $0xffff, v1;
	v1 =	vmov v8  }
0xcf: {  	[tilespmem:v10+s21+$0x0] =	vst.idx.add.f32.msk $0xffff, v9  }
.Ltmp6:
0xd0: {  	[tilespmem:v11+s21+$0x0] =	vst.idx.add.f32.msk $0xffff, v4;
	(pc) =	sbr.rel @p1 .LBB2_11-.Ltmp6, $4  }
0xd1: {  	[tilespmem:v12+s21+$0x0] =	vst.idx.add.f32.msk $0xffff, v5  }
0xd2: {  	[tilespmem:v13+s21+$0x0] =	vst.idx.add.f32.msk $0xffff, v6;
	v2 =	vmov v16  }
0xd3: {  	[tilespmem:v14+s21+$0x0] =	vst.idx.add.f32.msk $0xffff, v7  }
0xd4: {  	s29 =	sadd.s32 $0x80, s29;
	[tilespmem:v15+s21+$0x0] =	vst.idx.add.f32.msk $0xffff, v3  }
0xd5: {  	_ =	sdelay $0x3  }
0xd6: {  	[tilespmem:v2+s21+$0x0] =	vst.idx.add.f32.msk $0xffff, v1  }
.LBB2_13:
0xd7: {  	s26 =	sshra.s32 s30, $0x2  }
0xd8: {  	v1 =	vld [tilespmem:s26+$0xF80];
	_ =	sdelay $0x4  }
0xd9: {  	v2 =	vld [tilespmem:s26+$0x1F80];
	_ =	sdelay $0x2  }
0xda: {  	p1 =	sne.s32 s30, $0x100;
	v1 =	vld.idx.msk [tilespmem:v1+s15+$0x0], $0xffff  }
.Ltmp7:
0xdb: {  	_ = 	snop;
	(pc) =	sbr.rel @p1 .LBB2_13-.Ltmp7, $2  }
0xdc: {  	_ =	sdelay $0x2  }
0xdd: {  	s30 =	sadd.s32 $0x40, s30;
	[tilespmem:v2+s21+$0x0] =	vst.idx.add.f32.msk $0xffff, v1  }
.Ltmp8:
0xde: {  	(pc) =	sbr.rel @p0 .LBB2_16-.Ltmp8, $1  }
0xdf: {  	_ =	sdelay $0x3  }
0xe0: {  	s26 =	smul.u32 $0xFA0, s25;
	_ =	sdelay $0x1  }
0xe1: {  	s26 =	sadd.s32 s26, s10  }
.Ltmp9:
0xe2: {  	s26 =	sshrl.u32 s26, $0x3;
	(pc) =	sbr.rel .LBB2_6-.Ltmp9, $4  }
0xe3: {  	s26 =	sadd.s32 s3, s26  }
0xe4: {  	[tilespmem:s17], [sflag:$0x2] =	stream.linear.gather [hbm4b:s26+s2], $0x7D0, $0x38;
	[tilespmem:$0x1A700] =	vst v63  }
0xe5: {  	s25 =	sadd.s32 $0x1, s25;
	s26 =	sadd.s32 $0x61A80, s26  }
0xe6: {  	[tilespmem:s18], [sflag:$0x2] =	stream.linear.gather [hbm4b:s26+s2], $0x7D0, $0x38;
	[tilespmem:$0x1A700] =	vst v63  }
.LBB2_17:
0xe7: {  	_ =	sfence.sel $0x180000  }
0xe8: {  	[bflag:$0x0] =	sbarrier.arrive $0xFFFF  }
0xe9: {  	p0 =	sne.s32 s1, $0x0;
	_ =	strace $0x9000004A  }
0xea: {  	s0 =	sadd.s32 @!p0 $0x100000, s0;
	[bflag:$0x2] =	sbarrier.arrive $0xFFFF  }
0xeb: {  	[sflag:s0] =	ssyncadd.tile.s32 @!p0 $0x1;
	_ =	shalt  }
.Lfunc_end2:
_tile_overlayer_lowered:
.L_overlay_start_2:
0xec: {  	(tag) =	ssettag $0x2  }
0xed: {  	s0 =	rddreg [dreg:$0x0];
	s2 =	stileid.u32  }
0xee: {  	s1 =	rddreg [dreg:$0x1];
	p0 =	sne.s32 s2, $0x0  }
0xef: {  	s3 =	rddreg [dreg:$0x2];
	[bflag:$0x3] =	sbarrier.arrive $0xFFFF;
	s2 =	simm.s32 @!p0 $0x1C04  }
0xf0: {  	[timem:s3], [sflag:s2] =	dma.local @!p0 [hbm:s0], s1  }
0xf1: {  	s0 =	simm.s32 @!p0 $0x4  }
0xf2: {  	_ =	swait.ge @!p0 [sflag:s0], s1  }
0xf3: {  	s1 =	ssub.s32 @!p0 $0x0, s1;
	[sflag:s0] =	ssyncset.done @!p0 $0x0  }
0xf4: {  	[sflag:s0] =	ssyncadd.s32 @!p0 s1  }
0xf5: {  	[bflag:$0x3] =	sbarrier.arrive $0xFFFF  }
0xf6: {  	_ =	shalt  }

// kernel: kernel.16.cloned.1.call-start
scs
__scs_entry_jumppad:
0x0: {  	(pc) =	sbr.rel $0x88, $3  }
0x1: {  	(tag) =	ssettag $0x0;
	lr =	simm.s32 $0x1  }
0x2: {  	[smem:$0x3F97] =	sst lr;
	_ =	strace $0xD0000000  }
0x3: {  	_ = 	snop  }
0x4: {  	_ = 	snop  }
0x5: {  	_ = 	snop  }
0x6: {  	_ = 	snop  }
0x7: {  	_ = 	snop  }
__scs_overlays_trampoline_lowered:
0x8: {  	[smem:$0x3FA6] =	sst s0  }
0x9: {  	[smem:$0x3FA7] =	sst s1  }
0xa: {  	[smem:$0x3FA8] =	sst s2  }
0xb: {  	[smem:$0x3FA9] =	sst s3  }
0xc: {  	[smem:$0x3FAA] =	sst s4  }
0xd: {  	[smem:$0x3FAB] =	sst s5  }
0xe: {  	[smem:$0x3FAC] =	sst s6  }
0xf: {  	[smem:$0x3FAD] =	sst s7  }
0x10: {  	[smem:$0x3FAE] =	sst s8  }
0x11: {  	[smem:$0x3FAF] =	sst s9;
	s0 =	simm.s32 @!p0 $0x0  }
0x12: {  	s1 =	sld [smem:$0x3F95];
	s0 =	simm.s32 @p0 $0x1  }
0x13: {  	[smem:$0x3FB0] =	sst s0;
	s0 =	simm.s32 @!p1 $0x0  }
0x14: {  	s2 =	sld [smem:$0x3F94];
	s0 =	simm.s32 @p1 $0x1  }
0x15: {  	[smem:$0x3FB1] =	sst s0;
	s0 =	simm.s32 @!p2 $0x0  }
0x16: {  	s3 =	sld [smem:$0x3FDB];
	s0 =	simm.s32 @p2 $0x1  }
0x17: {  	s4 =	simm.s32 $0x1BF5;
	[smem:$0x3FB3] =	sst s0  }
0x18: {  	s0 =	sld [smem:$0x3F96];
	_ =	swait.ge [sflag:s4], $0x0  }
0x19: {  	s7 =	sld [smem:$0x3F97]  }
0x1a: {  	s8 =	sadd.s32 $0xFFFFE003, lr  }
0x1b: {  	s9 =	sadd.s32 $0xFFFFFEF7, lr;
	s5 =	simm.s32 $0xFFFFFFFF;
	p2 =	slt.u32 s8, $0xFFFFF086  }
0x1c: {  	p1 =	slt.u32 s9, $0xF7A;
	s5 =	simm.s32 @!p2 $0x0  }
0x1d: {  	s5 =	simm.s32 @p1 $0x1;
	p0 =	seq.s32 s7, s2  }
0x1e: {  	s7 =	smul.u32 @!p0 $0xF7A, s2;
	p2 =	seq.s32 @!p0 s5, $0x0  }
0x1f: {  	s9 =	smul.u32 $0xF7A, s1;
	s8 =	simm.s32 @!p0 $0x1BF5;
	p2 =	por !p2, p0  }
0x20: {  	[sflag:s8] =	ssyncset.s32 @!p0 $0xFFFFF086;
	s6 =	sadd.s32 @!p0 s3, s7;
	s7 =	simm.s32 @!p0 $0x108  }
0x21: {  	s3 =	sadd.s32 s3, s9;
	s6 =	sadd.s32 @!p0 $0x88, s6;
	s7 =	simm.s32 @p2 $0x1082  }
0x22: {  	[simem:s7], [sflag:s8] =	dma.local @!p0 [hbm:s6], $0xF7A  }
0x23: {  	s9 =	sor.u32 $0xD0000000, s2;
	s6 =	simm.s32 $0x108;
	_ =	swait.ge @!p0 [sflag:s8], $0x0  }
0x24: {  	s3 =	sadd.s32 $0x88, s3;
	s6 =	simm.s32 @!p1 $0x1082;
	[sflag:s4] =	ssyncset.s32 $0xFFFFF086  }
0x25: {  	[simem:s6], [sflag:s4] =	dma.local [hbm:s3], $0xF7A  }
0x26: {  	[smem:$0x3F97] =	sst s1;
	(tag) =	ssettag s2;
	_ =	strace s9  }
0x27: {  	s1 =	sld [smem:$0x3FA7]  }
0x28: {  	s2 =	sld [smem:$0x3FA8]  }
0x29: {  	s4 =	sld [smem:$0x3FAA]  }
0x2a: {  	p0 =	seq.s32 s5, $0x0;
	s5 =	sld [smem:$0x3FAB]  }
0x2b: {  	s6 =	sld [smem:$0x3FAC]  }
0x2c: {  	s7 =	sld [smem:$0x3FAD]  }
0x2d: {  	s3 =	simm.s32 $0x108;
	s8 =	sld [smem:$0x3FAE]  }
0x2e: {  	s3 =	simm.s32 @!p0 $0x1082;
	s9 =	sld [smem:$0x3FAF]  }
0x2f: {  	lr =	sadd.s32 s0, s3;
	s0 =	sld [smem:$0x3FA6]  }
0x30: {  	s3 =	sld [smem:$0x3FA9]  }
0x31: {  	[smem:$0x3FB2] =	sst s10  }
0x32: {  	s10 =	sld [smem:$0x3FB0];
	_ =	sdelay $0x3  }
0x33: {  	p0 =	seq.s32 s10, $0x1;
	s10 =	sld [smem:$0x3FB2];
	_ =	sdelay $0x3  }
0x34: {  	[smem:$0x3FB2] =	sst s10  }
0x35: {  	s10 =	sld [smem:$0x3FB1];
	_ =	sdelay $0x3  }
0x36: {  	p1 =	seq.s32 s10, $0x1;
	s10 =	sld [smem:$0x3FB2];
	_ =	sdelay $0x3  }
0x37: {  	[smem:$0x3FB2] =	sst s10  }
0x38: {  	s10 =	sld [smem:$0x3FB3]  }
0x39: {  	_ = 	snop;
	(pc) =	sbr.ind lr, $3  }
0x3a: {  	_ = 	snop  }
0x3b: {  	_ = 	snop  }
0x3c: {  	p2 =	seq.s32 s10, $0x1;
	s10 =	sld [smem:$0x3FB2]  }
0x3d: {  	_ =	shalt  }
0x3e: {  	_ =	shalt  }
0x3f: {  	_ =	shalt  }
0x40: {  	_ =	shalt  }
0x41: {  	_ =	shalt  }
0x42: {  	_ =	shalt  }
0x43: {  	_ =	shalt  }
0x44: {  	_ =	shalt  }
0x45: {  	_ =	shalt  }
0x46: {  	_ =	shalt  }
0x47: {  	_ =	shalt  }
0x48: {  	_ =	shalt  }
0x49: {  	_ =	shalt  }
0x4a: {  	_ =	shalt  }
0x4b: {  	_ =	shalt  }
0x4c: {  	_ =	shalt  }
0x4d: {  	_ =	shalt  }
0x4e: {  	_ =	shalt  }
0x4f: {  	_ =	shalt  }
0x50: {  	_ =	shalt  }
0x51: {  	_ =	shalt  }
0x52: {  	_ =	shalt  }
0x53: {  	_ =	shalt  }
0x54: {  	_ =	shalt  }
0x55: {  	_ =	shalt  }
0x56: {  	_ =	shalt  }
0x57: {  	_ =	shalt  }
0x58: {  	_ =	shalt  }
0x59: {  	_ =	shalt  }
0x5a: {  	_ =	shalt  }
0x5b: {  	_ =	shalt  }
0x5c: {  	_ =	shalt  }
0x5d: {  	_ =	shalt  }
0x5e: {  	_ =	shalt  }
0x5f: {  	_ =	shalt  }
0x60: {  	_ =	shalt  }
0x61: {  	_ =	shalt  }
0x62: {  	_ =	shalt  }
0x63: {  	_ =	shalt  }
0x64: {  	_ =	shalt  }
0x65: {  	_ =	shalt  }
0x66: {  	_ =	shalt  }
0x67: {  	_ =	shalt  }
0x68: {  	_ =	shalt  }
0x69: {  	_ =	shalt  }
0x6a: {  	_ =	shalt  }
0x6b: {  	_ =	shalt  }
0x6c: {  	_ =	shalt  }
0x6d: {  	_ =	shalt  }
0x6e: {  	_ =	shalt  }
0x6f: {  	_ =	shalt  }
0x70: {  	_ =	shalt  }
0x71: {  	_ =	shalt  }
0x72: {  	_ =	shalt  }
0x73: {  	_ =	shalt  }
0x74: {  	_ =	shalt  }
0x75: {  	_ =	shalt  }
0x76: {  	_ =	shalt  }
0x77: {  	_ =	shalt  }
0x78: {  	_ =	shalt  }
0x79: {  	_ =	shalt  }
0x7a: {  	_ =	shalt  }
0x7b: {  	_ =	shalt  }
0x7c: {  	_ =	shalt  }
0x7d: {  	_ =	shalt  }
0x7e: {  	_ =	shalt  }
0x7f: {  	_ =	shalt  }
0x80: {  	_ =	shalt  }
0x81: {  	_ =	shalt  }
0x82: {  	_ =	shalt  }
0x83: {  	_ =	shalt  }
0x84: {  	_ =	shalt  }
0x85: {  	_ =	shalt  }
0x86: {  	_ =	shalt  }
0x87: {  	_ =	shalt  }
.Lfunc_end0:
.L_simem_size_0:
called_computation.2_lowered:
.L_overlay_start_0:
0x88: {  	s2 =	sld [smem:$0x3FD9]  }
0x89: {  	s3 =	sld [smem:$0x3FFE];
	_ =	sdelay $0x1  }
0x8a: {  	s1 =	srdreg.scid  }
0x8b: {  	s0 =	sand.u32 $0x1, s1  }
0x8c: {  	s16 =	sshll.u32 s0, $0xA;
	s2 =	sadd.s32 s3, s2  }
0x8d: {  	s2 =	sadd.s32 s2, s16  }
0x8e: {  	[smem:$0x3FBE] =	sst s2  }
0x8f: {  	_ = 	snop  }
0x90: {  	(tm) =	ssettm $0x1  }
0x91: {  	s17 =	sld [smem:$0x3FFB];
	_ =	sdelay $0x3  }
0x92: {  	_ =	strace s17  }
0x93: {  	s2 =	sld [smem:$0x3FFC];
	_ =	sdelay $0x3  }
0x94: {  	_ =	strace s2  }
0x95: {  	s2 =	sld [smem:$0x3FFD];
	_ =	sdelay $0x3  }
0x96: {  	_ =	strace s2  }
0x97: {  	_ =	strace $0x8FFFFFFF  }
0x98: {  	s18 =	sld [smem:$0x3FDB];
	_ =	sdelay $0x1  }
0x99: {  	s19 =	simm.s32 $_scs_section_size  }
0x9a: {  	s4 =	simm.s32 $_size__tile_overlayer_lowered;
	s5 =	simm.s32 $_tile_overlayer_lowered  }
0x9b: {  	s22 =	simm.s32 $0x1BFF;
	s21 =	sshll.u32 s5, $0x1;
	s2 =	sadd.s32 s19, s18  }
0x9c: {  	s6 =	simm.s32 $0x0;
	s20 =	sshll.u32 s4, $0x1;
	s4 =	sadd.s32 s21, s2  }
0x9d: {  	[timem:s6], [sflag:s22] =	dma.local [hbm:s4], s20  }
0x9e: {  	_ =	swait.ge [sflag:s22], s20  }
0x9f: {  	s3 =	ssub.s32 $0x0, s20;
	[sflag:s22] =	ssyncset.done $0x0  }
0xa0: {  	[sflag:s22] =	ssyncadd.s32 s3;
	_ =	sdelay $0x1  }
0xa1: {  	s23 =	simm.s32 $0x1B8B  }
0xa2: {  	_ =	swait.ge [sflag:s23], $0x1  }
0xa3: {  	[sflag:s23] =	ssyncset.done $0x0  }
0xa4: {  	s25 =	simm.s32 $0x1B8E;
	s24 =	sld [smem:$0x3FFE];
	[sflag:s23] =	ssyncadd.s32 $0xFFFFFFFF  }
0xa5: {  	s26 =	simm.s32 $execute0_lowered;
	[smem:$0x3FD2] =	sst s25  }
0xa6: {  	s4 =	sshll.u32 s26, $0x1;
	_ =	strace $0x8000004C;
	[dreg:$0x1] =	wrdreg $0xFFFFFFFF  }
0xa7: {  	s28 =	simm.s32 $_size_execute0_lowered;
	s2 =	sadd.s32 s2, s4;
	[dreg:$0x0] =	wrdreg $0x0  }
0xa8: {  	s4 =	sshll.u32 s28, $0x1;
	[dreg:$0x2] =	wrdreg s2  }
0xa9: {  	[dreg:$0x3] =	wrdreg s4  }
0xaa: {  	[dreg:$0x4] =	wrdreg $0xC0  }
0xab: {  	_ =	task [dreg:s6], $0x5FFFF  }
0xac: {  	[dreg:$0x1] =	wrdreg $0xFFFFFFFF  }
0xad: {  	[dreg:$0x0] =	wrdreg $0x60  }
0xae: {  	[dreg:$0x2] =	wrdreg s24  }
0xaf: {  	[dreg:$0x3] =	wrdreg $0x9  }
0xb0: {  	_ =	task.clear_ibuf [dreg:s6], $0x4FFFF;
	_ =	strace $0x9000004C  }
0xb1: {  	s29 =	simm.s32 $0x9;
	_ =	strace $0x8000004E  }
0xb2: {  	_ =	swait.ge [sflag:s29], $0x1  }
0xb3: {  	[sflag:s29] =	ssyncadd.s32 $0xFFFFFFFF  }
0xb4: {  	_ =	strace $0x9000004E  }
0xb5: {  	_ =	sfence  }
0xb6: {  	s30 =	sld [smem:$0x0];
	_ =	sdelay $0x2  }
0xb7: {  	s31 =	sshll.u32 s1, $0xD;
	s1 =	sshrl.u32 s1, $0x2  }
0xb8: {  	s3 =	sand.u32 $0x4000, s31;
	s1 =	sadd.s32 s1, s30  }
0xb9: {  	s0 =	sor.u32 s3, s0;
	s1 =	sshll.u32 s1, $0x11  }
0xba: {  	s0 =	sor.u32 s1, s0  }
0xbb: {  	s0 =	sadd.s32 $0x8F2B, s0  }
0xbc: {  	[sflag:s0] =	ssyncadd.remote.s32 $0x1  }
0xbd: {  	_ =	sfence.sel $0xFFFF  }
0xbe: {  	[dreg:$0x0] =	wrdreg $0xFFFFFFFF;
	(pc) =	sbr.abs _section_cstart, $3  }
0xbf: {  	[dreg:$0x1] =	wrdreg $0xFFFFFFFF  }
0xc0: {  	_ =	task.clear_ibuf [dreg:s6], $0x2FFFF;
	_ =	strace $0x9FFFFFFF  }
0xc1: {  	(tm) =	ssettm $0x7FFFFFFF  }
tec
execute0_lowered:
.L_overlay_start_1:
0x0: {  	(tag) =	ssettag $0x1  }
0x1: {  	s4 =	rddreg [dreg:$0x0]  }
0x2: {  	s0 =	rddreg [dreg:$0x1]  }
0x3: {  	s2 =	simm.s32 $0x0;
	s1 =	stileid.u32;
	s3 =	srdreg.scid  }
0x4: {  	s13 =	simm.s32 $0x80;
	s14 =	simm.s32 $0x200;
	s15 =	simm.s32 $0x2000  }
0x5: {  	s16 =	simm.s32 $0x1000;
	s17 =	simm.s32 $0x800;
	s18 =	simm.s32 $0x1800  }
0x6: {  	s19 =	simm.s32 $0x3;
	s20 =	simm.s32 $0x1;
	s21 =	simm.s32 $0xE380  }
0x7: {  	s22 =	simm.s32 $0x2;
	s23 =	simm.s32 $0x4;
	s24 =	simm.s32 $0x0  }
0x8: {  	[smem:$0x7FF] =	sst s2;
	s5 =	sshll.u32 s1, $0x1;
	s28 =	sshrl.u32 s1, $0x1  }
0x9: {  	s6 =	sand.u32 $0x1, s3;
	s26 =	sand.u32 $0x2, s5;
	s7 =	smul.u32 $0x30E00, s28  }
0xa: {  	_ =	strace $0x8000004D;
	s10 =	smul.u32 $0x61A80, s28;
	s3 =	sor.u32 s6, s26  }
0xb: {  	s6 =	ssub.s32 $0x2, s6;
	s8 =	sshll.u32 s3, $0x4;
	s9 =	sshll.u32 s3, $0x7  }
0xc: {  	s3 =	sadd.s32 $0x3C00, s4;
	s30 =	sshrl.u32 s10, $0x3;
	s31 =	sshrl.u32 s6, $0x1  }
.Ltmp0:
0xd: {  	s29 =	sadd.s32 s8, s4;
	s7 =	sor.u32 s7, s9;
	(pc) =	sbr.rel .LBB2_1-.Ltmp0, $4  }
0xe: {  	s12 =	ssub.s32 s6, s31;
	s9 =	sadd.s32 $0xFA0, s10;
	s7 =	sshrl.u32 s7, $0x3  }
0xf: {  	s10 =	sadd.s32 $0x1770, s10;
	s11 =	sadd.s32 s7, s4;
	s4 =	sadd.s32 s3, s30  }
0x10: {  	s5 =	sadd.s32 $0xC7200, s29;
	s12 =	smax.u32 s12, $0x1;
	s6 =	sadd.s32 $0x61A80, s4  }
0x11: {  	v0 =	vimm.f32 $0.0e+00;
	s7 =	sadd.s32 $0xFA, s4;
	s8 =	sadd.s32 $0x61B7A, s4;
	s11 =	sadd.s32 $0xCD400, s11  }
.LBB2_16:
0x12: {  	s24 =	sadd.s32 $0x1, s24  }
0x13: {  	p0 =	sne.s32 s24, s12  }
.Ltmp1:
0x14: {  	_ = 	snop;
	(pc) =	sbr.rel @!p0 .LBB2_17-.Ltmp1, $4  }
0x15: {  	[hbm4b:s11+s13] =	stream.strided.scatter [tilespmem:s21], [sflag:$0x4], $0xC380, s14, s13, $0x38;
	[tilespmem:$0x1A700] =	vst v63  }
0x16: {  	_ =	swait.ge [sflag:s23], $0xC380  }
0x17: {  	[sflag:s23] =	ssyncset.done $0x0  }
0x18: {  	[sflag:s23] =	ssyncadd.s32 $0xFFFF3C80  }
.LBB2_1:
0x19: {  	[tilespmem:s15], [sflag:$0x3] =	stream.strided.gather [hbm4b:s5+s13], $0xC380, s14, s13, $0x38;
	[tilespmem:$0x1A700] =	vst v63  }
0x1a: {  	_ = 	snop  }
0x1b: {  	[tilespmem:s2], [sflag:$0x1] =	stream.linear.gather [hbm4b:s4+s2], $0x7D0, $0x38;
	[tilespmem:$0x1A700] =	vst v63  }
0x1c: {  	_ = 	snop  }
0x1d: {  	[tilespmem:s16], [sflag:$0x1] =	stream.linear.gather [hbm4b:s6+s2], $0x7D0, $0x38;
	[tilespmem:$0x1A700] =	vst v63  }
0x1e: {  	_ = 	snop  }
0x1f: {  	[tilespmem:s17], [sflag:$0x2] =	stream.linear.gather [hbm4b:s7+s2], $0x7D0, $0x38;
	[tilespmem:$0x1A700] =	vst v63  }
0x20: {  	s25 =	simm.s32 $0xE3C0  }
0x21: {  	[tilespmem:s18], [sflag:$0x2] =	stream.linear.gather [hbm4b:s8+s2], $0x7D0, $0x38;
	[tilespmem:$0x1A700] =	vst v63  }
0x22: {  	[tilespmem:s25+$0xFFFFFFC0] =	vst v0  }
0x23: {  	[tilespmem:s25+$0x30] =	vst v0  }
0x24: {  	[tilespmem:s25+$0x20] =	vst v0  }
0x25: {  	[tilespmem:s25+$0x10] =	vst v0  }
0x26: {  	[tilespmem:s25+$0x0] =	vst v0  }
0x27: {  	[tilespmem:s25+$0xFFFFFFF0] =	vst v0  }
0x28: {  	s26 =	simm.s32 $0x0;
	[tilespmem:s25+$0xFFFFFFE0] =	vst v0  }
.LBB2_2:
0x29: {  	s26 =	sadd.s32 $0x8, s26;
	[tilespmem:s25+$0xFFFFFFD0] =	vst v0;
	s25 =	sadd.s32 $0x80, s25  }
0x2a: {  	[tilespmem:s25+$0xFFFFFFC0] =	vst v0;
	p0 =	slt.u32 s26, $0xC28  }
0x2b: {  	[tilespmem:s25+$0x30] =	vst v0  }
.Ltmp2:
0x2c: {  	[tilespmem:s25+$0x20] =	vst v0;
	(pc) =	sbr.rel @p0 .LBB2_2-.Ltmp2, $4  }
0x2d: {  	[tilespmem:s25+$0x10] =	vst v0  }
0x2e: {  	[tilespmem:s25+$0x0] =	vst v0  }
0x2f: {  	[tilespmem:s25+$0xFFFFFFF0] =	vst v0  }
0x30: {  	[tilespmem:s25+$0xFFFFFFE0] =	vst v0  }
0x31: {  	[tilespmem:s25+$0xFFFFFFD0] =	vst v0;
	s25 =	simm.s32 $0x0  }
.LBB2_4:
0x32: {  	p0 =	sne.s32 s25, $0x100  }
.Ltmp3:
0x33: {  	_ = 	snop;
	(pc) =	sbr.rel @p0 .LBB2_4-.Ltmp3, $3  }
0x34: {  	_ =	sdelay $0x1  }
0x35: {  	s26 =	sshra.s32 s25, $0x2  }
0x36: {  	s25 =	sadd.s32 $0x40, s25;
	[tilespmem:s26+$0x1A680] =	vst v0  }
0x37: {  	_ =	swait.ge [sflag:s19], $0xC380  }
0x38: {  	[sflag:s19] =	ssyncset.done $0x0  }
0x39: {  	s25 =	simm.s32 $0x0;
	[sflag:s19] =	ssyncadd.s32 $0xFFFF3C80  }
.LBB2_6:
0x3a: {  	_ =	swait.ge [sflag:s20], $0x7D0  }
0x3b: {  	[sflag:s20] =	ssyncset.done $0x0  }
0x3c: {  	[sflag:s20] =	ssyncadd.s32 $0xFFFFF830  }
0x3d: {  	_ =	swait.ge [sflag:s20], $0x7D0  }
0x3e: {  	[sflag:s20] =	ssyncset.done $0x0  }
0x3f: {  	s28 =	simm.s32 $0x40;
	[sflag:s20] =	ssyncadd.s32 $0xFFFFF830  }
0x40: {  	v1 =	vld [tilespmem:s28+$0x30]  }
0x41: {  	v2 =	vld [tilespmem:s28+$0xFFFFFFD0]  }
0x42: {  	v3 =	vld [tilespmem:s28+$0xFFFFFFE0]  }
0x43: {  	v4 =	vld [tilespmem:s28+$0xFFFFFFF0]  }
0x44: {  	v5 =	vld [tilespmem:s28+$0x0]  }
0x45: {  	s26 =	simm.s32 $0x1040;
	v6 =	vld [tilespmem:s28+$0x10]  }
0x46: {  	v7 =	vld [tilespmem:s26+$0x30]  }
0x47: {  	v8 =	vld [tilespmem:s28+$0x20]  }
0x48: {  	v9 =	vld [tilespmem:s28+$0xFFFFFFC0]  }
0x49: {  	v63 =	vld [tilespmem:s26+$0xFFFFFFC0]  }
0x4a: {  	v11 =	vld [tilespmem:s26+$0xFFFFFFD0]  }
0x4b: {  	v12 =	vld [tilespmem:s26+$0xFFFFFFE0]  }
0x4c: {  	v13 =	vld [tilespmem:s26+$0xFFFFFFF0]  }
0x4d: {  	v14 =	vld [tilespmem:s26+$0x0]  }
0x4e: {  	v15 =	vld [tilespmem:s26+$0x10]  }
0x4f: {  	v1 =	vld.idx.msk [tilespmem:v1+s15+$0x0], $0xffff  }
0x50: {  	v10 =	vld.idx.msk [tilespmem:v2+s15+$0x0], $0xffff  }
0x51: {  	v3 =	vld.idx.msk [tilespmem:v3+s15+$0x0], $0xffff  }
0x52: {  	v4 =	vld.idx.msk [tilespmem:v4+s15+$0x0], $0xffff  }
0x53: {  	v5 =	vld.idx.msk [tilespmem:v5+s15+$0x0], $0xffff  }
0x54: {  	v62 =	vld.idx.msk [tilespmem:v9+s15+$0x0], $0xffff  }
0x55: {  	v6 =	vld.idx.msk [tilespmem:v6+s15+$0x0], $0xffff  }
0x56: {  	v2 =	vld [tilespmem:s26+$0x20]  }
0x57: {  	[tilespmem:v7+s21+$0x0] =	vst.idx.add.f32.msk $0xffff, v1  }
0x58: {  	v1 =	vld.idx.msk [tilespmem:v8+s15+$0x0], $0xffff  }
0x59: {  	[tilespmem:v63+s21+$0x0] =	vst.idx.add.f32.msk $0xffff, v62  }
0x5a: {  	[tilespmem:v11+s21+$0x0] =	vst.idx.add.f32.msk $0xffff, v10  }
0x5b: {  	[tilespmem:v12+s21+$0x0] =	vst.idx.add.f32.msk $0xffff, v3  }
0x5c: {  	[tilespmem:v13+s21+$0x0] =	vst.idx.add.f32.msk $0xffff, v4  }
0x5d: {  	[tilespmem:v14+s21+$0x0] =	vst.idx.add.f32.msk $0xffff, v5  }
0x5e: {  	s29 =	simm.s32 $0xC0;
	s28 =	simm.s32 $0x0;
	[tilespmem:v15+s21+$0x0] =	vst.idx.add.f32.msk $0xffff, v6  }
.LBB2_7:
0x5f: {  	v3 =	vld [tilespmem:s29+$0x30];
	s28 =	sadd.s32 $0x8, s28  }
0x60: {  	v4 =	vld [tilespmem:s29+$0xFFFFFFD0];
	p0 =	slt.u32 s28, $0x70  }
0x61: {  	v5 =	vld [tilespmem:s29+$0xFFFFFFE0]  }
0x62: {  	v6 =	vld [tilespmem:s29+$0xFFFFFFF0]  }
0x63: {  	v7 =	vld [tilespmem:s29+$0x0]  }
0x64: {  	s26 =	sadd.s32 $0x80, s26;
	v8 =	vld [tilespmem:s29+$0x10]  }
0x65: {  	v9 =	vld [tilespmem:s26+$0x30]  }
0x66: {  	v10 =	vld [tilespmem:s29+$0x20]  }
0x67: {  	v3 =	vld.idx.msk [tilespmem:v3+s15+$0x0], $0xffff  }
0x68: {  	v11 =	vld [tilespmem:s29+$0xFFFFFFC0]  }
0x69: {  	v4 =	vld.idx.msk [tilespmem:v4+s15+$0x0], $0xffff  }
0x6a: {  	v5 =	vld.idx.msk [tilespmem:v5+s15+$0x0], $0xffff  }
0x6b: {  	v6 =	vld.idx.msk [tilespmem:v6+s15+$0x0], $0xffff  }
0x6c: {  	v7 =	vld.idx.msk [tilespmem:v7+s15+$0x0], $0xffff  }
0x6d: {  	s30 =	simm.s32 $0x0;
	[tilespmem:v9+s21+$0x0] =	vst.idx.add.f32.msk $0xffff, v3  }
0x6e: {  	v3 =	vld.idx.msk [tilespmem:v8+s15+$0x0], $0xffff  }
0x6f: {  	v8 =	vld.idx.msk [tilespmem:v10+s15+$0x0], $0xffff  }
0x70: {  	v9 =	vld.idx.msk [tilespmem:v11+s15+$0x0], $0xffff  }
0x71: {  	v10 =	vld [tilespmem:s26+$0xFFFFFFC0]  }
0x72: {  	v11 =	vld [tilespmem:s26+$0xFFFFFFD0]  }
0x73: {  	v12 =	vld [tilespmem:s26+$0xFFFFFFE0]  }
0x74: {  	v13 =	vld [tilespmem:s26+$0xFFFFFFF0]  }
0x75: {  	v14 =	vld [tilespmem:s26+$0x0]  }
0x76: {  	v15 =	vld [tilespmem:s26+$0x10]  }
0x77: {  	v16 =	vld [tilespmem:s26+$0x20]  }
0x78: {  	[tilespmem:v2+s21+$0x0] =	vst.idx.add.f32.msk $0xffff, v1;
	v1 =	vmov v8  }
0x79: {  	[tilespmem:v10+s21+$0x0] =	vst.idx.add.f32.msk $0xffff, v9  }
.Ltmp4:
0x7a: {  	[tilespmem:v11+s21+$0x0] =	vst.idx.add.f32.msk $0xffff, v4;
	(pc) =	sbr.rel @p0 .LBB2_7-.Ltmp4, $4  }
0x7b: {  	[tilespmem:v12+s21+$0x0] =	vst.idx.add.f32.msk $0xffff, v5  }
0x7c: {  	[tilespmem:v13+s21+$0x0] =	vst.idx.add.f32.msk $0xffff, v6;
	v2 =	vmov v16  }
0x7d: {  	[tilespmem:v14+s21+$0x0] =	vst.idx.add.f32.msk $0xffff, v7  }
0x7e: {  	s29 =	sadd.s32 $0x80, s29;
	[tilespmem:v15+s21+$0x0] =	vst.idx.add.f32.msk $0xffff, v3  }
0x7f: {  	_ =	sdelay $0x3  }
0x80: {  	[tilespmem:v2+s21+$0x0] =	vst.idx.add.f32.msk $0xffff, v1  }
.LBB2_9:
0x81: {  	s26 =	sshra.s32 s30, $0x2  }
0x82: {  	v1 =	vld [tilespmem:s26+$0x780];
	_ =	sdelay $0x4  }
0x83: {  	v2 =	vld [tilespmem:s26+$0x1780];
	_ =	sdelay $0x2  }
0x84: {  	p0 =	sne.s32 s30, $0x100;
	v1 =	vld.idx.msk [tilespmem:v1+s15+$0x0], $0xffff  }
.Ltmp5:
0x85: {  	_ = 	snop;
	(pc) =	sbr.rel @p0 .LBB2_9-.Ltmp5, $2  }
0x86: {  	_ =	sdelay $0x2  }
0x87: {  	s30 =	sadd.s32 $0x40, s30;
	[tilespmem:v2+s21+$0x0] =	vst.idx.add.f32.msk $0xffff, v1  }
0x88: {  	p0 =	seq.s32 s25, $0x63  }
0x89: {  	s26 =	smul.u32 @!p0 $0xFA0, s25;
	_ =	sdelay $0x1  }
0x8a: {  	s26 =	sadd.s32 @!p0 s26, s9  }
0x8b: {  	s26 =	sshrl.u32 @!p0 s26, $0x3  }
0x8c: {  	s28 =	simm.s32 @!p0 $0x0;
	s26 =	sadd.s32 @!p0 s3, s26  }
0x8d: {  	[tilespmem:s28], [sflag:$0x1] =	stream.linear.gather @!p0 [hbm4b:s26+s28], $0x7D0, $0x38;
	[tilespmem:$0x1A700] =	vst v63  }
0x8e: {  	s29 =	simm.s32 @!p0 $0x1000;
	s26 =	sadd.s32 @!p0 $0x61A80, s26  }
0x8f: {  	[tilespmem:s29], [sflag:$0x1] =	stream.linear.gather @!p0 [hbm4b:s26+s28], $0x7D0, $0x38;
	[tilespmem:$0x1A700] =	vst v63  }
0x90: {  	_ =	swait.ge [sflag:s22], $0x7D0  }
0x91: {  	[sflag:s22] =	ssyncset.done $0x0  }
0x92: {  	[sflag:s22] =	ssyncadd.s32 $0xFFFFF830  }
0x93: {  	_ =	swait.ge [sflag:s22], $0x7D0  }
0x94: {  	[sflag:s22] =	ssyncset.done $0x0  }
0x95: {  	s28 =	simm.s32 $0x840;
	[sflag:s22] =	ssyncadd.s32 $0xFFFFF830  }
0x96: {  	v1 =	vld [tilespmem:s28+$0x30]  }
0x97: {  	v2 =	vld [tilespmem:s28+$0xFFFFFFD0]  }
0x98: {  	v3 =	vld [tilespmem:s28+$0xFFFFFFE0]  }
0x99: {  	v4 =	vld [tilespmem:s28+$0xFFFFFFF0]  }
0x9a: {  	v5 =	vld [tilespmem:s28+$0x0]  }
0x9b: {  	s26 =	simm.s32 $0x1840;
	v6 =	vld [tilespmem:s28+$0x10]  }
0x9c: {  	v7 =	vld [tilespmem:s26+$0x30]  }
0x9d: {  	v8 =	vld [tilespmem:s28+$0x20]  }
0x9e: {  	v9 =	vld [tilespmem:s28+$0xFFFFFFC0]  }
0x9f: {  	v63 =	vld [tilespmem:s26+$0xFFFFFFC0]  }
0xa0: {  	v11 =	vld [tilespmem:s26+$0xFFFFFFD0]  }
0xa1: {  	v12 =	vld [tilespmem:s26+$0xFFFFFFE0]  }
0xa2: {  	v13 =	vld [tilespmem:s26+$0xFFFFFFF0]  }
0xa3: {  	v14 =	vld [tilespmem:s26+$0x0]  }
0xa4: {  	v15 =	vld [tilespmem:s26+$0x10]  }
0xa5: {  	v1 =	vld.idx.msk [tilespmem:v1+s15+$0x0], $0xffff  }
0xa6: {  	v10 =	vld.idx.msk [tilespmem:v2+s15+$0x0], $0xffff  }
0xa7: {  	v3 =	vld.idx.msk [tilespmem:v3+s15+$0x0], $0xffff  }
0xa8: {  	v4 =	vld.idx.msk [tilespmem:v4+s15+$0x0], $0xffff  }
0xa9: {  	v5 =	vld.idx.msk [tilespmem:v5+s15+$0x0], $0xffff  }
0xaa: {  	v62 =	vld.idx.msk [tilespmem:v9+s15+$0x0], $0xffff  }
0xab: {  	v6 =	vld.idx.msk [tilespmem:v6+s15+$0x0], $0xffff  }
0xac: {  	v2 =	vld [tilespmem:s26+$0x20]  }
0xad: {  	[tilespmem:v7+s21+$0x0] =	vst.idx.add.f32.msk $0xffff, v1  }
0xae: {  	v1 =	vld.idx.msk [tilespmem:v8+s15+$0x0], $0xffff  }
0xaf: {  	[tilespmem:v63+s21+$0x0] =	vst.idx.add.f32.msk $0xffff, v62  }
0xb0: {  	[tilespmem:v11+s21+$0x0] =	vst.idx.add.f32.msk $0xffff, v10  }
0xb1: {  	[tilespmem:v12+s21+$0x0] =	vst.idx.add.f32.msk $0xffff, v3  }
0xb2: {  	[tilespmem:v13+s21+$0x0] =	vst.idx.add.f32.msk $0xffff, v4  }
0xb3: {  	[tilespmem:v14+s21+$0x0] =	vst.idx.add.f32.msk $0xffff, v5  }
0xb4: {  	s29 =	simm.s32 $0x8C0;
	s28 =	simm.s32 $0x0;
	[tilespmem:v15+s21+$0x0] =	vst.idx.add.f32.msk $0xffff, v6  }
.LBB2_11:
0xb5: {  	v3 =	vld [tilespmem:s29+$0x30];
	s28 =	sadd.s32 $0x8, s28  }
0xb6: {  	v4 =	vld [tilespmem:s29+$0xFFFFFFD0];
	p1 =	slt.u32 s28, $0x70  }
0xb7: {  	v5 =	vld [tilespmem:s29+$0xFFFFFFE0]  }
0xb8: {  	v6 =	vld [tilespmem:s29+$0xFFFFFFF0]  }
0xb9: {  	v7 =	vld [tilespmem:s29+$0x0]  }
0xba: {  	s26 =	sadd.s32 $0x80, s26;
	v8 =	vld [tilespmem:s29+$0x10]  }
0xbb: {  	v9 =	vld [tilespmem:s26+$0x30]  }
0xbc: {  	v10 =	vld [tilespmem:s29+$0x20]  }
0xbd: {  	v3 =	vld.idx.msk [tilespmem:v3+s15+$0x0], $0xffff  }
0xbe: {  	v11 =	vld [tilespmem:s29+$0xFFFFFFC0]  }
0xbf: {  	v4 =	vld.idx.msk [tilespmem:v4+s15+$0x0], $0xffff  }
0xc0: {  	v5 =	vld.idx.msk [tilespmem:v5+s15+$0x0], $0xffff  }
0xc1: {  	v6 =	vld.idx.msk [tilespmem:v6+s15+$0x0], $0xffff  }
0xc2: {  	v7 =	vld.idx.msk [tilespmem:v7+s15+$0x0], $0xffff  }
0xc3: {  	s30 =	simm.s32 $0x0;
	[tilespmem:v9+s21+$0x0] =	vst.idx.add.f32.msk $0xffff, v3  }
0xc4: {  	v3 =	vld.idx.msk [tilespmem:v8+s15+$0x0], $0xffff  }
0xc5: {  	v8 =	vld.idx.msk [tilespmem:v10+s15+$0x0], $0xffff  }
0xc6: {  	v9 =	vld.idx.msk [tilespmem:v11+s15+$0x0], $0xffff  }
0xc7: {  	v10 =	vld [tilespmem:s26+$0xFFFFFFC0]  }
0xc8: {  	v11 =	vld [tilespmem:s26+$0xFFFFFFD0]  }
0xc9: {  	v12 =	vld [tilespmem:s26+$0xFFFFFFE0]  }
0xca: {  	v13 =	vld [tilespmem:s26+$0xFFFFFFF0]  }
0xcb: {  	v14 =	vld [tilespmem:s26+$0x0]  }
0xcc: {  	v15 =	vld [tilespmem:s26+$0x10]  }
0xcd: {  	v16 =	vld [tilespmem:s26+$0x20]  }
0xce: {  	[tilespmem:v2+s21+$0x0] =	vst.idx.add.f32.msk $0xffff, v1;
	v1 =	vmov v8  }
0xcf: {  	[tilespmem:v10+s21+$0x0] =	vst.idx.add.f32.msk $0xffff, v9  }
.Ltmp6:
0xd0: {  	[tilespmem:v11+s21+$0x0] =	vst.idx.add.f32.msk $0xffff, v4;
	(pc) =	sbr.rel @p1 .LBB2_11-.Ltmp6, $4  }
0xd1: {  	[tilespmem:v12+s21+$0x0] =	vst.idx.add.f32.msk $0xffff, v5  }
0xd2: {  	[tilespmem:v13+s21+$0x0] =	vst.idx.add.f32.msk $0xffff, v6;
	v2 =	vmov v16  }
0xd3: {  	[tilespmem:v14+s21+$0x0] =	vst.idx.add.f32.msk $0xffff, v7  }
0xd4: {  	s29 =	sadd.s32 $0x80, s29;
	[tilespmem:v15+s21+$0x0] =	vst.idx.add.f32.msk $0xffff, v3  }
0xd5: {  	_ =	sdelay $0x3  }
0xd6: {  	[tilespmem:v2+s21+$0x0] =	vst.idx.add.f32.msk $0xffff, v1  }
.LBB2_13:
0xd7: {  	s26 =	sshra.s32 s30, $0x2  }
0xd8: {  	v1 =	vld [tilespmem:s26+$0xF80];
	_ =	sdelay $0x4  }
0xd9: {  	v2 =	vld [tilespmem:s26+$0x1F80];
	_ =	sdelay $0x2  }
0xda: {  	p1 =	sne.s32 s30, $0x100;
	v1 =	vld.idx.msk [tilespmem:v1+s15+$0x0], $0xffff  }
.Ltmp7:
0xdb: {  	_ = 	snop;
	(pc) =	sbr.rel @p1 .LBB2_13-.Ltmp7, $2  }
0xdc: {  	_ =	sdelay $0x2  }
0xdd: {  	s30 =	sadd.s32 $0x40, s30;
	[tilespmem:v2+s21+$0x0] =	vst.idx.add.f32.msk $0xffff, v1  }
.Ltmp8:
0xde: {  	(pc) =	sbr.rel @p0 .LBB2_16-.Ltmp8, $1  }
0xdf: {  	_ =	sdelay $0x3  }
0xe0: {  	s26 =	smul.u32 $0xFA0, s25;
	_ =	sdelay $0x1  }
0xe1: {  	s26 =	sadd.s32 s26, s10  }
.Ltmp9:
0xe2: {  	s26 =	sshrl.u32 s26, $0x3;
	(pc) =	sbr.rel .LBB2_6-.Ltmp9, $4  }
0xe3: {  	s26 =	sadd.s32 s3, s26  }
0xe4: {  	[tilespmem:s17], [sflag:$0x2] =	stream.linear.gather [hbm4b:s26+s2], $0x7D0, $0x38;
	[tilespmem:$0x1A700] =	vst v63  }
0xe5: {  	s25 =	sadd.s32 $0x1, s25;
	s26 =	sadd.s32 $0x61A80, s26  }
0xe6: {  	[tilespmem:s18], [sflag:$0x2] =	stream.linear.gather [hbm4b:s26+s2], $0x7D0, $0x38;
	[tilespmem:$0x1A700] =	vst v63  }
.LBB2_17:
0xe7: {  	_ =	sfence.sel $0x180000  }
0xe8: {  	[bflag:$0x0] =	sbarrier.arrive $0xFFFF  }
0xe9: {  	p0 =	sne.s32 s1, $0x0;
	_ =	strace $0x9000004D  }
0xea: {  	s0 =	sadd.s32 @!p0 $0x100000, s0;
	[bflag:$0x2] =	sbarrier.arrive $0xFFFF  }
0xeb: {  	[sflag:s0] =	ssyncadd.tile.s32 @!p0 $0x1;
	_ =	shalt  }
.Lfunc_end2:
_tile_overlayer_lowered:
.L_overlay_start_2:
0xec: {  	(tag) =	ssettag $0x2  }
0xed: {  	s0 =	rddreg [dreg:$0x0];
	s2 =	stileid.u32  }
0xee: {  	s1 =	rddreg [dreg:$0x1];
	p0 =	sne.s32 s2, $0x0  }
0xef: {  	s3 =	rddreg [dreg:$0x2];
	[bflag:$0x3] =	sbarrier.arrive $0xFFFF;
	s2 =	simm.s32 @!p0 $0x1C04  }
0xf0: {  	[timem:s3], [sflag:s2] =	dma.local @!p0 [hbm:s0], s1  }
0xf1: {  	s0 =	simm.s32 @!p0 $0x4  }
0xf2: {  	_ =	swait.ge @!p0 [sflag:s0], s1  }
0xf3: {  	s1 =	ssub.s32 @!p0 $0x0, s1;
	[sflag:s0] =	ssyncset.done @!p0 $0x0  }
0xf4: {  	[sflag:s0] =	ssyncadd.s32 @!p0 s1  }
0xf5: {  	[bflag:$0x3] =	sbarrier.arrive $0xFFFF  }
0xf6: {  	_ =	shalt  }

// kernel: kernel.19.cloned.1.call-start
scs
__scs_entry_jumppad:
0x0: {  	(pc) =	sbr.rel $0x88, $3  }
0x1: {  	(tag) =	ssettag $0x0;
	lr =	simm.s32 $0x1  }
0x2: {  	[smem:$0x3F97] =	sst lr;
	_ =	strace $0xD0000000  }
0x3: {  	_ = 	snop  }
0x4: {  	_ = 	snop  }
0x5: {  	_ = 	snop  }
0x6: {  	_ = 	snop  }
0x7: {  	_ = 	snop  }
__scs_overlays_trampoline_lowered:
0x8: {  	[smem:$0x3FA6] =	sst s0  }
0x9: {  	[smem:$0x3FA7] =	sst s1  }
0xa: {  	[smem:$0x3FA8] =	sst s2  }
0xb: {  	[smem:$0x3FA9] =	sst s3  }
0xc: {  	[smem:$0x3FAA] =	sst s4  }
0xd: {  	[smem:$0x3FAB] =	sst s5  }
0xe: {  	[smem:$0x3FAC] =	sst s6  }
0xf: {  	[smem:$0x3FAD] =	sst s7  }
0x10: {  	[smem:$0x3FAE] =	sst s8  }
0x11: {  	[smem:$0x3FAF] =	sst s9;
	s0 =	simm.s32 @!p0 $0x0  }
0x12: {  	s1 =	sld [smem:$0x3F95];
	s0 =	simm.s32 @p0 $0x1  }
0x13: {  	[smem:$0x3FB0] =	sst s0;
	s0 =	simm.s32 @!p1 $0x0  }
0x14: {  	s2 =	sld [smem:$0x3F94];
	s0 =	simm.s32 @p1 $0x1  }
0x15: {  	[smem:$0x3FB1] =	sst s0;
	s0 =	simm.s32 @!p2 $0x0  }
0x16: {  	s3 =	sld [smem:$0x3FDB];
	s0 =	simm.s32 @p2 $0x1  }
0x17: {  	s4 =	simm.s32 $0x1BF5;
	[smem:$0x3FB3] =	sst s0  }
0x18: {  	s0 =	sld [smem:$0x3F96];
	_ =	swait.ge [sflag:s4], $0x0  }
0x19: {  	s7 =	sld [smem:$0x3F97]  }
0x1a: {  	s8 =	sadd.s32 $0xFFFFE003, lr  }
0x1b: {  	s9 =	sadd.s32 $0xFFFFFEF7, lr;
	s5 =	simm.s32 $0xFFFFFFFF;
	p2 =	slt.u32 s8, $0xFFFFF086  }
0x1c: {  	p1 =	slt.u32 s9, $0xF7A;
	s5 =	simm.s32 @!p2 $0x0  }
0x1d: {  	s5 =	simm.s32 @p1 $0x1;
	p0 =	seq.s32 s7, s2  }
0x1e: {  	s7 =	smul.u32 @!p0 $0xF7A, s2;
	p2 =	seq.s32 @!p0 s5, $0x0  }
0x1f: {  	s9 =	smul.u32 $0xF7A, s1;
	s8 =	simm.s32 @!p0 $0x1BF5;
	p2 =	por !p2, p0  }
0x20: {  	[sflag:s8] =	ssyncset.s32 @!p0 $0xFFFFF086;
	s6 =	sadd.s32 @!p0 s3, s7;
	s7 =	simm.s32 @!p0 $0x108  }
0x21: {  	s3 =	sadd.s32 s3, s9;
	s6 =	sadd.s32 @!p0 $0x88, s6;
	s7 =	simm.s32 @p2 $0x1082  }
0x22: {  	[simem:s7], [sflag:s8] =	dma.local @!p0 [hbm:s6], $0xF7A  }
0x23: {  	s9 =	sor.u32 $0xD0000000, s2;
	s6 =	simm.s32 $0x108;
	_ =	swait.ge @!p0 [sflag:s8], $0x0  }
0x24: {  	s3 =	sadd.s32 $0x88, s3;
	s6 =	simm.s32 @!p1 $0x1082;
	[sflag:s4] =	ssyncset.s32 $0xFFFFF086  }
0x25: {  	[simem:s6], [sflag:s4] =	dma.local [hbm:s3], $0xF7A  }
0x26: {  	[smem:$0x3F97] =	sst s1;
	(tag) =	ssettag s2;
	_ =	strace s9  }
0x27: {  	s1 =	sld [smem:$0x3FA7]  }
0x28: {  	s2 =	sld [smem:$0x3FA8]  }
0x29: {  	s4 =	sld [smem:$0x3FAA]  }
0x2a: {  	p0 =	seq.s32 s5, $0x0;
	s5 =	sld [smem:$0x3FAB]  }
0x2b: {  	s6 =	sld [smem:$0x3FAC]  }
0x2c: {  	s7 =	sld [smem:$0x3FAD]  }
0x2d: {  	s3 =	simm.s32 $0x108;
	s8 =	sld [smem:$0x3FAE]  }
0x2e: {  	s3 =	simm.s32 @!p0 $0x1082;
	s9 =	sld [smem:$0x3FAF]  }
0x2f: {  	lr =	sadd.s32 s0, s3;
	s0 =	sld [smem:$0x3FA6]  }
0x30: {  	s3 =	sld [smem:$0x3FA9]  }
0x31: {  	[smem:$0x3FB2] =	sst s10  }
0x32: {  	s10 =	sld [smem:$0x3FB0];
	_ =	sdelay $0x3  }
0x33: {  	p0 =	seq.s32 s10, $0x1;
	s10 =	sld [smem:$0x3FB2];
	_ =	sdelay $0x3  }
0x34: {  	[smem:$0x3FB2] =	sst s10  }
0x35: {  	s10 =	sld [smem:$0x3FB1];
	_ =	sdelay $0x3  }
0x36: {  	p1 =	seq.s32 s10, $0x1;
	s10 =	sld [smem:$0x3FB2];
	_ =	sdelay $0x3  }
0x37: {  	[smem:$0x3FB2] =	sst s10  }
0x38: {  	s10 =	sld [smem:$0x3FB3]  }
0x39: {  	_ = 	snop;
	(pc) =	sbr.ind lr, $3  }
0x3a: {  	_ = 	snop  }
0x3b: {  	_ = 	snop  }
0x3c: {  	p2 =	seq.s32 s10, $0x1;
	s10 =	sld [smem:$0x3FB2]  }
0x3d: {  	_ =	shalt  }
0x3e: {  	_ =	shalt  }
0x3f: {  	_ =	shalt  }
0x40: {  	_ =	shalt  }
0x41: {  	_ =	shalt  }
0x42: {  	_ =	shalt  }
0x43: {  	_ =	shalt  }
0x44: {  	_ =	shalt  }
0x45: {  	_ =	shalt  }
0x46: {  	_ =	shalt  }
0x47: {  	_ =	shalt  }
0x48: {  	_ =	shalt  }
0x49: {  	_ =	shalt  }
0x4a: {  	_ =	shalt  }
0x4b: {  	_ =	shalt  }
0x4c: {  	_ =	shalt  }
0x4d: {  	_ =	shalt  }
0x4e: {  	_ =	shalt  }
0x4f: {  	_ =	shalt  }
0x50: {  	_ =	shalt  }
0x51: {  	_ =	shalt  }
0x52: {  	_ =	shalt  }
0x53: {  	_ =	shalt  }
0x54: {  	_ =	shalt  }
0x55: {  	_ =	shalt  }
0x56: {  	_ =	shalt  }
0x57: {  	_ =	shalt  }
0x58: {  	_ =	shalt  }
0x59: {  	_ =	shalt  }
0x5a: {  	_ =	shalt  }
0x5b: {  	_ =	shalt  }
0x5c: {  	_ =	shalt  }
0x5d: {  	_ =	shalt  }
0x5e: {  	_ =	shalt  }
0x5f: {  	_ =	shalt  }
0x60: {  	_ =	shalt  }
0x61: {  	_ =	shalt  }
0x62: {  	_ =	shalt  }
0x63: {  	_ =	shalt  }
0x64: {  	_ =	shalt  }
0x65: {  	_ =	shalt  }
0x66: {  	_ =	shalt  }
0x67: {  	_ =	shalt  }
0x68: {  	_ =	shalt  }
0x69: {  	_ =	shalt  }
0x6a: {  	_ =	shalt  }
0x6b: {  	_ =	shalt  }
0x6c: {  	_ =	shalt  }
0x6d: {  	_ =	shalt  }
0x6e: {  	_ =	shalt  }
0x6f: {  	_ =	shalt  }
0x70: {  	_ =	shalt  }
0x71: {  	_ =	shalt  }
0x72: {  	_ =	shalt  }
0x73: {  	_ =	shalt  }
0x74: {  	_ =	shalt  }
0x75: {  	_ =	shalt  }
0x76: {  	_ =	shalt  }
0x77: {  	_ =	shalt  }
0x78: {  	_ =	shalt  }
0x79: {  	_ =	shalt  }
0x7a: {  	_ =	shalt  }
0x7b: {  	_ =	shalt  }
0x7c: {  	_ =	shalt  }
0x7d: {  	_ =	shalt  }
0x7e: {  	_ =	shalt  }
0x7f: {  	_ =	shalt  }
0x80: {  	_ =	shalt  }
0x81: {  	_ =	shalt  }
0x82: {  	_ =	shalt  }
0x83: {  	_ =	shalt  }
0x84: {  	_ =	shalt  }
0x85: {  	_ =	shalt  }
0x86: {  	_ =	shalt  }
0x87: {  	_ =	shalt  }
.Lfunc_end0:
.L_simem_size_0:
called_computation.3_lowered:
.L_overlay_start_0:
0x88: {  	s2 =	sld [smem:$0x3FD9]  }
0x89: {  	s3 =	sld [smem:$0x3FFE];
	_ =	sdelay $0x1  }
0x8a: {  	s1 =	srdreg.scid  }
0x8b: {  	s0 =	sand.u32 $0x1, s1  }
0x8c: {  	s14 =	sshll.u32 s0, $0xA;
	s2 =	sadd.s32 s3, s2  }
0x8d: {  	s2 =	sadd.s32 s2, s14  }
0x8e: {  	[smem:$0x3FBE] =	sst s2  }
0x8f: {  	_ = 	snop  }
0x90: {  	s2 =	sld [smem:$0x3FD0];
	_ =	sdelay $0x2  }
0x91: {  	s15 =	simm.s32 $0xA;
	s4 =	simm.s32 $0x10  }
0x92: {  	[smem:s4], [sflag:s15] =	dma.local [hbm:s2], $0x1  }
0x93: {  	_ =	swait.eq [sflag:s15], $0x1  }
0x94: {  	[sflag:s15] =	ssyncset.done $0x0  }
0x95: {  	[sflag:s15] =	ssyncadd.s32 $0xFFFFFFFF  }
0x96: {  	s16 =	sld [smem:$0x11];
	(tm) =	ssettm $0x1  }
0x97: {  	s17 =	sld [smem:$0x3FFB];
	_ =	sdelay $0x3  }
0x98: {  	_ =	strace s17  }
0x99: {  	s3 =	sld [smem:$0x3FFC];
	_ =	sdelay $0x3  }
0x9a: {  	_ =	strace s3  }
0x9b: {  	s3 =	sld [smem:$0x3FFD];
	_ =	sdelay $0x3  }
0x9c: {  	_ =	strace s3  }
0x9d: {  	_ =	strace $0x8FFFFFFF  }
0x9e: {  	s18 =	sld [smem:$0x3FDB];
	_ =	sdelay $0x1  }
0x9f: {  	s19 =	simm.s32 $_scs_section_size  }
0xa0: {  	s5 =	simm.s32 $_size__tile_overlayer_lowered;
	s6 =	simm.s32 $_tile_overlayer_lowered  }
0xa1: {  	s22 =	simm.s32 $0x1BFF;
	s21 =	sshll.u32 s6, $0x1;
	s3 =	sadd.s32 s19, s18  }
0xa2: {  	s7 =	simm.s32 $0x0;
	s20 =	sshll.u32 s5, $0x1;
	s5 =	sadd.s32 s21, s3  }
0xa3: {  	[timem:s7], [sflag:s22] =	dma.local [hbm:s5], s20  }
0xa4: {  	_ =	swait.ge [sflag:s22], s20  }
0xa5: {  	s4 =	ssub.s32 $0x0, s20;
	[sflag:s22] =	ssyncset.done $0x0  }
0xa6: {  	[sflag:s22] =	ssyncadd.s32 s4;
	_ =	sdelay $0x1  }
0xa7: {  	s23 =	simm.s32 $0x1B8B  }
0xa8: {  	_ =	swait.ge [sflag:s23], $0x1  }
0xa9: {  	[sflag:s23] =	ssyncset.done $0x0  }
0xaa: {  	s25 =	simm.s32 $0x1B8E;
	s24 =	sld [smem:$0x3FFE];
	[sflag:s23] =	ssyncadd.s32 $0xFFFFFFFF  }
0xab: {  	s26 =	simm.s32 $execute0_lowered;
	[smem:$0x3FD2] =	sst s25  }
0xac: {  	s5 =	sshll.u32 s26, $0x1;
	_ =	strace $0x8000004F;
	[dreg:$0x1] =	wrdreg $0xFFFFFFFF  }
0xad: {  	s28 =	simm.s32 $_size_execute0_lowered;
	s3 =	sadd.s32 s3, s5;
	[dreg:$0x0] =	wrdreg $0x0  }
0xae: {  	s5 =	sshll.u32 s28, $0x1;
	[dreg:$0x2] =	wrdreg s3  }
0xaf: {  	[dreg:$0x3] =	wrdreg s5  }
0xb0: {  	[dreg:$0x4] =	wrdreg $0xC0  }
0xb1: {  	_ =	task [dreg:s7], $0x5FFFF  }
0xb2: {  	[dreg:$0x1] =	wrdreg $0xFFFFFFFF  }
0xb3: {  	[dreg:$0x0] =	wrdreg $0x60  }
0xb4: {  	[dreg:$0x2] =	wrdreg s24  }
0xb5: {  	[dreg:$0x3] =	wrdreg s16  }
0xb6: {  	[dreg:$0x4] =	wrdreg $0x9  }
0xb7: {  	_ =	task.clear_ibuf [dreg:s7], $0x5FFFF;
	_ =	strace $0x9000004F  }
0xb8: {  	s29 =	simm.s32 $0x9;
	_ =	strace $0x80000051  }
0xb9: {  	_ =	swait.ge [sflag:s29], $0x1  }
0xba: {  	[sflag:s29] =	ssyncadd.s32 $0xFFFFFFFF  }
0xbb: {  	_ =	strace $0x90000051  }
0xbc: {  	_ =	sfence  }
0xbd: {  	s30 =	sld [smem:$0x0];
	_ =	sdelay $0x2  }
0xbe: {  	s31 =	sshll.u32 s1, $0xD;
	s1 =	sshrl.u32 s1, $0x2  }
0xbf: {  	s3 =	sand.u32 $0x4000, s31;
	s1 =	sadd.s32 s1, s30  }
0xc0: {  	s0 =	sor.u32 s3, s0;
	s1 =	sshll.u32 s1, $0x11  }
0xc1: {  	s0 =	sor.u32 s1, s0  }
0xc2: {  	s0 =	sadd.s32 $0x8F2B, s0  }
0xc3: {  	[sflag:s0] =	ssyncadd.remote.s32 $0x1  }
0xc4: {  	_ =	sfence.sel $0xFFFF  }
0xc5: {  	[dreg:$0x0] =	wrdreg $0xFFFFFFFF;
	(pc) =	sbr.abs _section_cstart, $3  }
0xc6: {  	[dreg:$0x1] =	wrdreg $0xFFFFFFFF  }
0xc7: {  	_ =	task.clear_ibuf [dreg:s7], $0x2FFFF;
	_ =	strace $0x9FFFFFFF  }
0xc8: {  	(tm) =	ssettm $0x7FFFFFFF  }
0xc9: {  	_ =	shalt  }
tec
execute0_lowered:
.L_overlay_start_1:
0x0: {  	(tag) =	ssettag $0x1  }
0x1: {  	s1 =	srdreg.scid  }
0x2: {  	s0 =	stileid.u32;
	s6 =	rddreg [dreg:$0x0]  }
0x3: {  	s3 =	simm.s32 $0x1;
	s7 =	rddreg [dreg:$0x1];
	s2 =	simm.s32 $0x0  }
0x4: {  	s4 =	simm.s32 $0x1;
	s15 =	simm.s32 $0x100;
	s5 =	sand.u32 $0x1, s1  }
0x5: {  	s16 =	simm.s32 $0x2000;
	s17 =	simm.s32 $0x1000;
	s1 =	sor.u32 s5, s0  }
0x6: {  	s18 =	simm.s32 $0x800;
	p0 =	seq.s32 s5, $0x1;
	p1 =	seq.s32 s1, $0x0  }
0x7: {  	s19 =	simm.s32 $0x1800;
	s20 =	simm.s32 $0x3;
	p0 =	por !p1, !p0  }
0x8: {  	s21 =	simm.s32 $0xE380;
	s22 =	simm.s32 $0x2;
	p0 =	por !p0, !p0  }
0x9: {  	s23 =	simm.s32 $0x4;
	s24 =	simm.s32 $0x0;
	s3 =	simm.s32 @!p0 $0x0  }
0xa: {  	[smem:$0x7FF] =	sst s2;
	s10 =	sshll.u32 s5, $0x7;
	s8 =	ssub.s32 s0, s3  }
0xb: {  	s26 =	ssub.s32 $0x2, s5;
	s5 =	sshll.u32 s5, $0x4;
	s9 =	smul.u32 $0x18700, s8  }
0xc: {  	s1 =	rddreg [dreg:$0x2];
	s11 =	sshrl.u32 s26, $0x1;
	s12 =	smul.u32 $0x30D40, s8  }
0xd: {  	_ =	strace $0x80000050;
	s5 =	sadd.s32 s7, s5;
	s14 =	ssub.s32 s26, s11  }
0xe: {  	s3 =	sadd.s32 $0x3C00, s6;
	s9 =	sor.u32 s10, s9;
	s28 =	sadd.s32 $0x30D400, s12  }
0xf: {  	s29 =	sshrl.u32 s12, $0x3;
	s8 =	sadd.s32 $0x30DBD0, s12;
	s30 =	sadd.s32 $0x7D0, s12  }
.Ltmp0:
0x10: {  	s10 =	sadd.s32 $0xFA0, s12;
	s11 =	sadd.s32 $0x1770, s12;
	(pc) =	sbr.rel .LBB2_1-.Ltmp0, $4  }
0x11: {  	s9 =	sshrl.u32 s9, $0x3;
	s7 =	sshrl.u32 s28, $0x3;
	s31 =	sshrl.u32 s8, $0x3  }
0x12: {  	s13 =	sadd.s32 s9, s6;
	s6 =	sadd.s32 s3, s29;
	s9 =	sshrl.u32 s30, $0x3  }
0x13: {  	s7 =	sadd.s32 s3, s7;
	s8 =	sadd.s32 s3, s9;
	s9 =	sadd.s32 s3, s31  }
0x14: {  	v0 =	vimm.f32 $0.0e+00;
	s12 =	sadd.s32 $0xC7200, s13;
	s13 =	smax.u32 s14, $0x1;
	s14 =	simm.s32 $0x80  }
.LBB2_16:
0x15: {  	s24 =	sadd.s32 $0x1, s24  }
0x16: {  	p0 =	sne.s32 s24, s13  }
.Ltmp1:
0x17: {  	_ = 	snop;
	(pc) =	sbr.rel @!p0 .LBB2_17-.Ltmp1, $4  }
0x18: {  	[hbm4b:s12+s14] =	stream.strided.scatter [tilespmem:s21], [sflag:$0x4], $0xC380, s15, s14, $0x38;
	[tilespmem:$0x1A700] =	vst v63  }
0x19: {  	_ =	swait.ge [sflag:s23], $0xC380  }
0x1a: {  	[sflag:s23] =	ssyncset.done $0x0  }
0x1b: {  	[sflag:s23] =	ssyncadd.s32 $0xFFFF3C80  }
.LBB2_1:
0x1c: {  	[tilespmem:s16], [sflag:$0x3] =	stream.strided.gather [hbm4b:s5+s14], $0xC380, s15, s14, $0x38;
	[tilespmem:$0x1A700] =	vst v63  }
0x1d: {  	_ = 	snop  }
0x1e: {  	[tilespmem:s2], [sflag:$0x1] =	stream.linear.gather [hbm4b:s6+s2], $0x7D0, $0x38;
	[tilespmem:$0x1A700] =	vst v63  }
0x1f: {  	_ = 	snop  }
0x20: {  	[tilespmem:s17], [sflag:$0x1] =	stream.linear.gather [hbm4b:s7+s2], $0x7D0, $0x38;
	[tilespmem:$0x1A700] =	vst v63  }
0x21: {  	_ = 	snop  }
0x22: {  	[tilespmem:s18], [sflag:$0x2] =	stream.linear.gather [hbm4b:s8+s2], $0x7D0, $0x38;
	[tilespmem:$0x1A700] =	vst v63  }
0x23: {  	s25 =	simm.s32 $0xE3C0  }
0x24: {  	[tilespmem:s19], [sflag:$0x2] =	stream.linear.gather [hbm4b:s9+s2], $0x7D0, $0x38;
	[tilespmem:$0x1A700] =	vst v63  }
0x25: {  	[tilespmem:s25+$0xFFFFFFC0] =	vst v0  }
0x26: {  	[tilespmem:s25+$0x30] =	vst v0  }
0x27: {  	[tilespmem:s25+$0x20] =	vst v0  }
0x28: {  	[tilespmem:s25+$0x10] =	vst v0  }
0x29: {  	[tilespmem:s25+$0x0] =	vst v0  }
0x2a: {  	[tilespmem:s25+$0xFFFFFFF0] =	vst v0  }
0x2b: {  	s26 =	simm.s32 $0x0;
	[tilespmem:s25+$0xFFFFFFE0] =	vst v0  }
.LBB2_2:
0x2c: {  	s26 =	sadd.s32 $0x8, s26;
	[tilespmem:s25+$0xFFFFFFD0] =	vst v0;
	s25 =	sadd.s32 $0x80, s25  }
0x2d: {  	[tilespmem:s25+$0xFFFFFFC0] =	vst v0;
	p0 =	slt.u32 s26, $0xC28  }
0x2e: {  	[tilespmem:s25+$0x30] =	vst v0  }
.Ltmp2:
0x2f: {  	[tilespmem:s25+$0x20] =	vst v0;
	(pc) =	sbr.rel @p0 .LBB2_2-.Ltmp2, $4  }
0x30: {  	[tilespmem:s25+$0x10] =	vst v0  }
0x31: {  	[tilespmem:s25+$0x0] =	vst v0  }
0x32: {  	[tilespmem:s25+$0xFFFFFFF0] =	vst v0  }
0x33: {  	[tilespmem:s25+$0xFFFFFFE0] =	vst v0  }
0x34: {  	[tilespmem:s25+$0xFFFFFFD0] =	vst v0;
	s25 =	simm.s32 $0x0  }
.LBB2_4:
0x35: {  	p0 =	sne.s32 s25, $0x100  }
.Ltmp3:
0x36: {  	_ = 	snop;
	(pc) =	sbr.rel @p0 .LBB2_4-.Ltmp3, $3  }
0x37: {  	_ =	sdelay $0x1  }
0x38: {  	s26 =	sshra.s32 s25, $0x2  }
0x39: {  	s25 =	sadd.s32 $0x40, s25;
	[tilespmem:s26+$0x1A680] =	vst v0  }
0x3a: {  	_ =	swait.ge [sflag:s20], $0xC380  }
0x3b: {  	[sflag:s20] =	ssyncset.done $0x0  }
0x3c: {  	s25 =	simm.s32 $0x0;
	[sflag:s20] =	ssyncadd.s32 $0xFFFF3C80  }
.LBB2_6:
0x3d: {  	_ =	swait.ge [sflag:s4], $0x7D0  }
0x3e: {  	[sflag:s4] =	ssyncset.done $0x0  }
0x3f: {  	[sflag:s4] =	ssyncadd.s32 $0xFFFFF830  }
0x40: {  	_ =	swait.ge [sflag:s4], $0x7D0  }
0x41: {  	[sflag:s4] =	ssyncset.done $0x0  }
0x42: {  	s28 =	simm.s32 $0x40;
	[sflag:s4] =	ssyncadd.s32 $0xFFFFF830  }
0x43: {  	v1 =	vld [tilespmem:s28+$0x30]  }
0x44: {  	v2 =	vld [tilespmem:s28+$0xFFFFFFD0]  }
0x45: {  	v3 =	vld [tilespmem:s28+$0xFFFFFFE0]  }
0x46: {  	v4 =	vld [tilespmem:s28+$0xFFFFFFF0]  }
0x47: {  	v5 =	vld [tilespmem:s28+$0x0]  }
0x48: {  	s26 =	simm.s32 $0x1040;
	v6 =	vld [tilespmem:s28+$0x10]  }
0x49: {  	v7 =	vld [tilespmem:s26+$0x30]  }
0x4a: {  	v8 =	vld [tilespmem:s28+$0x20]  }
0x4b: {  	v9 =	vld [tilespmem:s28+$0xFFFFFFC0]  }
0x4c: {  	v63 =	vld [tilespmem:s26+$0xFFFFFFC0]  }
0x4d: {  	v11 =	vld [tilespmem:s26+$0xFFFFFFD0]  }
0x4e: {  	v12 =	vld [tilespmem:s26+$0xFFFFFFE0]  }
0x4f: {  	v13 =	vld [tilespmem:s26+$0xFFFFFFF0]  }
0x50: {  	v14 =	vld [tilespmem:s26+$0x0]  }
0x51: {  	v15 =	vld [tilespmem:s26+$0x10]  }
0x52: {  	v1 =	vld.idx.msk [tilespmem:v1+s16+$0x0], $0xffff  }
0x53: {  	v10 =	vld.idx.msk [tilespmem:v2+s16+$0x0], $0xffff  }
0x54: {  	v3 =	vld.idx.msk [tilespmem:v3+s16+$0x0], $0xffff  }
0x55: {  	v4 =	vld.idx.msk [tilespmem:v4+s16+$0x0], $0xffff  }
0x56: {  	v5 =	vld.idx.msk [tilespmem:v5+s16+$0x0], $0xffff  }
0x57: {  	v62 =	vld.idx.msk [tilespmem:v9+s16+$0x0], $0xffff  }
0x58: {  	v6 =	vld.idx.msk [tilespmem:v6+s16+$0x0], $0xffff  }
0x59: {  	v2 =	vld [tilespmem:s26+$0x20]  }
0x5a: {  	[tilespmem:v7+s21+$0x0] =	vst.idx.add.f32.msk $0xffff, v1  }
0x5b: {  	v1 =	vld.idx.msk [tilespmem:v8+s16+$0x0], $0xffff  }
0x5c: {  	[tilespmem:v63+s21+$0x0] =	vst.idx.add.f32.msk $0xffff, v62  }
0x5d: {  	[tilespmem:v11+s21+$0x0] =	vst.idx.add.f32.msk $0xffff, v10  }
0x5e: {  	[tilespmem:v12+s21+$0x0] =	vst.idx.add.f32.msk $0xffff, v3  }
0x5f: {  	[tilespmem:v13+s21+$0x0] =	vst.idx.add.f32.msk $0xffff, v4  }
0x60: {  	[tilespmem:v14+s21+$0x0] =	vst.idx.add.f32.msk $0xffff, v5  }
0x61: {  	s29 =	simm.s32 $0xC0;
	s28 =	simm.s32 $0x0;
	[tilespmem:v15+s21+$0x0] =	vst.idx.add.f32.msk $0xffff, v6  }
.LBB2_7:
0x62: {  	v3 =	vld [tilespmem:s29+$0x30];
	s28 =	sadd.s32 $0x8, s28  }
0x63: {  	v4 =	vld [tilespmem:s29+$0xFFFFFFD0];
	p0 =	slt.u32 s28, $0x70  }
0x64: {  	v5 =	vld [tilespmem:s29+$0xFFFFFFE0]  }
0x65: {  	v6 =	vld [tilespmem:s29+$0xFFFFFFF0]  }
0x66: {  	v7 =	vld [tilespmem:s29+$0x0]  }
0x67: {  	s26 =	sadd.s32 $0x80, s26;
	v8 =	vld [tilespmem:s29+$0x10]  }
0x68: {  	v9 =	vld [tilespmem:s26+$0x30]  }
0x69: {  	v10 =	vld [tilespmem:s29+$0x20]  }
0x6a: {  	v3 =	vld.idx.msk [tilespmem:v3+s16+$0x0], $0xffff  }
0x6b: {  	v11 =	vld [tilespmem:s29+$0xFFFFFFC0]  }
0x6c: {  	v4 =	vld.idx.msk [tilespmem:v4+s16+$0x0], $0xffff  }
0x6d: {  	v5 =	vld.idx.msk [tilespmem:v5+s16+$0x0], $0xffff  }
0x6e: {  	v6 =	vld.idx.msk [tilespmem:v6+s16+$0x0], $0xffff  }
0x6f: {  	v7 =	vld.idx.msk [tilespmem:v7+s16+$0x0], $0xffff  }
0x70: {  	s30 =	simm.s32 $0x0;
	[tilespmem:v9+s21+$0x0] =	vst.idx.add.f32.msk $0xffff, v3  }
0x71: {  	v3 =	vld.idx.msk [tilespmem:v8+s16+$0x0], $0xffff  }
0x72: {  	v8 =	vld.idx.msk [tilespmem:v10+s16+$0x0], $0xffff  }
0x73: {  	v9 =	vld.idx.msk [tilespmem:v11+s16+$0x0], $0xffff  }
0x74: {  	v10 =	vld [tilespmem:s26+$0xFFFFFFC0]  }
0x75: {  	v11 =	vld [tilespmem:s26+$0xFFFFFFD0]  }
0x76: {  	v12 =	vld [tilespmem:s26+$0xFFFFFFE0]  }
0x77: {  	v13 =	vld [tilespmem:s26+$0xFFFFFFF0]  }
0x78: {  	v14 =	vld [tilespmem:s26+$0x0]  }
0x79: {  	v15 =	vld [tilespmem:s26+$0x10]  }
0x7a: {  	v16 =	vld [tilespmem:s26+$0x20]  }
0x7b: {  	[tilespmem:v2+s21+$0x0] =	vst.idx.add.f32.msk $0xffff, v1;
	v1 =	vmov v8  }
0x7c: {  	[tilespmem:v10+s21+$0x0] =	vst.idx.add.f32.msk $0xffff, v9  }
.Ltmp4:
0x7d: {  	[tilespmem:v11+s21+$0x0] =	vst.idx.add.f32.msk $0xffff, v4;
	(pc) =	sbr.rel @p0 .LBB2_7-.Ltmp4, $4  }
0x7e: {  	[tilespmem:v12+s21+$0x0] =	vst.idx.add.f32.msk $0xffff, v5  }
0x7f: {  	[tilespmem:v13+s21+$0x0] =	vst.idx.add.f32.msk $0xffff, v6;
	v2 =	vmov v16  }
0x80: {  	[tilespmem:v14+s21+$0x0] =	vst.idx.add.f32.msk $0xffff, v7  }
0x81: {  	s29 =	sadd.s32 $0x80, s29;
	[tilespmem:v15+s21+$0x0] =	vst.idx.add.f32.msk $0xffff, v3  }
0x82: {  	_ =	sdelay $0x3  }
0x83: {  	[tilespmem:v2+s21+$0x0] =	vst.idx.add.f32.msk $0xffff, v1  }
.LBB2_9:
0x84: {  	s26 =	sshra.s32 s30, $0x2  }
0x85: {  	v1 =	vld [tilespmem:s26+$0x780];
	_ =	sdelay $0x4  }
0x86: {  	v2 =	vld [tilespmem:s26+$0x1780];
	_ =	sdelay $0x2  }
0x87: {  	p0 =	sne.s32 s30, $0x100;
	v1 =	vld.idx.msk [tilespmem:v1+s16+$0x0], $0xffff  }
.Ltmp5:
0x88: {  	_ = 	snop;
	(pc) =	sbr.rel @p0 .LBB2_9-.Ltmp5, $2  }
0x89: {  	_ =	sdelay $0x2  }
0x8a: {  	s30 =	sadd.s32 $0x40, s30;
	[tilespmem:v2+s21+$0x0] =	vst.idx.add.f32.msk $0xffff, v1  }
0x8b: {  	p0 =	seq.s32 s25, $0x31  }
0x8c: {  	s26 =	smul.u32 @!p0 $0xFA0, s25;
	_ =	sdelay $0x1  }
0x8d: {  	s26 =	sadd.s32 @!p0 s26, s10  }
0x8e: {  	s28 =	sshrl.u32 @!p0 s26, $0x3;
	s26 =	sadd.s32 @!p0 $0x30D400, s26  }
0x8f: {  	s29 =	simm.s32 @!p0 $0x0;
	s28 =	sadd.s32 @!p0 s3, s28;
	s26 =	sshrl.u32 @!p0 s26, $0x3  }
0x90: {  	[tilespmem:s29], [sflag:$0x1] =	stream.linear.gather @!p0 [hbm4b:s28+s29], $0x7D0, $0x38;
	[tilespmem:$0x1A700] =	vst v63  }
0x91: {  	s26 =	sadd.s32 @!p0 s3, s26;
	s28 =	simm.s32 @!p0 $0x1000  }
0x92: {  	[tilespmem:s28], [sflag:$0x1] =	stream.linear.gather @!p0 [hbm4b:s26+s29], $0x7D0, $0x38;
	[tilespmem:$0x1A700] =	vst v63  }
0x93: {  	_ =	swait.ge [sflag:s22], $0x7D0  }
0x94: {  	[sflag:s22] =	ssyncset.done $0x0  }
0x95: {  	[sflag:s22] =	ssyncadd.s32 $0xFFFFF830  }
0x96: {  	_ =	swait.ge [sflag:s22], $0x7D0  }
0x97: {  	[sflag:s22] =	ssyncset.done $0x0  }
0x98: {  	s28 =	simm.s32 $0x840;
	[sflag:s22] =	ssyncadd.s32 $0xFFFFF830  }
0x99: {  	v1 =	vld [tilespmem:s28+$0x30]  }
0x9a: {  	v2 =	vld [tilespmem:s28+$0xFFFFFFD0]  }
0x9b: {  	v3 =	vld [tilespmem:s28+$0xFFFFFFE0]  }
0x9c: {  	v4 =	vld [tilespmem:s28+$0xFFFFFFF0]  }
0x9d: {  	v5 =	vld [tilespmem:s28+$0x0]  }
0x9e: {  	s26 =	simm.s32 $0x1840;
	v6 =	vld [tilespmem:s28+$0x10]  }
0x9f: {  	v7 =	vld [tilespmem:s26+$0x30]  }
0xa0: {  	v8 =	vld [tilespmem:s28+$0x20]  }
0xa1: {  	v9 =	vld [tilespmem:s28+$0xFFFFFFC0]  }
0xa2: {  	v63 =	vld [tilespmem:s26+$0xFFFFFFC0]  }
0xa3: {  	v11 =	vld [tilespmem:s26+$0xFFFFFFD0]  }
0xa4: {  	v12 =	vld [tilespmem:s26+$0xFFFFFFE0]  }
0xa5: {  	v13 =	vld [tilespmem:s26+$0xFFFFFFF0]  }
0xa6: {  	v14 =	vld [tilespmem:s26+$0x0]  }
0xa7: {  	v15 =	vld [tilespmem:s26+$0x10]  }
0xa8: {  	v1 =	vld.idx.msk [tilespmem:v1+s16+$0x0], $0xffff  }
0xa9: {  	v10 =	vld.idx.msk [tilespmem:v2+s16+$0x0], $0xffff  }
0xaa: {  	v3 =	vld.idx.msk [tilespmem:v3+s16+$0x0], $0xffff  }
0xab: {  	v4 =	vld.idx.msk [tilespmem:v4+s16+$0x0], $0xffff  }
0xac: {  	v5 =	vld.idx.msk [tilespmem:v5+s16+$0x0], $0xffff  }
0xad: {  	v62 =	vld.idx.msk [tilespmem:v9+s16+$0x0], $0xffff  }
0xae: {  	v6 =	vld.idx.msk [tilespmem:v6+s16+$0x0], $0xffff  }
0xaf: {  	v2 =	vld [tilespmem:s26+$0x20]  }
0xb0: {  	[tilespmem:v7+s21+$0x0] =	vst.idx.add.f32.msk $0xffff, v1  }
0xb1: {  	v1 =	vld.idx.msk [tilespmem:v8+s16+$0x0], $0xffff  }
0xb2: {  	[tilespmem:v63+s21+$0x0] =	vst.idx.add.f32.msk $0xffff, v62  }
0xb3: {  	[tilespmem:v11+s21+$0x0] =	vst.idx.add.f32.msk $0xffff, v10  }
0xb4: {  	[tilespmem:v12+s21+$0x0] =	vst.idx.add.f32.msk $0xffff, v3  }
0xb5: {  	[tilespmem:v13+s21+$0x0] =	vst.idx.add.f32.msk $0xffff, v4  }
0xb6: {  	[tilespmem:v14+s21+$0x0] =	vst.idx.add.f32.msk $0xffff, v5  }
0xb7: {  	s29 =	simm.s32 $0x8C0;
	s28 =	simm.s32 $0x0;
	[tilespmem:v15+s21+$0x0] =	vst.idx.add.f32.msk $0xffff, v6  }
.LBB2_11:
0xb8: {  	v3 =	vld [tilespmem:s29+$0x30];
	s28 =	sadd.s32 $0x8, s28  }
0xb9: {  	v4 =	vld [tilespmem:s29+$0xFFFFFFD0];
	p1 =	slt.u32 s28, $0x70  }
0xba: {  	v5 =	vld [tilespmem:s29+$0xFFFFFFE0]  }
0xbb: {  	v6 =	vld [tilespmem:s29+$0xFFFFFFF0]  }
0xbc: {  	v7 =	vld [tilespmem:s29+$0x0]  }
0xbd: {  	s26 =	sadd.s32 $0x80, s26;
	v8 =	vld [tilespmem:s29+$0x10]  }
0xbe: {  	v9 =	vld [tilespmem:s26+$0x30]  }
0xbf: {  	v10 =	vld [tilespmem:s29+$0x20]  }
0xc0: {  	v3 =	vld.idx.msk [tilespmem:v3+s16+$0x0], $0xffff  }
0xc1: {  	v11 =	vld [tilespmem:s29+$0xFFFFFFC0]  }
0xc2: {  	v4 =	vld.idx.msk [tilespmem:v4+s16+$0x0], $0xffff  }
0xc3: {  	v5 =	vld.idx.msk [tilespmem:v5+s16+$0x0], $0xffff  }
0xc4: {  	v6 =	vld.idx.msk [tilespmem:v6+s16+$0x0], $0xffff  }
0xc5: {  	v7 =	vld.idx.msk [tilespmem:v7+s16+$0x0], $0xffff  }
0xc6: {  	s30 =	simm.s32 $0x0;
	[tilespmem:v9+s21+$0x0] =	vst.idx.add.f32.msk $0xffff, v3  }
0xc7: {  	v3 =	vld.idx.msk [tilespmem:v8+s16+$0x0], $0xffff  }
0xc8: {  	v8 =	vld.idx.msk [tilespmem:v10+s16+$0x0], $0xffff  }
0xc9: {  	v9 =	vld.idx.msk [tilespmem:v11+s16+$0x0], $0xffff  }
0xca: {  	v10 =	vld [tilespmem:s26+$0xFFFFFFC0]  }
0xcb: {  	v11 =	vld [tilespmem:s26+$0xFFFFFFD0]  }
0xcc: {  	v12 =	vld [tilespmem:s26+$0xFFFFFFE0]  }
0xcd: {  	v13 =	vld [tilespmem:s26+$0xFFFFFFF0]  }
0xce: {  	v14 =	vld [tilespmem:s26+$0x0]  }
0xcf: {  	v15 =	vld [tilespmem:s26+$0x10]  }
0xd0: {  	v16 =	vld [tilespmem:s26+$0x20]  }
0xd1: {  	[tilespmem:v2+s21+$0x0] =	vst.idx.add.f32.msk $0xffff, v1;
	v1 =	vmov v8  }
0xd2: {  	[tilespmem:v10+s21+$0x0] =	vst.idx.add.f32.msk $0xffff, v9  }
.Ltmp6:
0xd3: {  	[tilespmem:v11+s21+$0x0] =	vst.idx.add.f32.msk $0xffff, v4;
	(pc) =	sbr.rel @p1 .LBB2_11-.Ltmp6, $4  }
0xd4: {  	[tilespmem:v12+s21+$0x0] =	vst.idx.add.f32.msk $0xffff, v5  }
0xd5: {  	[tilespmem:v13+s21+$0x0] =	vst.idx.add.f32.msk $0xffff, v6;
	v2 =	vmov v16  }
0xd6: {  	[tilespmem:v14+s21+$0x0] =	vst.idx.add.f32.msk $0xffff, v7  }
0xd7: {  	s29 =	sadd.s32 $0x80, s29;
	[tilespmem:v15+s21+$0x0] =	vst.idx.add.f32.msk $0xffff, v3  }
0xd8: {  	_ =	sdelay $0x3  }
0xd9: {  	[tilespmem:v2+s21+$0x0] =	vst.idx.add.f32.msk $0xffff, v1  }
.LBB2_13:
0xda: {  	s26 =	sshra.s32 s30, $0x2  }
0xdb: {  	v1 =	vld [tilespmem:s26+$0xF80];
	_ =	sdelay $0x4  }
0xdc: {  	v2 =	vld [tilespmem:s26+$0x1F80];
	_ =	sdelay $0x2  }
0xdd: {  	p1 =	sne.s32 s30, $0x100;
	v1 =	vld.idx.msk [tilespmem:v1+s16+$0x0], $0xffff  }
.Ltmp7:
0xde: {  	_ = 	snop;
	(pc) =	sbr.rel @p1 .LBB2_13-.Ltmp7, $2  }
0xdf: {  	_ =	sdelay $0x2  }
0xe0: {  	s30 =	sadd.s32 $0x40, s30;
	[tilespmem:v2+s21+$0x0] =	vst.idx.add.f32.msk $0xffff, v1  }
.Ltmp8:
0xe1: {  	(pc) =	sbr.rel @p0 .LBB2_16-.Ltmp8, $1  }
0xe2: {  	_ =	sdelay $0x3  }
0xe3: {  	s26 =	smul.u32 $0xFA0, s25;
	_ =	sdelay $0x1  }
0xe4: {  	s26 =	sadd.s32 s26, s11  }
.Ltmp9:
0xe5: {  	s28 =	sshrl.u32 s26, $0x3;
	s26 =	sadd.s32 $0x30D400, s26;
	(pc) =	sbr.rel .LBB2_6-.Ltmp9, $4  }
0xe6: {  	s28 =	sadd.s32 s3, s28;
	s26 =	sshrl.u32 s26, $0x3  }
0xe7: {  	[tilespmem:s18], [sflag:$0x2] =	stream.linear.gather [hbm4b:s28+s2], $0x7D0, $0x38;
	[tilespmem:$0x1A700] =	vst v63  }
0xe8: {  	s25 =	sadd.s32 $0x1, s25;
	s26 =	sadd.s32 s3, s26  }
0xe9: {  	[tilespmem:s19], [sflag:$0x2] =	stream.linear.gather [hbm4b:s26+s2], $0x7D0, $0x38;
	[tilespmem:$0x1A700] =	vst v63  }
.LBB2_17:
0xea: {  	_ =	sfence.sel $0x180000  }
0xeb: {  	[bflag:$0x0] =	sbarrier.arrive $0xFFFF  }
0xec: {  	p0 =	sne.s32 s0, $0x0;
	_ =	strace $0x90000050  }
0xed: {  	s0 =	sadd.s32 @!p0 $0x100000, s1;
	[bflag:$0x2] =	sbarrier.arrive $0xFFFF  }
0xee: {  	[sflag:s0] =	ssyncadd.tile.s32 @!p0 $0x1;
	_ =	shalt  }
.Lfunc_end2:
_tile_overlayer_lowered:
.L_overlay_start_2:
0xef: {  	(tag) =	ssettag $0x2  }
0xf0: {  	s0 =	rddreg [dreg:$0x0];
	s2 =	stileid.u32  }
0xf1: {  	s1 =	rddreg [dreg:$0x1];
	p0 =	sne.s32 s2, $0x0  }
0xf2: {  	s3 =	rddreg [dreg:$0x2];
	[bflag:$0x3] =	sbarrier.arrive $0xFFFF;
	s2 =	simm.s32 @!p0 $0x1C04  }
0xf3: {  	[timem:s3], [sflag:s2] =	dma.local @!p0 [hbm:s0], s1  }
0xf4: {  	s0 =	simm.s32 @!p0 $0x4  }
0xf5: {  	_ =	swait.ge @!p0 [sflag:s0], s1  }
0xf6: {  	s1 =	ssub.s32 @!p0 $0x0, s1;
	[sflag:s0] =	ssyncset.done @!p0 $0x0  }
0xf7: {  	[sflag:s0] =	ssyncadd.s32 @!p0 s1  }
0xf8: {  	[bflag:$0x3] =	sbarrier.arrive $0xFFFF  }
0xf9: {  	_ =	shalt  }

</sc_bundles>
